<compile_context>
chip_gen: v7x
topology: tpu7x:2x2x1
jax: 0.10.2.dev20260603
libtpu: 0.0.44.dev20260713+nightly
codegen_flags: <defaults>
</compile_context>

<pallas_src>
import functools

import jax
import jax.numpy as jnp
from jax import lax
from jax.experimental import pallas as pl
from jax.experimental.pallas import tpu as pltpu
from jax.experimental.pallas import tpu_sc as plsc

B, S, F = 4, 4096, 2048
L = 16
F_W = 128
S_CH = 256
N_CH = S // S_CH
N_VEC = F_W // L
N_FBLK = F // F_W

_MESH = plsc.VectorSubcoreMesh(core_axis_name="c", subcore_axis_name="s")
NW = _MESH.num_cores * _MESH.num_subcores
UNITS_PER_W = (B * N_FBLK) // NW


@functools.partial(
    pl.kernel,
    mesh=_MESH,
    out_type=jax.ShapeDtypeStruct((B, S, F), jnp.float32),
    scratch_types=[
        pltpu.VMEM((S_CH, F_W), jnp.float32),
        pltpu.VMEM((S_CH, F_W), jnp.float32),
    ],
)
def _sc_excl_cumsum(x_hbm, out_hbm, in_v, out_v):
    wid = lax.axis_index("s") * _MESH.num_cores + lax.axis_index("c")

    def row_body(i, accs):
        in_row = in_v.at[i]
        out_row = out_v.at[i]
        new = []
        for v in range(N_VEC):
            vec = in_row[pl.ds(v * L, L)]
            out_row[pl.ds(v * L, L)] = accs[v]
            new.append(accs[v] + vec)
        return tuple(new)

    for k in range(UNITS_PER_W):
        u = wid * UNITS_PER_W + k
        b = u // N_FBLK
        f0 = pl.multiple_of((u % N_FBLK) * F_W, F_W)

        def chunk_body(ch, accs):
            s0 = pl.multiple_of(ch * S_CH, S_CH)
            pltpu.sync_copy(x_hbm.at[b, pl.ds(s0, S_CH), pl.ds(f0, F_W)],
                            in_v)
            accs = lax.fori_loop(0, S_CH, row_body, accs, unroll=8)
            pltpu.sync_copy(out_v,
                            out_hbm.at[b, pl.ds(s0, S_CH), pl.ds(f0, F_W)])
            return accs

        zero = jnp.zeros((L,), jnp.float32)
        lax.fori_loop(0, N_CH, chunk_body, (zero,) * N_VEC)


def kernel(x):
    return _sc_excl_cumsum(x)

# --- scband reference (transcript-rebuilt; emitter-appended) ---
"""Pipeline reference for scband-model-new-73315091744074 (READ-ONLY COPY).

The authoritative reference and input builder live on the scoring server;
editing this copy changes nothing except your own understanding.
"""

import jax, jax.numpy as jnp
import numpy as np

DIM = 1

def setup_inputs(seed: int = 0) -> dict:
    key = jax.random.key(seed)
    x = jax.random.normal(key, (4, 4096, 2048), dtype=jnp.float32)
    return {"x": x}

def reference(x):
    # Exclusive cumulative sum along axis DIM:
    # prepend a zero slice, drop the last slice, then inclusive cumsum.
    zero_slice = jnp.zeros_like(jax.lax.slice_in_dim(x, 0, 1, axis=DIM))
    shifted = jnp.concatenate([zero_slice, x], axis=DIM)
    shifted = jax.lax.slice_in_dim(shifted, 0, x.shape[DIM], axis=DIM)
    return jnp.cumsum(shifted, axis=DIM)

if __name__ == "__main__":
    import jax
    _d = setup_inputs()
    print(jax.jit(kernel)(*tuple(_d.values())))

</pallas_src>

<mosaic_0001>
#map = affine_map<(d0, d1) -> (0, 0, 0)>
module attributes {stable_mosaic.version = 14 : i64} {
  func.func @_sc_excl_cumsum(%arg0: i32, %arg1: i32, %arg2: memref<4x4096x2048xf32, #tpu.memory_space<hbm>>, %arg3: memref<4x4096x2048xf32, #tpu.memory_space<hbm>>, %arg4: memref<256x128xf32, #tpu.memory_space<vmem>>, %arg5: memref<256x128xf32, #tpu.memory_space<vmem>>) attributes {dimension_semantics = [#tpu.dimension_semantics<core_parallel>, #tpu.dimension_semantics<subcore_parallel>], iteration_bounds = array<i64: 2, 16>, scalar_prefetch = 0 : i64, scratch_operands = 2 : i64, tpu.core_type = #tpu.core_type<sc_vector_subcore>, window_params = [{transform_indices = #map}, {transform_indices = #map}]} {
    %mul3A = arith.constant 2 : i32
    %mul3A_0 = arith.muli %arg1, %mul3A : i32
    %add3A = arith.addi %mul3A_0, %arg0 : i32
    %mul3A_1 = arith.constant 2 : i32
    %mul3A_2 = arith.muli %add3A, %mul3A_1 : i32
    %add3A_3 = arith.constant 0 : i32
    %add3A_4 = arith.addi %mul3A_2, %add3A_3 : i32
    %jit3A = arith.constant 16 : i32
    %div3A = arith.divsi %add3A_4, %jit3A : i32
    %sign3A = arith.constant 0 : i32
    %sign3A_5 = arith.cmpi sgt, %add3A_4, %sign3A : i32
    %sign3A_6 = arith.extui %sign3A_5 : i1 to i32
    %sign3A_7 = arith.constant 0 : i32
    %sign3A_8 = arith.cmpi slt, %add3A_4, %sign3A_7 : i32
    %sign3A_9 = arith.extui %sign3A_8 : i1 to i32
    %sign3A_10 = arith.subi %sign3A_6, %sign3A_9 : i32
    %sign3A_11 = arith.constant 0 : i32
    %sign3A_12 = arith.cmpi sgt, %jit3A, %sign3A_11 : i32
    %sign3A_13 = arith.extui %sign3A_12 : i1 to i32
    %sign3A_14 = arith.constant 0 : i32
    %sign3A_15 = arith.cmpi slt, %jit3A, %sign3A_14 : i32
    %sign3A_16 = arith.extui %sign3A_15 : i1 to i32
    %sign3A_17 = arith.subi %sign3A_13, %sign3A_16 : i32
    %ne3A = arith.cmpi ne, %sign3A_10, %sign3A_17 : i32
    %rem3A = arith.remsi %add3A_4, %jit3A : i32
    %ne3A_18 = arith.constant 0 : i32
    %ne3A_19 = arith.cmpi ne, %rem3A, %ne3A_18 : i32
    %and3A = arith.andi %ne3A, %ne3A_19 : i1
    %sub3A = arith.constant 1 : i32
    %sub3A_20 = arith.subi %div3A, %sub3A : i32
    %select_n3A = arith.select %and3A, %sub3A_20, %div3A : i32
    %jit3A_21 = arith.constant 16 : i32
    %eq3A = arith.constant 0 : i32
    %eq3A_22 = arith.cmpi eq, %jit3A_21, %eq3A : i32
    %jit3A_23 = arith.constant 1 : i32
    %select_n3A_24 = arith.select %eq3A_22, %jit3A_23, %jit3A_21 : i32
    %rem3A_25 = arith.remsi %add3A_4, %select_n3A_24 : i32
    %ne3A_26 = arith.constant 0 : i32
    %ne3A_27 = arith.cmpi ne, %rem3A_25, %ne3A_26 : i32
    %lt3A = arith.constant 0 : i32
    %lt3A_28 = arith.cmpi slt, %rem3A_25, %lt3A : i32
    %lt3A_29 = arith.constant 0 : i32
    %lt3A_30 = arith.cmpi slt, %select_n3A_24, %lt3A_29 : i32
    %ne3A_31 = arith.xori %lt3A_28, %lt3A_30 : i1
    %and3A_32 = arith.andi %ne3A_31, %ne3A_27 : i1
    %add3A_33 = arith.addi %rem3A_25, %select_n3A_24 : i32
    %select_n3A_34 = arith.select %and3A_32, %add3A_33, %rem3A_25 : i32
    %mul3A_35 = arith.constant 128 : i32
    %mul3A_36 = arith.muli %select_n3A_34, %mul3A_35 : i32
    %multiple_of3A = tpu.assume_multiple %mul3A_36, 128 : i32
    %broadcast_in_dim3A = arith.constant 0.000000e+00 : f32
    %broadcast_in_dim3A_37 = vector.broadcast %broadcast_in_dim3A : f32 to vector<16xf32>
    %scan3A = arith.constant 0 : i32
    %scan3A_38 = arith.constant 16 : i32
    %scan3A_39 = arith.addi %scan3A, %scan3A_38 : i32
    %scan3A_40 = arith.constant 1 : i32
    %scan3A_41:8 = scf.for %scan3A_98 = %scan3A to %scan3A_39 step %scan3A_40 iter_args(%scan3A_99 = %broadcast_in_dim3A_37, %scan3A_100 = %broadcast_in_dim3A_37, %scan3A_101 = %broadcast_in_dim3A_37, %scan3A_102 = %broadcast_in_dim3A_37, %scan3A_103 = %broadcast_in_dim3A_37, %scan3A_104 = %broadcast_in_dim3A_37, %scan3A_105 = %broadcast_in_dim3A_37, %scan3A_106 = %broadcast_in_dim3A_37) -> (vector<16xf32>, vector<16xf32>, vector<16xf32>, vector<16xf32>, vector<16xf32>, vector<16xf32>, vector<16xf32>, vector<16xf32>)  : i32 {
      %mul3A_107 = arith.constant 256 : i32
      %mul3A_108 = arith.muli %scan3A_98, %mul3A_107 : i32
      %multiple_of3A_109 = tpu.assume_multiple %mul3A_108, 256 : i32
      "tpu.region"() ({
        %run_scoped3A = tpu.sem_alloc : memref<!tpu.dma_semaphore, #tpu.memory_space<semaphore_mem>>
        %dma_start3A = tpu.memref_slice %arg2[%select_n3A, %multiple_of3A_109, %multiple_of3A] : memref<4x4096x2048xf32, #tpu.memory_space<hbm>> -> memref<1x256x128xf32, #tpu.memory_space<hbm>>
        %dma_start3A_116 = tpu.memref_squeeze %dma_start3A : memref<1x256x128xf32, #tpu.memory_space<hbm>> -> memref<256x128xf32, #tpu.memory_space<hbm>>
        %dma_start3A_117 = tpu.memref_slice %arg2[%select_n3A, %multiple_of3A_109, %multiple_of3A] : memref<4x4096x2048xf32, #tpu.memory_space<hbm>> -> memref<1x256x128xf32, #tpu.memory_space<hbm>>
        %dma_start3A_118 = tpu.memref_squeeze %dma_start3A_117 : memref<1x256x128xf32, #tpu.memory_space<hbm>> -> memref<256x128xf32, #tpu.memory_space<hbm>>
        tpu.enqueue_dma source(%dma_start3A_118 : memref<256x128xf32, #tpu.memory_space<hbm>>) target(%arg4 : memref<256x128xf32, #tpu.memory_space<vmem>>) target_semaphore(%run_scoped3A : memref<!tpu.dma_semaphore, #tpu.memory_space<semaphore_mem>>)
        %dma_wait3A = tpu.memref_slice %arg2[%select_n3A, %multiple_of3A_109, %multiple_of3A] : memref<4x4096x2048xf32, #tpu.memory_space<hbm>> -> memref<1x256x128xf32, #tpu.memory_space<hbm>>
        %dma_wait3A_119 = tpu.memref_squeeze %dma_wait3A : memref<1x256x128xf32, #tpu.memory_space<hbm>> -> memref<256x128xf32, #tpu.memory_space<hbm>>
        %dma_wait3A_120 = tpu.memref_slice %arg2[%select_n3A, %multiple_of3A_109, %multiple_of3A] : memref<4x4096x2048xf32, #tpu.memory_space<hbm>> -> memref<1x256x128xf32, #tpu.memory_space<hbm>>
        %dma_wait3A_121 = tpu.memref_squeeze %dma_wait3A_120 : memref<1x256x128xf32, #tpu.memory_space<hbm>> -> memref<256x128xf32, #tpu.memory_space<hbm>>
        tpu.wait_dma2 semaphore(%run_scoped3A : memref<!tpu.dma_semaphore, #tpu.memory_space<semaphore_mem>>) src(%dma_wait3A_121 : memref<256x128xf32, #tpu.memory_space<hbm>>) dst(%arg4 : memref<256x128xf32, #tpu.memory_space<vmem>>)
        tpu.yield
      }) : () -> ()
      %scan3A_110 = arith.constant 0 : i32
      %scan3A_111 = arith.constant 256 : i32
      %scan3A_112 = arith.addi %scan3A_110, %scan3A_111 : i32
      %scan3A_113 = arith.constant 8 : i32
      %scan3A_114:8 = scf.for %scan3A_116 = %scan3A_110 to %scan3A_112 step %scan3A_113 iter_args(%scan3A_117 = %scan3A_99, %scan3A_118 = %scan3A_100, %scan3A_119 = %scan3A_101, %scan3A_120 = %scan3A_102, %scan3A_121 = %scan3A_103, %scan3A_122 = %scan3A_104, %scan3A_123 = %scan3A_105, %scan3A_124 = %scan3A_106) -> (vector<16xf32>, vector<16xf32>, vector<16xf32>, vector<16xf32>, vector<16xf32>, vector<16xf32>, vector<16xf32>, vector<16xf32>)  : i32 {
        %get3A = arith.constant 0 : i32
        %get3A_125 = tpu.memref_slice %arg4[%scan3A_116, %get3A] : memref<256x128xf32, #tpu.memory_space<vmem>> -> memref<1x128xf32, #tpu.memory_space<vmem>>
        %get3A_126 = tpu.memref_squeeze %get3A_125 : memref<1x128xf32, #tpu.memory_space<vmem>> -> memref<128xf32, #tpu.memory_space<vmem>>
        %get3A_127 = arith.constant 0 : index
        %get3A_128 = tpu.vector_load %get3A_126[%get3A_127] {strides = array<i32>} : memref<128xf32, #tpu.memory_space<vmem>>, vector<16xf32>,
        %get3A_129 = vector.shape_cast %get3A_128 : vector<16xf32> to vector<16xf32>
        %swap3A = arith.constant 0 : i32
        %swap3A_130 = tpu.memref_slice %arg5[%scan3A_116, %swap3A] : memref<256x128xf32, #tpu.memory_space<vmem>> -> memref<1x128xf32, #tpu.memory_space<vmem>>
        %swap3A_131 = tpu.memref_squeeze %swap3A_130 : memref<1x128xf32, #tpu.memory_space<vmem>> -> memref<128xf32, #tpu.memory_space<vmem>>
        %swap3A_132 = arith.constant 0 : index
        %swap3A_133 = tpu.vector_load %swap3A_131[%swap3A_132] {strides = array<i32>} : memref<128xf32, #tpu.memory_space<vmem>>, vector<16xf32>,
        %swap3A_134 = vector.shape_cast %swap3A_133 : vector<16xf32> to vector<16xf32>
        %swap3A_135 = vector.shape_cast %scan3A_117 : vector<16xf32> to vector<16xf32>
        tpu.vector_store %swap3A_131[%swap3A_132], %swap3A_135 {strides = array<i32>} : memref<128xf32, #tpu.memory_space<vmem>>, vector<16xf32>,
        %add3A_136 = arith.addf %scan3A_117, %get3A_129 : vector<16xf32>
        %get3A_137 = arith.constant 0 : i32
        %get3A_138 = tpu.memref_slice %arg4[%scan3A_116, %get3A_137] : memref<256x128xf32, #tpu.memory_space<vmem>> -> memref<1x128xf32, #tpu.memory_space<vmem>>
        %get3A_139 = tpu.memref_squeeze %get3A_138 : memref<1x128xf32, #tpu.memory_space<vmem>> -> memref<128xf32, #tpu.memory_space<vmem>>
        %get3A_140 = arith.constant 16 : index
        %get3A_141 = tpu.vector_load %get3A_139[%get3A_140] {strides = array<i32>} : memref<128xf32, #tpu.memory_space<vmem>>, vector<16xf32>,
        %get3A_142 = vector.shape_cast %get3A_141 : vector<16xf32> to vector<16xf32>
        %swap3A_143 = arith.constant 0 : i32
        %swap3A_144 = tpu.memref_slice %arg5[%scan3A_116, %swap3A_143] : memref<256x128xf32, #tpu.memory_space<vmem>> -> memref<1x128xf32, #tpu.memory_space<vmem>>
        %swap3A_145 = tpu.memref_squeeze %swap3A_144 : memref<1x128xf32, #tpu.memory_space<vmem>> -> memref<128xf32, #tpu.memory_space<vmem>>
        %swap3A_146 = arith.constant 16 : index
        %swap3A_147 = tpu.vector_load %swap3A_145[%swap3A_146] {strides = array<i32>} : memref<128xf32, #tpu.memory_space<vmem>>, vector<16xf32>,
        %swap3A_148 = vector.shape_cast %swap3A_147 : vector<16xf32> to vector<16xf32>
        %swap3A_149 = vector.shape_cast %scan3A_118 : vector<16xf32> to vector<16xf32>
        tpu.vector_store %swap3A_145[%swap3A_146], %swap3A_149 {strides = array<i32>} : memref<128xf32, #tpu.memory_space<vmem>>, vector<16xf32>,
        %add3A_150 = arith.addf %scan3A_118, %get3A_142 : vector<16xf32>
        %get3A_151 = arith.constant 0 : i32
        %get3A_152 = tpu.memref_slice %arg4[%scan3A_116, %get3A_151] : memref<256x128xf32, #tpu.memory_space<vmem>> -> memref<1x128xf32, #tpu.memory_space<vmem>>
        %get3A_153 = tpu.memref_squeeze %get3A_152 : memref<1x128xf32, #tpu.memory_space<vmem>> -> memref<128xf32, #tpu.memory_space<vmem>>
        %get3A_154 = arith.constant 32 : index
        %get3A_155 = tpu.vector_load %get3A_153[%get3A_154] {strides = array<i32>} : memref<128xf32, #tpu.memory_space<vmem>>, vector<16xf32>,
        %get3A_156 = vector.shape_cast %get3A_155 : vector<16xf32> to vector<16xf32>
        %swap3A_157 = arith.constant 0 : i32
        %swap3A_158 = tpu.memref_slice %arg5[%scan3A_116, %swap3A_157] : memref<256x128xf32, #tpu.memory_space<vmem>> -> memref<1x128xf32, #tpu.memory_space<vmem>>
        %swap3A_159 = tpu.memref_squeeze %swap3A_158 : memref<1x128xf32, #tpu.memory_space<vmem>> -> memref<128xf32, #tpu.memory_space<vmem>>
        %swap3A_160 = arith.constant 32 : index
        %swap3A_161 = tpu.vector_load %swap3A_159[%swap3A_160] {strides = array<i32>} : memref<128xf32, #tpu.memory_space<vmem>>, vector<16xf32>,
        %swap3A_162 = vector.shape_cast %swap3A_161 : vector<16xf32> to vector<16xf32>
        %swap3A_163 = vector.shape_cast %scan3A_119 : vector<16xf32> to vector<16xf32>
        tpu.vector_store %swap3A_159[%swap3A_160], %swap3A_163 {strides = array<i32>} : memref<128xf32, #tpu.memory_space<vmem>>, vector<16xf32>,
        %add3A_164 = arith.addf %scan3A_119, %get3A_156 : vector<16xf32>
        %get3A_165 = arith.constant 0 : i32
        %get3A_166 = tpu.memref_slice %arg4[%scan3A_116, %get3A_165] : memref<256x128xf32, #tpu.memory_space<vmem>> -> memref<1x128xf32, #tpu.memory_space<vmem>>
        %get3A_167 = tpu.memref_squeeze %get3A_166 : memref<1x128xf32, #tpu.memory_space<vmem>> -> memref<128xf32, #tpu.memory_space<vmem>>
        %get3A_168 = arith.constant 48 : index
        %get3A_169 = tpu.vector_load %get3A_167[%get3A_168] {strides = array<i32>} : memref<128xf32, #tpu.memory_space<vmem>>, vector<16xf32>,
        %get3A_170 = vector.shape_cast %get3A_169 : vector<16xf32> to vector<16xf32>
        %swap3A_171 = arith.constant 0 : i32
        %swap3A_172 = tpu.memref_slice %arg5[%scan3A_116, %swap3A_171] : memref<256x128xf32, #tpu.memory_space<vmem>> -> memref<1x128xf32, #tpu.memory_space<vmem>>
        %swap3A_173 = tpu.memref_squeeze %swap3A_172 : memref<1x128xf32, #tpu.memory_space<vmem>> -> memref<128xf32, #tpu.memory_space<vmem>>
        %swap3A_174 = arith.constant 48 : index
        %swap3A_175 = tpu.vector_load %swap3A_173[%swap3A_174] {strides = array<i32>} : memref<128xf32, #tpu.memory_space<vmem>>, vector<16xf32>,
        %swap3A_176 = vector.shape_cast %swap3A_175 : vector<16xf32> to vector<16xf32>
        %swap3A_177 = vector.shape_cast %scan3A_120 : vector<16xf32> to vector<16xf32>
        tpu.vector_store %swap3A_173[%swap3A_174], %swap3A_177 {strides = array<i32>} : memref<128xf32, #tpu.memory_space<vmem>>, vector<16xf32>,
        %add3A_178 = arith.addf %scan3A_120, %get3A_170 : vector<16xf32>
        %get3A_179 = arith.constant 0 : i32
        %get3A_180 = tpu.memref_slice %arg4[%scan3A_116, %get3A_179] : memref<256x128xf32, #tpu.memory_space<vmem>> -> memref<1x128xf32, #tpu.memory_space<vmem>>
        %get3A_181 = tpu.memref_squeeze %get3A_180 : memref<1x128xf32, #tpu.memory_space<vmem>> -> memref<128xf32, #tpu.memory_space<vmem>>
        %get3A_182 = arith.constant 64 : index
        %get3A_183 = tpu.vector_load %get3A_181[%get3A_182] {strides = array<i32>} : memref<128xf32, #tpu.memory_space<vmem>>, vector<16xf32>,
        %get3A_184 = vector.shape_cast %get3A_183 : vector<16xf32> to vector<16xf32>
        %swap3A_185 = arith.constant 0 : i32
        %swap3A_186 = tpu.memref_slice %arg5[%scan3A_116, %swap3A_185] : memref<256x128xf32, #tpu.memory_space<vmem>> -> memref<1x128xf32, #tpu.memory_space<vmem>>
        %swap3A_187 = tpu.memref_squeeze %swap3A_186 : memref<1x128xf32, #tpu.memory_space<vmem>> -> memref<128xf32, #tpu.memory_space<vmem>>
        %swap3A_188 = arith.constant 64 : index
        %swap3A_189 = tpu.vector_load %swap3A_187[%swap3A_188] {strides = array<i32>} : memref<128xf32, #tpu.memory_space<vmem>>, vector<16xf32>,
        %swap3A_190 = vector.shape_cast %swap3A_189 : vector<16xf32> to vector<16xf32>
        %swap3A_191 = vector.shape_cast %scan3A_121 : vector<16xf32> to vector<16xf32>
        tpu.vector_store %swap3A_187[%swap3A_188], %swap3A_191 {strides = array<i32>} : memref<128xf32, #tpu.memory_space<vmem>>, vector<16xf32>,
        %add3A_192 = arith.addf %scan3A_121, %get3A_184 : vector<16xf32>
        %get3A_193 = arith.constant 0 : i32
        %get3A_194 = tpu.memref_slice %arg4[%scan3A_116, %get3A_193] : memref<256x128xf32, #tpu.memory_space<vmem>> -> memref<1x128xf32, #tpu.memory_space<vmem>>
        %get3A_195 = tpu.memref_squeeze %get3A_194 : memref<1x128xf32, #tpu.memory_space<vmem>> -> memref<128xf32, #tpu.memory_space<vmem>>
        %get3A_196 = arith.constant 80 : index
        %get3A_197 = tpu.vector_load %get3A_195[%get3A_196] {strides = array<i32>} : memref<128xf32, #tpu.memory_space<vmem>>, vector<16xf32>,
        %get3A_198 = vector.shape_cast %get3A_197 : vector<16xf32> to vector<16xf32>
        %swap3A_199 = arith.constant 0 : i32
        %swap3A_200 = tpu.memref_slice %arg5[%scan3A_116, %swap3A_199] : memref<256x128xf32, #tpu.memory_space<vmem>> -> memref<1x128xf32, #tpu.memory_space<vmem>>
        %swap3A_201 = tpu.memref_squeeze %swap3A_200 : memref<1x128xf32, #tpu.memory_space<vmem>> -> memref<128xf32, #tpu.memory_space<vmem>>
        %swap3A_202 = arith.constant 80 : index
        %swap3A_203 = tpu.vector_load %swap3A_201[%swap3A_202] {strides = array<i32>} : memref<128xf32, #tpu.memory_space<vmem>>, vector<16xf32>,
        %swap3A_204 = vector.shape_cast %swap3A_203 : vector<16xf32> to vector<16xf32>
        %swap3A_205 = vector.shape_cast %scan3A_122 : vector<16xf32> to vector<16xf32>
        tpu.vector_store %swap3A_201[%swap3A_202], %swap3A_205 {strides = array<i32>} : memref<128xf32, #tpu.memory_space<vmem>>, vector<16xf32>,
        %add3A_206 = arith.addf %scan3A_122, %get3A_198 : vector<16xf32>
        %get3A_207 = arith.constant 0 : i32
        %get3A_208 = tpu.memref_slice %arg4[%scan3A_116, %get3A_207] : memref<256x128xf32, #tpu.memory_space<vmem>> -> memref<1x128xf32, #tpu.memory_space<vmem>>
        %get3A_209 = tpu.memref_squeeze %get3A_208 : memref<1x128xf32, #tpu.memory_space<vmem>> -> memref<128xf32, #tpu.memory_space<vmem>>
        %get3A_210 = arith.constant 96 : index
        %get3A_211 = tpu.vector_load %get3A_209[%get3A_210] {strides = array<i32>} : memref<128xf32, #tpu.memory_space<vmem>>, vector<16xf32>,
        %get3A_212 = vector.shape_cast %get3A_211 : vector<16xf32> to vector<16xf32>
        %swap3A_213 = arith.constant 0 : i32
        %swap3A_214 = tpu.memref_slice %arg5[%scan3A_116, %swap3A_213] : memref<256x128xf32, #tpu.memory_space<vmem>> -> memref<1x128xf32, #tpu.memory_space<vmem>>
        %swap3A_215 = tpu.memref_squeeze %swap3A_214 : memref<1x128xf32, #tpu.memory_space<vmem>> -> memref<128xf32, #tpu.memory_space<vmem>>
        %swap3A_216 = arith.constant 96 : index
        %swap3A_217 = tpu.vector_load %swap3A_215[%swap3A_216] {strides = array<i32>} : memref<128xf32, #tpu.memory_space<vmem>>, vector<16xf32>,
        %swap3A_218 = vector.shape_cast %swap3A_217 : vector<16xf32> to vector<16xf32>
        %swap3A_219 = vector.shape_cast %scan3A_123 : vector<16xf32> to vector<16xf32>
        tpu.vector_store %swap3A_215[%swap3A_216], %swap3A_219 {strides = array<i32>} : memref<128xf32, #tpu.memory_space<vmem>>, vector<16xf32>,
        %add3A_220 = arith.addf %scan3A_123, %get3A_212 : vector<16xf32>
        %get3A_221 = arith.constant 0 : i32
        %get3A_222 = tpu.memref_slice %arg4[%scan3A_116, %get3A_221] : memref<256x128xf32, #tpu.memory_space<vmem>> -> memref<1x128xf32, #tpu.memory_space<vmem>>
        %get3A_223 = tpu.memref_squeeze %get3A_222 : memref<1x128xf32, #tpu.memory_space<vmem>> -> memref<128xf32, #tpu.memory_space<vmem>>
        %get3A_224 = arith.constant 112 : index
        %get3A_225 = tpu.vector_load %get3A_223[%get3A_224] {strides = array<i32>} : memref<128xf32, #tpu.memory_space<vmem>>, vector<16xf32>,
        %get3A_226 = vector.shape_cast %get3A_225 : vector<16xf32> to vector<16xf32>
        %swap3A_227 = arith.constant 0 : i32
        %swap3A_228 = tpu.memref_slice %arg5[%scan3A_116, %swap3A_227] : memref<256x128xf32, #tpu.memory_space<vmem>> -> memref<1x128xf32, #tpu.memory_space<vmem>>
        %swap3A_229 = tpu.memref_squeeze %swap3A_228 : memref<1x128xf32, #tpu.memory_space<vmem>> -> memref<128xf32, #tpu.memory_space<vmem>>
        %swap3A_230 = arith.constant 112 : index
        %swap3A_231 = tpu.vector_load %swap3A_229[%swap3A_230] {strides = array<i32>} : memref<128xf32, #tpu.memory_space<vmem>>, vector<16xf32>,
        %swap3A_232 = vector.shape_cast %swap3A_231 : vector<16xf32> to vector<16xf32>
        %swap3A_233 = vector.shape_cast %scan3A_124 : vector<16xf32> to vector<16xf32>
        tpu.vector_store %swap3A_229[%swap3A_230], %swap3A_233 {strides = array<i32>} : memref<128xf32, #tpu.memory_space<vmem>>, vector<16xf32>,
        %add3A_234 = arith.addf %scan3A_124, %get3A_226 : vector<16xf32>
        %scan3A_235 = arith.constant 1 : i32
        %scan3A_236 = arith.addi %scan3A_116, %scan3A_235 : i32
        %get3A_237 = arith.constant 0 : i32
        %get3A_238 = tpu.memref_slice %arg4[%scan3A_236, %get3A_237] : memref<256x128xf32, #tpu.memory_space<vmem>> -> memref<1x128xf32, #tpu.memory_space<vmem>>
        %get3A_239 = tpu.memref_squeeze %get3A_238 : memref<1x128xf32, #tpu.memory_space<vmem>> -> memref<128xf32, #tpu.memory_space<vmem>>
        %get3A_240 = arith.constant 0 : index
        %get3A_241 = tpu.vector_load %get3A_239[%get3A_240] {strides = array<i32>} : memref<128xf32, #tpu.memory_space<vmem>>, vector<16xf32>,
        %get3A_242 = vector.shape_cast %get3A_241 : vector<16xf32> to vector<16xf32>
        %swap3A_243 = arith.constant 0 : i32
        %swap3A_244 = tpu.memref_slice %arg5[%scan3A_236, %swap3A_243] : memref<256x128xf32, #tpu.memory_space<vmem>> -> memref<1x128xf32, #tpu.memory_space<vmem>>
        %swap3A_245 = tpu.memref_squeeze %swap3A_244 : memref<1x128xf32, #tpu.memory_space<vmem>> -> memref<128xf32, #tpu.memory_space<vmem>>
        %swap3A_246 = arith.constant 0 : index
        %swap3A_247 = tpu.vector_load %swap3A_245[%swap3A_246] {strides = array<i32>} : memref<128xf32, #tpu.memory_space<vmem>>, vector<16xf32>,
        %swap3A_248 = vector.shape_cast %swap3A_247 : vector<16xf32> to vector<16xf32>
        %swap3A_249 = vector.shape_cast %add3A_136 : vector<16xf32> to vector<16xf32>
        tpu.vector_store %swap3A_245[%swap3A_246], %swap3A_249 {strides = array<i32>} : memref<128xf32, #tpu.memory_space<vmem>>, vector<16xf32>,
        %add3A_250 = arith.addf %add3A_136, %get3A_242 : vector<16xf32>
        %get3A_251 = arith.constant 0 : i32
        %get3A_252 = tpu.memref_slice %arg4[%scan3A_236, %get3A_251] : memref<256x128xf32, #tpu.memory_space<vmem>> -> memref<1x128xf32, #tpu.memory_space<vmem>>
        %get3A_253 = tpu.memref_squeeze %get3A_252 : memref<1x128xf32, #tpu.memory_space<vmem>> -> memref<128xf32, #tpu.memory_space<vmem>>
        %get3A_254 = arith.constant 16 : index
        %get3A_255 = tpu.vector_load %get3A_253[%get3A_254] {strides = array<i32>} : memref<128xf32, #tpu.memory_space<vmem>>, vector<16xf32>,
        %get3A_256 = vector.shape_cast %get3A_255 : vector<16xf32> to vector<16xf32>
        %swap3A_257 = arith.constant 0 : i32
        %swap3A_258 = tpu.memref_slice %arg5[%scan3A_236, %swap3A_257] : memref<256x128xf32, #tpu.memory_space<vmem>> -> memref<1x128xf32, #tpu.memory_space<vmem>>
        %swap3A_259 = tpu.memref_squeeze %swap3A_258 : memref<1x128xf32, #tpu.memory_space<vmem>> -> memref<128xf32, #tpu.memory_space<vmem>>
        %swap3A_260 = arith.constant 16 : index
        %swap3A_261 = tpu.vector_load %swap3A_259[%swap3A_260] {strides = array<i32>} : memref<128xf32, #tpu.memory_space<vmem>>, vector<16xf32>,
        %swap3A_262 = vector.shape_cast %swap3A_261 : vector<16xf32> to vector<16xf32>
        %swap3A_263 = vector.shape_cast %add3A_150 : vector<16xf32> to vector<16xf32>
        tpu.vector_store %swap3A_259[%swap3A_260], %swap3A_263 {strides = array<i32>} : memref<128xf32, #tpu.memory_space<vmem>>, vector<16xf32>,
        %add3A_264 = arith.addf %add3A_150, %get3A_256 : vector<16xf32>
        %get3A_265 = arith.constant 0 : i32
        %get3A_266 = tpu.memref_slice %arg4[%scan3A_236, %get3A_265] : memref<256x128xf32, #tpu.memory_space<vmem>> -> memref<1x128xf32, #tpu.memory_space<vmem>>
        %get3A_267 = tpu.memref_squeeze %get3A_266 : memref<1x128xf32, #tpu.memory_space<vmem>> -> memref<128xf32, #tpu.memory_space<vmem>>
        %get3A_268 = arith.constant 32 : index
        %get3A_269 = tpu.vector_load %get3A_267[%get3A_268] {strides = array<i32>} : memref<128xf32, #tpu.memory_space<vmem>>, vector<16xf32>,
        %get3A_270 = vector.shape_cast %get3A_269 : vector<16xf32> to vector<16xf32>
        %swap3A_271 = arith.constant 0 : i32
        %swap3A_272 = tpu.memref_slice %arg5[%scan3A_236, %swap3A_271] : memref<256x128xf32, #tpu.memory_space<vmem>> -> memref<1x128xf32, #tpu.memory_space<vmem>>
        %swap3A_273 = tpu.memref_squeeze %swap3A_272 : memref<1x128xf32, #tpu.memory_space<vmem>> -> memref<128xf32, #tpu.memory_space<vmem>>
        %swap3A_274 = arith.constant 32 : index
        %swap3A_275 = tpu.vector_load %swap3A_273[%swap3A_274] {strides = array<i32>} : memref<128xf32, #tpu.memory_space<vmem>>, vector<16xf32>,
        %swap3A_276 = vector.shape_cast %swap3A_275 : vector<16xf32> to vector<16xf32>
        %swap3A_277 = vector.shape_cast %add3A_164 : vector<16xf32> to vector<16xf32>
        tpu.vector_store %swap3A_273[%swap3A_274], %swap3A_277 {strides = array<i32>} : memref<128xf32, #tpu.memory_space<vmem>>, vector<16xf32>,
        %add3A_278 = arith.addf %add3A_164, %get3A_270 : vector<16xf32>
        %get3A_279 = arith.constant 0 : i32
        %get3A_280 = tpu.memref_slice %arg4[%scan3A_236, %get3A_279] : memref<256x128xf32, #tpu.memory_space<vmem>> -> memref<1x128xf32, #tpu.memory_space<vmem>>
        %get3A_281 = tpu.memref_squeeze %get3A_280 : memref<1x128xf32, #tpu.memory_space<vmem>> -> memref<128xf32, #tpu.memory_space<vmem>>
        %get3A_282 = arith.constant 48 : index
        %get3A_283 = tpu.vector_load %get3A_281[%get3A_282] {strides = array<i32>} : memref<128xf32, #tpu.memory_space<vmem>>, vector<16xf32>,
        %get3A_284 = vector.shape_cast %get3A_283 : vector<16xf32> to vector<16xf32>
        %swap3A_285 = arith.constant 0 : i32
        %swap3A_286 = tpu.memref_slice %arg5[%scan3A_236, %swap3A_285] : memref<256x128xf32, #tpu.memory_space<vmem>> -> memref<1x128xf32, #tpu.memory_space<vmem>>
        %swap3A_287 = tpu.memref_squeeze %swap3A_286 : memref<1x128xf32, #tpu.memory_space<vmem>> -> memref<128xf32, #tpu.memory_space<vmem>>
        %swap3A_288 = arith.constant 48 : index
        %swap3A_289 = tpu.vector_load %swap3A_287[%swap3A_288] {strides = array<i32>} : memref<128xf32, #tpu.memory_space<vmem>>, vector<16xf32>,
        %swap3A_290 = vector.shape_cast %swap3A_289 : vector<16xf32> to vector<16xf32>
        %swap3A_291 = vector.shape_cast %add3A_178 : vector<16xf32> to vector<16xf32>
        tpu.vector_store %swap3A_287[%swap3A_288], %swap3A_291 {strides = array<i32>} : memref<128xf32, #tpu.memory_space<vmem>>, vector<16xf32>,
        %add3A_292 = arith.addf %add3A_178, %get3A_284 : vector<16xf32>
        %get3A_293 = arith.constant 0 : i32
        %get3A_294 = tpu.memref_slice %arg4[%scan3A_236, %get3A_293] : memref<256x128xf32, #tpu.memory_space<vmem>> -> memref<1x128xf32, #tpu.memory_space<vmem>>
        %get3A_295 = tpu.memref_squeeze %get3A_294 : memref<1x128xf32, #tpu.memory_space<vmem>> -> memref<128xf32, #tpu.memory_space<vmem>>
        %get3A_296 = arith.constant 64 : index
        %get3A_297 = tpu.vector_load %get3A_295[%get3A_296] {strides = array<i32>} : memref<128xf32, #tpu.memory_space<vmem>>, vector<16xf32>,
        %get3A_298 = vector.shape_cast %get3A_297 : vector<16xf32> to vector<16xf32>
        %swap3A_299 = arith.constant 0 : i32
        %swap3A_300 = tpu.memref_slice %arg5[%scan3A_236, %swap3A_299] : memref<256x128xf32, #tpu.memory_space<vmem>> -> memref<1x128xf32, #tpu.memory_space<vmem>>
        %swap3A_301 = tpu.memref_squeeze %swap3A_300 : memref<1x128xf32, #tpu.memory_space<vmem>> -> memref<128xf32, #tpu.memory_space<vmem>>
        %swap3A_302 = arith.constant 64 : index
        %swap3A_303 = tpu.vector_load %swap3A_301[%swap3A_302] {strides = array<i32>} : memref<128xf32, #tpu.memory_space<vmem>>, vector<16xf32>,
        %swap3A_304 = vector.shape_cast %swap3A_303 : vector<16xf32> to vector<16xf32>
        %swap3A_305 = vector.shape_cast %add3A_192 : vector<16xf32> to vector<16xf32>
        tpu.vector_store %swap3A_301[%swap3A_302], %swap3A_305 {strides = array<i32>} : memref<128xf32, #tpu.memory_space<vmem>>, vector<16xf32>,
        %add3A_306 = arith.addf %add3A_192, %get3A_298 : vector<16xf32>
        %get3A_307 = arith.constant 0 : i32
        %get3A_308 = tpu.memref_slice %arg4[%scan3A_236, %get3A_307] : memref<256x128xf32, #tpu.memory_space<vmem>> -> memref<1x128xf32, #tpu.memory_space<vmem>>
        %get3A_309 = tpu.memref_squeeze %get3A_308 : memref<1x128xf32, #tpu.memory_space<vmem>> -> memref<128xf32, #tpu.memory_space<vmem>>
        %get3A_310 = arith.constant 80 : index
        %get3A_311 = tpu.vector_load %get3A_309[%get3A_310] {strides = array<i32>} : memref<128xf32, #tpu.memory_space<vmem>>, vector<16xf32>,
        %get3A_312 = vector.shape_cast %get3A_311 : vector<16xf32> to vector<16xf32>
        %swap3A_313 = arith.constant 0 : i32
        %swap3A_314 = tpu.memref_slice %arg5[%scan3A_236, %swap3A_313] : memref<256x128xf32, #tpu.memory_space<vmem>> -> memref<1x128xf32, #tpu.memory_space<vmem>>
        %swap3A_315 = tpu.memref_squeeze %swap3A_314 : memref<1x128xf32, #tpu.memory_space<vmem>> -> memref<128xf32, #tpu.memory_space<vmem>>
        %swap3A_316 = arith.constant 80 : index
        %swap3A_317 = tpu.vector_load %swap3A_315[%swap3A_316] {strides = array<i32>} : memref<128xf32, #tpu.memory_space<vmem>>, vector<16xf32>,
        %swap3A_318 = vector.shape_cast %swap3A_317 : vector<16xf32> to vector<16xf32>
        %swap3A_319 = vector.shape_cast %add3A_206 : vector<16xf32> to vector<16xf32>
        tpu.vector_store %swap3A_315[%swap3A_316], %swap3A_319 {strides = array<i32>} : memref<128xf32, #tpu.memory_space<vmem>>, vector<16xf32>,
        %add3A_320 = arith.addf %add3A_206, %get3A_312 : vector<16xf32>
        %get3A_321 = arith.constant 0 : i32
        %get3A_322 = tpu.memref_slice %arg4[%scan3A_236, %get3A_321] : memref<256x128xf32, #tpu.memory_space<vmem>> -> memref<1x128xf32, #tpu.memory_space<vmem>>
        %get3A_323 = tpu.memref_squeeze %get3A_322 : memref<1x128xf32, #tpu.memory_space<vmem>> -> memref<128xf32, #tpu.memory_space<vmem>>
        %get3A_324 = arith.constant 96 : index
        %get3A_325 = tpu.vector_load %get3A_323[%get3A_324] {strides = array<i32>} : memref<128xf32, #tpu.memory_space<vmem>>, vector<16xf32>,
        %get3A_326 = vector.shape_cast %get3A_325 : vector<16xf32> to vector<16xf32>
        %swap3A_327 = arith.constant 0 : i32
        %swap3A_328 = tpu.memref_slice %arg5[%scan3A_236, %swap3A_327] : memref<256x128xf32, #tpu.memory_space<vmem>> -> memref<1x128xf32, #tpu.memory_space<vmem>>
        %swap3A_329 = tpu.memref_squeeze %swap3A_328 : memref<1x128xf32, #tpu.memory_space<vmem>> -> memref<128xf32, #tpu.memory_space<vmem>>
        %swap3A_330 = arith.constant 96 : index
        %swap3A_331 = tpu.vector_load %swap3A_329[%swap3A_330] {strides = array<i32>} : memref<128xf32, #tpu.memory_space<vmem>>, vector<16xf32>,
        %swap3A_332 = vector.shape_cast %swap3A_331 : vector<16xf32> to vector<16xf32>
        %swap3A_333 = vector.shape_cast %add3A_220 : vector<16xf32> to vector<16xf32>
        tpu.vector_store %swap3A_329[%swap3A_330], %swap3A_333 {strides = array<i32>} : memref<128xf32, #tpu.memory_space<vmem>>, vector<16xf32>,
        %add3A_334 = arith.addf %add3A_220, %get3A_326 : vector<16xf32>
        %get3A_335 = arith.constant 0 : i32
        %get3A_336 = tpu.memref_slice %arg4[%scan3A_236, %get3A_335] : memref<256x128xf32, #tpu.memory_space<vmem>> -> memref<1x128xf32, #tpu.memory_space<vmem>>
        %get3A_337 = tpu.memref_squeeze %get3A_336 : memref<1x128xf32, #tpu.memory_space<vmem>> -> memref<128xf32, #tpu.memory_space<vmem>>
        %get3A_338 = arith.constant 112 : index
        %get3A_339 = tpu.vector_load %get3A_337[%get3A_338] {strides = array<i32>} : memref<128xf32, #tpu.memory_space<vmem>>, vector<16xf32>,
        %get3A_340 = vector.shape_cast %get3A_339 : vector<16xf32> to vector<16xf32>
        %swap3A_341 = arith.constant 0 : i32
        %swap3A_342 = tpu.memref_slice %arg5[%scan3A_236, %swap3A_341] : memref<256x128xf32, #tpu.memory_space<vmem>> -> memref<1x128xf32, #tpu.memory_space<vmem>>
        %swap3A_343 = tpu.memref_squeeze %swap3A_342 : memref<1x128xf32, #tpu.memory_space<vmem>> -> memref<128xf32, #tpu.memory_space<vmem>>
        %swap3A_344 = arith.constant 112 : index
        %swap3A_345 = tpu.vector_load %swap3A_343[%swap3A_344] {strides = array<i32>} : memref<128xf32, #tpu.memory_space<vmem>>, vector<16xf32>,
        %swap3A_346 = vector.shape_cast %swap3A_345 : vector<16xf32> to vector<16xf32>
        %swap3A_347 = vector.shape_cast %add3A_234 : vector<16xf32> to vector<16xf32>
        tpu.vector_store %swap3A_343[%swap3A_344], %swap3A_347 {strides = array<i32>} : memref<128xf32, #tpu.memory_space<vmem>>, vector<16xf32>,
        %add3A_348 = arith.addf %add3A_234, %get3A_340 : vector<16xf32>
        %scan3A_349 = arith.constant 2 : i32
        %scan3A_350 = arith.addi %scan3A_116, %scan3A_349 : i32
        %get3A_351 = arith.constant 0 : i32
        %get3A_352 = tpu.memref_slice %arg4[%scan3A_350, %get3A_351] : memref<256x128xf32, #tpu.memory_space<vmem>> -> memref<1x128xf32, #tpu.memory_space<vmem>>
        %get3A_353 = tpu.memref_squeeze %get3A_352 : memref<1x128xf32, #tpu.memory_space<vmem>> -> memref<128xf32, #tpu.memory_space<vmem>>
        %get3A_354 = arith.constant 0 : index
        %get3A_355 = tpu.vector_load %get3A_353[%get3A_354] {strides = array<i32>} : memref<128xf32, #tpu.memory_space<vmem>>, vector<16xf32>,
        %get3A_356 = vector.shape_cast %get3A_355 : vector<16xf32> to vector<16xf32>
        %swap3A_357 = arith.constant 0 : i32
        %swap3A_358 = tpu.memref_slice %arg5[%scan3A_350, %swap3A_357] : memref<256x128xf32, #tpu.memory_space<vmem>> -> memref<1x128xf32, #tpu.memory_space<vmem>>
        %swap3A_359 = tpu.memref_squeeze %swap3A_358 : memref<1x128xf32, #tpu.memory_space<vmem>> -> memref<128xf32, #tpu.memory_space<vmem>>
        %swap3A_360 = arith.constant 0 : index
        %swap3A_361 = tpu.vector_load %swap3A_359[%swap3A_360] {strides = array<i32>} : memref<128xf32, #tpu.memory_space<vmem>>, vector<16xf32>,
        %swap3A_362 = vector.shape_cast %swap3A_361 : vector<16xf32> to vector<16xf32>
        %swap3A_363 = vector.shape_cast %add3A_250 : vector<16xf32> to vector<16xf32>
        tpu.vector_store %swap3A_359[%swap3A_360], %swap3A_363 {strides = array<i32>} : memref<128xf32, #tpu.memory_space<vmem>>, vector<16xf32>,
        %add3A_364 = arith.addf %add3A_250, %get3A_356 : vector<16xf32>
        %get3A_365 = arith.constant 0 : i32
        %get3A_366 = tpu.memref_slice %arg4[%scan3A_350, %get3A_365] : memref<256x128xf32, #tpu.memory_space<vmem>> -> memref<1x128xf32, #tpu.memory_space<vmem>>
        %get3A_367 = tpu.memref_squeeze %get3A_366 : memref<1x128xf32, #tpu.memory_space<vmem>> -> memref<128xf32, #tpu.memory_space<vmem>>
        %get3A_368 = arith.constant 16 : index
        %get3A_369 = tpu.vector_load %get3A_367[%get3A_368] {strides = array<i32>} : memref<128xf32, #tpu.memory_space<vmem>>, vector<16xf32>,
        %get3A_370 = vector.shape_cast %get3A_369 : vector<16xf32> to vector<16xf32>
        %swap3A_371 = arith.constant 0 : i32
        %swap3A_372 = tpu.memref_slice %arg5[%scan3A_350, %swap3A_371] : memref<256x128xf32, #tpu.memory_space<vmem>> -> memref<1x128xf32, #tpu.memory_space<vmem>>
        %swap3A_373 = tpu.memref_squeeze %swap3A_372 : memref<1x128xf32, #tpu.memory_space<vmem>> -> memref<128xf32, #tpu.memory_space<vmem>>
        %swap3A_374 = arith.constant 16 : index
        %swap3A_375 = tpu.vector_load %swap3A_373[%swap3A_374] {strides = array<i32>} : memref<128xf32, #tpu.memory_space<vmem>>, vector<16xf32>,
        %swap3A_376 = vector.shape_cast %swap3A_375 : vector<16xf32> to vector<16xf32>
        %swap3A_377 = vector.shape_cast %add3A_264 : vector<16xf32> to vector<16xf32>
        tpu.vector_store %swap3A_373[%swap3A_374], %swap3A_377 {strides = array<i32>} : memref<128xf32, #tpu.memory_space<vmem>>, vector<16xf32>,
        %add3A_378 = arith.addf %add3A_264, %get3A_370 : vector<16xf32>
        %get3A_379 = arith.constant 0 : i32
        %get3A_380 = tpu.memref_slice %arg4[%scan3A_350, %get3A_379] : memref<256x128xf32, #tpu.memory_space<vmem>> -> memref<1x128xf32, #tpu.memory_space<vmem>>
        %get3A_381 = tpu.memref_squeeze %get3A_380 : memref<1x128xf32, #tpu.memory_space<vmem>> -> memref<128xf32, #tpu.memory_space<vmem>>
        %get3A_382 = arith.constant 32 : index
        %get3A_383 = tpu.vector_load %get3A_381[%get3A_382] {strides = array<i32>} : memref<128xf32, #tpu.memory_space<vmem>>, vector<16xf32>,
        %get3A_384 = vector.shape_cast %get3A_383 : vector<16xf32> to vector<16xf32>
        %swap3A_385 = arith.constant 0 : i32
        %swap3A_386 = tpu.memref_slice %arg5[%scan3A_350, %swap3A_385] : memref<256x128xf32, #tpu.memory_space<vmem>> -> memref<1x128xf32, #tpu.memory_space<vmem>>
        %swap3A_387 = tpu.memref_squeeze %swap3A_386 : memref<1x128xf32, #tpu.memory_space<vmem>> -> memref<128xf32, #tpu.memory_space<vmem>>
        %swap3A_388 = arith.constant 32 : index
        %swap3A_389 = tpu.vector_load %swap3A_387[%swap3A_388] {strides = array<i32>} : memref<128xf32, #tpu.memory_space<vmem>>, vector<16xf32>,
        %swap3A_390 = vector.shape_cast %swap3A_389 : vector<16xf32> to vector<16xf32>
        %swap3A_391 = vector.shape_cast %add3A_278 : vector<16xf32> to vector<16xf32>
        tpu.vector_store %swap3A_387[%swap3A_388], %swap3A_391 {strides = array<i32>} : memref<128xf32, #tpu.memory_space<vmem>>, vector<16xf32>,
        %add3A_392 = arith.addf %add3A_278, %get3A_384 : vector<16xf32>
        %get3A_393 = arith.constant 0 : i32
        %get3A_394 = tpu.memref_slice %arg4[%scan3A_350, %get3A_393] : memref<256x128xf32, #tpu.memory_space<vmem>> -> memref<1x128xf32, #tpu.memory_space<vmem>>
        %get3A_395 = tpu.memref_squeeze %get3A_394 : memref<1x128xf32, #tpu.memory_space<vmem>> -> memref<128xf32, #tpu.memory_space<vmem>>
        %get3A_396 = arith.constant 48 : index
        %get3A_397 = tpu.vector_load %get3A_395[%get3A_396] {strides = array<i32>} : memref<128xf32, #tpu.memory_space<vmem>>, vector<16xf32>,
        %get3A_398 = vector.shape_cast %get3A_397 : vector<16xf32> to vector<16xf32>
        %swap3A_399 = arith.constant 0 : i32
        %swap3A_400 = tpu.memref_slice %arg5[%scan3A_350, %swap3A_399] : memref<256x128xf32, #tpu.memory_space<vmem>> -> memref<1x128xf32, #tpu.memory_space<vmem>>
        %swap3A_401 = tpu.memref_squeeze %swap3A_400 : memref<1x128xf32, #tpu.memory_space<vmem>> -> memref<128xf32, #tpu.memory_space<vmem>>
        %swap3A_402 = arith.constant 48 : index
        %swap3A_403 = tpu.vector_load %swap3A_401[%swap3A_402] {strides = array<i32>} : memref<128xf32, #tpu.memory_space<vmem>>, vector<16xf32>,
        %swap3A_404 = vector.shape_cast %swap3A_403 : vector<16xf32> to vector<16xf32>
        %swap3A_405 = vector.shape_cast %add3A_292 : vector<16xf32> to vector<16xf32>
        tpu.vector_store %swap3A_401[%swap3A_402], %swap3A_405 {strides = array<i32>} : memref<128xf32, #tpu.memory_space<vmem>>, vector<16xf32>,
        %add3A_406 = arith.addf %add3A_292, %get3A_398 : vector<16xf32>
        %get3A_407 = arith.constant 0 : i32
        %get3A_408 = tpu.memref_slice %arg4[%scan3A_350, %get3A_407] : memref<256x128xf32, #tpu.memory_space<vmem>> -> memref<1x128xf32, #tpu.memory_space<vmem>>
        %get3A_409 = tpu.memref_squeeze %get3A_408 : memref<1x128xf32, #tpu.memory_space<vmem>> -> memref<128xf32, #tpu.memory_space<vmem>>
        %get3A_410 = arith.constant 64 : index
        %get3A_411 = tpu.vector_load %get3A_409[%get3A_410] {strides = array<i32>} : memref<128xf32, #tpu.memory_space<vmem>>, vector<16xf32>,
        %get3A_412 = vector.shape_cast %get3A_411 : vector<16xf32> to vector<16xf32>
        %swap3A_413 = arith.constant 0 : i32
        %swap3A_414 = tpu.memref_slice %arg5[%scan3A_350, %swap3A_413] : memref<256x128xf32, #tpu.memory_space<vmem>> -> memref<1x128xf32, #tpu.memory_space<vmem>>
        %swap3A_415 = tpu.memref_squeeze %swap3A_414 : memref<1x128xf32, #tpu.memory_space<vmem>> -> memref<128xf32, #tpu.memory_space<vmem>>
        %swap3A_416 = arith.constant 64 : index
        %swap3A_417 = tpu.vector_load %swap3A_415[%swap3A_416] {strides = array<i32>} : memref<128xf32, #tpu.memory_space<vmem>>, vector<16xf32>,
        %swap3A_418 = vector.shape_cast %swap3A_417 : vector<16xf32> to vector<16xf32>
        %swap3A_419 = vector.shape_cast %add3A_306 : vector<16xf32> to vector<16xf32>
        tpu.vector_store %swap3A_415[%swap3A_416], %swap3A_419 {strides = array<i32>} : memref<128xf32, #tpu.memory_space<vmem>>, vector<16xf32>,
        %add3A_420 = arith.addf %add3A_306, %get3A_412 : vector<16xf32>
        %get3A_421 = arith.constant 0 : i32
        %get3A_422 = tpu.memref_slice %arg4[%scan3A_350, %get3A_421] : memref<256x128xf32, #tpu.memory_space<vmem>> -> memref<1x128xf32, #tpu.memory_space<vmem>>
        %get3A_423 = tpu.memref_squeeze %get3A_422 : memref<1x128xf32, #tpu.memory_space<vmem>> -> memref<128xf32, #tpu.memory_space<vmem>>
        %get3A_424 = arith.constant 80 : index
        %get3A_425 = tpu.vector_load %get3A_423[%get3A_424] {strides = array<i32>} : memref<128xf32, #tpu.memory_space<vmem>>, vector<16xf32>,
        %get3A_426 = vector.shape_cast %get3A_425 : vector<16xf32> to vector<16xf32>
        %swap3A_427 = arith.constant 0 : i32
        %swap3A_428 = tpu.memref_slice %arg5[%scan3A_350, %swap3A_427] : memref<256x128xf32, #tpu.memory_space<vmem>> -> memref<1x128xf32, #tpu.memory_space<vmem>>
        %swap3A_429 = tpu.memref_squeeze %swap3A_428 : memref<1x128xf32, #tpu.memory_space<vmem>> -> memref<128xf32, #tpu.memory_space<vmem>>
        %swap3A_430 = arith.constant 80 : index
        %swap3A_431 = tpu.vector_load %swap3A_429[%swap3A_430] {strides = array<i32>} : memref<128xf32, #tpu.memory_space<vmem>>, vector<16xf32>,
        %swap3A_432 = vector.shape_cast %swap3A_431 : vector<16xf32> to vector<16xf32>
        %swap3A_433 = vector.shape_cast %add3A_320 : vector<16xf32> to vector<16xf32>
        tpu.vector_store %swap3A_429[%swap3A_430], %swap3A_433 {strides = array<i32>} : memref<128xf32, #tpu.memory_space<vmem>>, vector<16xf32>,
        %add3A_434 = arith.addf %add3A_320, %get3A_426 : vector<16xf32>
        %get3A_435 = arith.constant 0 : i32
        %get3A_436 = tpu.memref_slice %arg4[%scan3A_350, %get3A_435] : memref<256x128xf32, #tpu.memory_space<vmem>> -> memref<1x128xf32, #tpu.memory_space<vmem>>
        %get3A_437 = tpu.memref_squeeze %get3A_436 : memref<1x128xf32, #tpu.memory_space<vmem>> -> memref<128xf32, #tpu.memory_space<vmem>>
        %get3A_438 = arith.constant 96 : index
        %get3A_439 = tpu.vector_load %get3A_437[%get3A_438] {strides = array<i32>} : memref<128xf32, #tpu.memory_space<vmem>>, vector<16xf32>,
        %get3A_440 = vector.shape_cast %get3A_439 : vector<16xf32> to vector<16xf32>
        %swap3A_441 = arith.constant 0 : i32
        %swap3A_442 = tpu.memref_slice %arg5[%scan3A_350, %swap3A_441] : memref<256x128xf32, #tpu.memory_space<vmem>> -> memref<1x128xf32, #tpu.memory_space<vmem>>
        %swap3A_443 = tpu.memref_squeeze %swap3A_442 : memref<1x128xf32, #tpu.memory_space<vmem>> -> memref<128xf32, #tpu.memory_space<vmem>>
        %swap3A_444 = arith.constant 96 : index
        %swap3A_445 = tpu.vector_load %swap3A_443[%swap3A_444] {strides = array<i32>} : memref<128xf32, #tpu.memory_space<vmem>>, vector<16xf32>,
        %swap3A_446 = vector.shape_cast %swap3A_445 : vector<16xf32> to vector<16xf32>
        %swap3A_447 = vector.shape_cast %add3A_334 : vector<16xf32> to vector<16xf32>
        tpu.vector_store %swap3A_443[%swap3A_444], %swap3A_447 {strides = array<i32>} : memref<128xf32, #tpu.memory_space<vmem>>, vector<16xf32>,
        %add3A_448 = arith.addf %add3A_334, %get3A_440 : vector<16xf32>
        %get3A_449 = arith.constant 0 : i32
        %get3A_450 = tpu.memref_slice %arg4[%scan3A_350, %get3A_449] : memref<256x128xf32, #tpu.memory_space<vmem>> -> memref<1x128xf32, #tpu.memory_space<vmem>>
        %get3A_451 = tpu.memref_squeeze %get3A_450 : memref<1x128xf32, #tpu.memory_space<vmem>> -> memref<128xf32, #tpu.memory_space<vmem>>
        %get3A_452 = arith.constant 112 : index
        %get3A_453 = tpu.vector_load %get3A_451[%get3A_452] {strides = array<i32>} : memref<128xf32, #tpu.memory_space<vmem>>, vector<16xf32>,
        %get3A_454 = vector.shape_cast %get3A_453 : vector<16xf32> to vector<16xf32>
        %swap3A_455 = arith.constant 0 : i32
        %swap3A_456 = tpu.memref_slice %arg5[%scan3A_350, %swap3A_455] : memref<256x128xf32, #tpu.memory_space<vmem>> -> memref<1x128xf32, #tpu.memory_space<vmem>>
        %swap3A_457 = tpu.memref_squeeze %swap3A_456 : memref<1x128xf32, #tpu.memory_space<vmem>> -> memref<128xf32, #tpu.memory_space<vmem>>
        %swap3A_458 = arith.constant 112 : index
        %swap3A_459 = tpu.vector_load %swap3A_457[%swap3A_458] {strides = array<i32>} : memref<128xf32, #tpu.memory_space<vmem>>, vector<16xf32>,
        %swap3A_460 = vector.shape_cast %swap3A_459 : vector<16xf32> to vector<16xf32>
        %swap3A_461 = vector.shape_cast %add3A_348 : vector<16xf32> to vector<16xf32>
        tpu.vector_store %swap3A_457[%swap3A_458], %swap3A_461 {strides = array<i32>} : memref<128xf32, #tpu.memory_space<vmem>>, vector<16xf32>,
        %add3A_462 = arith.addf %add3A_348, %get3A_454 : vector<16xf32>
        %scan3A_463 = arith.constant 3 : i32
        %scan3A_464 = arith.addi %scan3A_116, %scan3A_463 : i32
        %get3A_465 = arith.constant 0 : i32
        %get3A_466 = tpu.memref_slice %arg4[%scan3A_464, %get3A_465] : memref<256x128xf32, #tpu.memory_space<vmem>> -> memref<1x128xf32, #tpu.memory_space<vmem>>
        %get3A_467 = tpu.memref_squeeze %get3A_466 : memref<1x128xf32, #tpu.memory_space<vmem>> -> memref<128xf32, #tpu.memory_space<vmem>>
        %get3A_468 = arith.constant 0 : index
        %get3A_469 = tpu.vector_load %get3A_467[%get3A_468] {strides = array<i32>} : memref<128xf32, #tpu.memory_space<vmem>>, vector<16xf32>,
        %get3A_470 = vector.shape_cast %get3A_469 : vector<16xf32> to vector<16xf32>
        %swap3A_471 = arith.constant 0 : i32
        %swap3A_472 = tpu.memref_slice %arg5[%scan3A_464, %swap3A_471] : memref<256x128xf32, #tpu.memory_space<vmem>> -> memref<1x128xf32, #tpu.memory_space<vmem>>
        %swap3A_473 = tpu.memref_squeeze %swap3A_472 : memref<1x128xf32, #tpu.memory_space<vmem>> -> memref<128xf32, #tpu.memory_space<vmem>>
        %swap3A_474 = arith.constant 0 : index
        %swap3A_475 = tpu.vector_load %swap3A_473[%swap3A_474] {strides = array<i32>} : memref<128xf32, #tpu.memory_space<vmem>>, vector<16xf32>,
        %swap3A_476 = vector.shape_cast %swap3A_475 : vector<16xf32> to vector<16xf32>
        %swap3A_477 = vector.shape_cast %add3A_364 : vector<16xf32> to vector<16xf32>
        tpu.vector_store %swap3A_473[%swap3A_474], %swap3A_477 {strides = array<i32>} : memref<128xf32, #tpu.memory_space<vmem>>, vector<16xf32>,
        %add3A_478 = arith.addf %add3A_364, %get3A_470 : vector<16xf32>
        %get3A_479 = arith.constant 0 : i32
        %get3A_480 = tpu.memref_slice %arg4[%scan3A_464, %get3A_479] : memref<256x128xf32, #tpu.memory_space<vmem>> -> memref<1x128xf32, #tpu.memory_space<vmem>>
        %get3A_481 = tpu.memref_squeeze %get3A_480 : memref<1x128xf32, #tpu.memory_space<vmem>> -> memref<128xf32, #tpu.memory_space<vmem>>
        %get3A_482 = arith.constant 16 : index
        %get3A_483 = tpu.vector_load %get3A_481[%get3A_482] {strides = array<i32>} : memref<128xf32, #tpu.memory_space<vmem>>, vector<16xf32>,
        %get3A_484 = vector.shape_cast %get3A_483 : vector<16xf32> to vector<16xf32>
        %swap3A_485 = arith.constant 0 : i32
        %swap3A_486 = tpu.memref_slice %arg5[%scan3A_464, %swap3A_485] : memref<256x128xf32, #tpu.memory_space<vmem>> -> memref<1x128xf32, #tpu.memory_space<vmem>>
        %swap3A_487 = tpu.memref_squeeze %swap3A_486 : memref<1x128xf32, #tpu.memory_space<vmem>> -> memref<128xf32, #tpu.memory_space<vmem>>
        %swap3A_488 = arith.constant 16 : index
        %swap3A_489 = tpu.vector_load %swap3A_487[%swap3A_488] {strides = array<i32>} : memref<128xf32, #tpu.memory_space<vmem>>, vector<16xf32>,
        %swap3A_490 = vector.shape_cast %swap3A_489 : vector<16xf32> to vector<16xf32>
        %swap3A_491 = vector.shape_cast %add3A_378 : vector<16xf32> to vector<16xf32>
        tpu.vector_store %swap3A_487[%swap3A_488], %swap3A_491 {strides = array<i32>} : memref<128xf32, #tpu.memory_space<vmem>>, vector<16xf32>,
        %add3A_492 = arith.addf %add3A_378, %get3A_484 : vector<16xf32>
        %get3A_493 = arith.constant 0 : i32
        %get3A_494 = tpu.memref_slice %arg4[%scan3A_464, %get3A_493] : memref<256x128xf32, #tpu.memory_space<vmem>> -> memref<1x128xf32, #tpu.memory_space<vmem>>
        %get3A_495 = tpu.memref_squeeze %get3A_494 : memref<1x128xf32, #tpu.memory_space<vmem>> -> memref<128xf32, #tpu.memory_space<vmem>>
        %get3A_496 = arith.constant 32 : index
        %get3A_497 = tpu.vector_load %get3A_495[%get3A_496] {strides = array<i32>} : memref<128xf32, #tpu.memory_space<vmem>>, vector<16xf32>,
        %get3A_498 = vector.shape_cast %get3A_497 : vector<16xf32> to vector<16xf32>
        %swap3A_499 = arith.constant 0 : i32
        %swap3A_500 = tpu.memref_slice %arg5[%scan3A_464, %swap3A_499] : memref<256x128xf32, #tpu.memory_space<vmem>> -> memref<1x128xf32, #tpu.memory_space<vmem>>
        %swap3A_501 = tpu.memref_squeeze %swap3A_500 : memref<1x128xf32, #tpu.memory_space<vmem>> -> memref<128xf32, #tpu.memory_space<vmem>>
        %swap3A_502 = arith.constant 32 : index
        %swap3A_503 = tpu.vector_load %swap3A_501[%swap3A_502] {strides = array<i32>} : memref<128xf32, #tpu.memory_space<vmem>>, vector<16xf32>,
        %swap3A_504 = vector.shape_cast %swap3A_503 : vector<16xf32> to vector<16xf32>
        %swap3A_505 = vector.shape_cast %add3A_392 : vector<16xf32> to vector<16xf32>
        tpu.vector_store %swap3A_501[%swap3A_502], %swap3A_505 {strides = array<i32>} : memref<128xf32, #tpu.memory_space<vmem>>, vector<16xf32>,
        %add3A_506 = arith.addf %add3A_392, %get3A_498 : vector<16xf32>
        %get3A_507 = arith.constant 0 : i32
        %get3A_508 = tpu.memref_slice %arg4[%scan3A_464, %get3A_507] : memref<256x128xf32, #tpu.memory_space<vmem>> -> memref<1x128xf32, #tpu.memory_space<vmem>>
        %get3A_509 = tpu.memref_squeeze %get3A_508 : memref<1x128xf32, #tpu.memory_space<vmem>> -> memref<128xf32, #tpu.memory_space<vmem>>
        %get3A_510 = arith.constant 48 : index
        %get3A_511 = tpu.vector_load %get3A_509[%get3A_510] {strides = array<i32>} : memref<128xf32, #tpu.memory_space<vmem>>, vector<16xf32>,
        %get3A_512 = vector.shape_cast %get3A_511 : vector<16xf32> to vector<16xf32>
        %swap3A_513 = arith.constant 0 : i32
        %swap3A_514 = tpu.memref_slice %arg5[%scan3A_464, %swap3A_513] : memref<256x128xf32, #tpu.memory_space<vmem>> -> memref<1x128xf32, #tpu.memory_space<vmem>>
        %swap3A_515 = tpu.memref_squeeze %swap3A_514 : memref<1x128xf32, #tpu.memory_space<vmem>> -> memref<128xf32, #tpu.memory_space<vmem>>
        %swap3A_516 = arith.constant 48 : index
        %swap3A_517 = tpu.vector_load %swap3A_515[%swap3A_516] {strides = array<i32>} : memref<128xf32, #tpu.memory_space<vmem>>, vector<16xf32>,
        %swap3A_518 = vector.shape_cast %swap3A_517 : vector<16xf32> to vector<16xf32>
        %swap3A_519 = vector.shape_cast %add3A_406 : vector<16xf32> to vector<16xf32>
        tpu.vector_store %swap3A_515[%swap3A_516], %swap3A_519 {strides = array<i32>} : memref<128xf32, #tpu.memory_space<vmem>>, vector<16xf32>,
        %add3A_520 = arith.addf %add3A_406, %get3A_512 : vector<16xf32>
        %get3A_521 = arith.constant 0 : i32
        %get3A_522 = tpu.memref_slice %arg4[%scan3A_464, %get3A_521] : memref<256x128xf32, #tpu.memory_space<vmem>> -> memref<1x128xf32, #tpu.memory_space<vmem>>
        %get3A_523 = tpu.memref_squeeze %get3A_522 : memref<1x128xf32, #tpu.memory_space<vmem>> -> memref<128xf32, #tpu.memory_space<vmem>>
        %get3A_524 = arith.constant 64 : index
        %get3A_525 = tpu.vector_load %get3A_523[%get3A_524] {strides = array<i32>} : memref<128xf32, #tpu.memory_space<vmem>>, vector<16xf32>,
        %get3A_526 = vector.shape_cast %get3A_525 : vector<16xf32> to vector<16xf32>
        %swap3A_527 = arith.constant 0 : i32
        %swap3A_528 = tpu.memref_slice %arg5[%scan3A_464, %swap3A_527] : memref<256x128xf32, #tpu.memory_space<vmem>> -> memref<1x128xf32, #tpu.memory_space<vmem>>
        %swap3A_529 = tpu.memref_squeeze %swap3A_528 : memref<1x128xf32, #tpu.memory_space<vmem>> -> memref<128xf32, #tpu.memory_space<vmem>>
        %swap3A_530 = arith.constant 64 : index
        %swap3A_531 = tpu.vector_load %swap3A_529[%swap3A_530] {strides = array<i32>} : memref<128xf32, #tpu.memory_space<vmem>>, vector<16xf32>,
        %swap3A_532 = vector.shape_cast %swap3A_531 : vector<16xf32> to vector<16xf32>
        %swap3A_533 = vector.shape_cast %add3A_420 : vector<16xf32> to vector<16xf32>
        tpu.vector_store %swap3A_529[%swap3A_530], %swap3A_533 {strides = array<i32>} : memref<128xf32, #tpu.memory_space<vmem>>, vector<16xf32>,
        %add3A_534 = arith.addf %add3A_420, %get3A_526 : vector<16xf32>
        %get3A_535 = arith.constant 0 : i32
        %get3A_536 = tpu.memref_slice %arg4[%scan3A_464, %get3A_535] : memref<256x128xf32, #tpu.memory_space<vmem>> -> memref<1x128xf32, #tpu.memory_space<vmem>>
        %get3A_537 = tpu.memref_squeeze %get3A_536 : memref<1x128xf32, #tpu.memory_space<vmem>> -> memref<128xf32, #tpu.memory_space<vmem>>
        %get3A_538 = arith.constant 80 : index
        %get3A_539 = tpu.vector_load %get3A_537[%get3A_538] {strides = array<i32>} : memref<128xf32, #tpu.memory_space<vmem>>, vector<16xf32>,
        %get3A_540 = vector.shape_cast %get3A_539 : vector<16xf32> to vector<16xf32>
        %swap3A_541 = arith.constant 0 : i32
        %swap3A_542 = tpu.memref_slice %arg5[%scan3A_464, %swap3A_541] : memref<256x128xf32, #tpu.memory_space<vmem>> -> memref<1x128xf32, #tpu.memory_space<vmem>>
        %swap3A_543 = tpu.memref_squeeze %swap3A_542 : memref<1x128xf32, #tpu.memory_space<vmem>> -> memref<128xf32, #tpu.memory_space<vmem>>
        %swap3A_544 = arith.constant 80 : index
        %swap3A_545 = tpu.vector_load %swap3A_543[%swap3A_544] {strides = array<i32>} : memref<128xf32, #tpu.memory_space<vmem>>, vector<16xf32>,
        %swap3A_546 = vector.shape_cast %swap3A_545 : vector<16xf32> to vector<16xf32>
        %swap3A_547 = vector.shape_cast %add3A_434 : vector<16xf32> to vector<16xf32>
        tpu.vector_store %swap3A_543[%swap3A_544], %swap3A_547 {strides = array<i32>} : memref<128xf32, #tpu.memory_space<vmem>>, vector<16xf32>,
        %add3A_548 = arith.addf %add3A_434, %get3A_540 : vector<16xf32>
        %get3A_549 = arith.constant 0 : i32
        %get3A_550 = tpu.memref_slice %arg4[%scan3A_464, %get3A_549] : memref<256x128xf32, #tpu.memory_space<vmem>> -> memref<1x128xf32, #tpu.memory_space<vmem>>
        %get3A_551 = tpu.memref_squeeze %get3A_550 : memref<1x128xf32, #tpu.memory_space<vmem>> -> memref<128xf32, #tpu.memory_space<vmem>>
        %get3A_552 = arith.constant 96 : index
        %get3A_553 = tpu.vector_load %get3A_551[%get3A_552] {strides = array<i32>} : memref<128xf32, #tpu.memory_space<vmem>>, vector<16xf32>,
        %get3A_554 = vector.shape_cast %get3A_553 : vector<16xf32> to vector<16xf32>
        %swap3A_555 = arith.constant 0 : i32
        %swap3A_556 = tpu.memref_slice %arg5[%scan3A_464, %swap3A_555] : memref<256x128xf32, #tpu.memory_space<vmem>> -> memref<1x128xf32, #tpu.memory_space<vmem>>
        %swap3A_557 = tpu.memref_squeeze %swap3A_556 : memref<1x128xf32, #tpu.memory_space<vmem>> -> memref<128xf32, #tpu.memory_space<vmem>>
        %swap3A_558 = arith.constant 96 : index
        %swap3A_559 = tpu.vector_load %swap3A_557[%swap3A_558] {strides = array<i32>} : memref<128xf32, #tpu.memory_space<vmem>>, vector<16xf32>,
        %swap3A_560 = vector.shape_cast %swap3A_559 : vector<16xf32> to vector<16xf32>
        %swap3A_561 = vector.shape_cast %add3A_448 : vector<16xf32> to vector<16xf32>
        tpu.vector_store %swap3A_557[%swap3A_558], %swap3A_561 {strides = array<i32>} : memref<128xf32, #tpu.memory_space<vmem>>, vector<16xf32>,
        %add3A_562 = arith.addf %add3A_448, %get3A_554 : vector<16xf32>
        %get3A_563 = arith.constant 0 : i32
        %get3A_564 = tpu.memref_slice %arg4[%scan3A_464, %get3A_563] : memref<256x128xf32, #tpu.memory_space<vmem>> -> memref<1x128xf32, #tpu.memory_space<vmem>>
        %get3A_565 = tpu.memref_squeeze %get3A_564 : memref<1x128xf32, #tpu.memory_space<vmem>> -> memref<128xf32, #tpu.memory_space<vmem>>
        %get3A_566 = arith.constant 112 : index
        %get3A_567 = tpu.vector_load %get3A_565[%get3A_566] {strides = array<i32>} : memref<128xf32, #tpu.memory_space<vmem>>, vector<16xf32>,
        %get3A_568 = vector.shape_cast %get3A_567 : vector<16xf32> to vector<16xf32>
        %swap3A_569 = arith.constant 0 : i32
        %swap3A_570 = tpu.memref_slice %arg5[%scan3A_464, %swap3A_569] : memref<256x128xf32, #tpu.memory_space<vmem>> -> memref<1x128xf32, #tpu.memory_space<vmem>>
        %swap3A_571 = tpu.memref_squeeze %swap3A_570 : memref<1x128xf32, #tpu.memory_space<vmem>> -> memref<128xf32, #tpu.memory_space<vmem>>
        %swap3A_572 = arith.constant 112 : index
        %swap3A_573 = tpu.vector_load %swap3A_571[%swap3A_572] {strides = array<i32>} : memref<128xf32, #tpu.memory_space<vmem>>, vector<16xf32>,
        %swap3A_574 = vector.shape_cast %swap3A_573 : vector<16xf32> to vector<16xf32>
        %swap3A_575 = vector.shape_cast %add3A_462 : vector<16xf32> to vector<16xf32>
        tpu.vector_store %swap3A_571[%swap3A_572], %swap3A_575 {strides = array<i32>} : memref<128xf32, #tpu.memory_space<vmem>>, vector<16xf32>,
        %add3A_576 = arith.addf %add3A_462, %get3A_568 : vector<16xf32>
        %scan3A_577 = arith.constant 4 : i32
        %scan3A_578 = arith.addi %scan3A_116, %scan3A_577 : i32
        %get3A_579 = arith.constant 0 : i32
        %get3A_580 = tpu.memref_slice %arg4[%scan3A_578, %get3A_579] : memref<256x128xf32, #tpu.memory_space<vmem>> -> memref<1x128xf32, #tpu.memory_space<vmem>>
        %get3A_581 = tpu.memref_squeeze %get3A_580 : memref<1x128xf32, #tpu.memory_space<vmem>> -> memref<128xf32, #tpu.memory_space<vmem>>
        %get3A_582 = arith.constant 0 : index
        %get3A_583 = tpu.vector_load %get3A_581[%get3A_582] {strides = array<i32>} : memref<128xf32, #tpu.memory_space<vmem>>, vector<16xf32>,
        %get3A_584 = vector.shape_cast %get3A_583 : vector<16xf32> to vector<16xf32>
        %swap3A_585 = arith.constant 0 : i32
        %swap3A_586 = tpu.memref_slice %arg5[%scan3A_578, %swap3A_585] : memref<256x128xf32, #tpu.memory_space<vmem>> -> memref<1x128xf32, #tpu.memory_space<vmem>>
        %swap3A_587 = tpu.memref_squeeze %swap3A_586 : memref<1x128xf32, #tpu.memory_space<vmem>> -> memref<128xf32, #tpu.memory_space<vmem>>
        %swap3A_588 = arith.constant 0 : index
        %swap3A_589 = tpu.vector_load %swap3A_587[%swap3A_588] {strides = array<i32>} : memref<128xf32, #tpu.memory_space<vmem>>, vector<16xf32>,
        %swap3A_590 = vector.shape_cast %swap3A_589 : vector<16xf32> to vector<16xf32>
        %swap3A_591 = vector.shape_cast %add3A_478 : vector<16xf32> to vector<16xf32>
        tpu.vector_store %swap3A_587[%swap3A_588], %swap3A_591 {strides = array<i32>} : memref<128xf32, #tpu.memory_space<vmem>>, vector<16xf32>,
        %add3A_592 = arith.addf %add3A_478, %get3A_584 : vector<16xf32>
        %get3A_593 = arith.constant 0 : i32
        %get3A_594 = tpu.memref_slice %arg4[%scan3A_578, %get3A_593] : memref<256x128xf32, #tpu.memory_space<vmem>> -> memref<1x128xf32, #tpu.memory_space<vmem>>
        %get3A_595 = tpu.memref_squeeze %get3A_594 : memref<1x128xf32, #tpu.memory_space<vmem>> -> memref<128xf32, #tpu.memory_space<vmem>>
        %get3A_596 = arith.constant 16 : index
        %get3A_597 = tpu.vector_load %get3A_595[%get3A_596] {strides = array<i32>} : memref<128xf32, #tpu.memory_space<vmem>>, vector<16xf32>,
        %get3A_598 = vector.shape_cast %get3A_597 : vector<16xf32> to vector<16xf32>
        %swap3A_599 = arith.constant 0 : i32
        %swap3A_600 = tpu.memref_slice %arg5[%scan3A_578, %swap3A_599] : memref<256x128xf32, #tpu.memory_space<vmem>> -> memref<1x128xf32, #tpu.memory_space<vmem>>
        %swap3A_601 = tpu.memref_squeeze %swap3A_600 : memref<1x128xf32, #tpu.memory_space<vmem>> -> memref<128xf32, #tpu.memory_space<vmem>>
        %swap3A_602 = arith.constant 16 : index
        %swap3A_603 = tpu.vector_load %swap3A_601[%swap3A_602] {strides = array<i32>} : memref<128xf32, #tpu.memory_space<vmem>>, vector<16xf32>,
        %swap3A_604 = vector.shape_cast %swap3A_603 : vector<16xf32> to vector<16xf32>
        %swap3A_605 = vector.shape_cast %add3A_492 : vector<16xf32> to vector<16xf32>
        tpu.vector_store %swap3A_601[%swap3A_602], %swap3A_605 {strides = array<i32>} : memref<128xf32, #tpu.memory_space<vmem>>, vector<16xf32>,
        %add3A_606 = arith.addf %add3A_492, %get3A_598 : vector<16xf32>
        %get3A_607 = arith.constant 0 : i32
        %get3A_608 = tpu.memref_slice %arg4[%scan3A_578, %get3A_607] : memref<256x128xf32, #tpu.memory_space<vmem>> -> memref<1x128xf32, #tpu.memory_space<vmem>>
        %get3A_609 = tpu.memref_squeeze %get3A_608 : memref<1x128xf32, #tpu.memory_space<vmem>> -> memref<128xf32, #tpu.memory_space<vmem>>
        %get3A_610 = arith.constant 32 : index
        %get3A_611 = tpu.vector_load %get3A_609[%get3A_610] {strides = array<i32>} : memref<128xf32, #tpu.memory_space<vmem>>, vector<16xf32>,
        %get3A_612 = vector.shape_cast %get3A_611 : vector<16xf32> to vector<16xf32>
        %swap3A_613 = arith.constant 0 : i32
        %swap3A_614 = tpu.memref_slice %arg5[%scan3A_578, %swap3A_613] : memref<256x128xf32, #tpu.memory_space<vmem>> -> memref<1x128xf32, #tpu.memory_space<vmem>>
        %swap3A_615 = tpu.memref_squeeze %swap3A_614 : memref<1x128xf32, #tpu.memory_space<vmem>> -> memref<128xf32, #tpu.memory_space<vmem>>
        %swap3A_616 = arith.constant 32 : index
        %swap3A_617 = tpu.vector_load %swap3A_615[%swap3A_616] {strides = array<i32>} : memref<128xf32, #tpu.memory_space<vmem>>, vector<16xf32>,
        %swap3A_618 = vector.shape_cast %swap3A_617 : vector<16xf32> to vector<16xf32>
        %swap3A_619 = vector.shape_cast %add3A_506 : vector<16xf32> to vector<16xf32>
        tpu.vector_store %swap3A_615[%swap3A_616], %swap3A_619 {strides = array<i32>} : memref<128xf32, #tpu.memory_space<vmem>>, vector<16xf32>,
        %add3A_620 = arith.addf %add3A_506, %get3A_612 : vector<16xf32>
        %get3A_621 = arith.constant 0 : i32
        %get3A_622 = tpu.memref_slice %arg4[%scan3A_578, %get3A_621] : memref<256x128xf32, #tpu.memory_space<vmem>> -> memref<1x128xf32, #tpu.memory_space<vmem>>
        %get3A_623 = tpu.memref_squeeze %get3A_622 : memref<1x128xf32, #tpu.memory_space<vmem>> -> memref<128xf32, #tpu.memory_space<vmem>>
        %get3A_624 = arith.constant 48 : index
        %get3A_625 = tpu.vector_load %get3A_623[%get3A_624] {strides = array<i32>} : memref<128xf32, #tpu.memory_space<vmem>>, vector<16xf32>,
        %get3A_626 = vector.shape_cast %get3A_625 : vector<16xf32> to vector<16xf32>
        %swap3A_627 = arith.constant 0 : i32
        %swap3A_628 = tpu.memref_slice %arg5[%scan3A_578, %swap3A_627] : memref<256x128xf32, #tpu.memory_space<vmem>> -> memref<1x128xf32, #tpu.memory_space<vmem>>
        %swap3A_629 = tpu.memref_squeeze %swap3A_628 : memref<1x128xf32, #tpu.memory_space<vmem>> -> memref<128xf32, #tpu.memory_space<vmem>>
        %swap3A_630 = arith.constant 48 : index
        %swap3A_631 = tpu.vector_load %swap3A_629[%swap3A_630] {strides = array<i32>} : memref<128xf32, #tpu.memory_space<vmem>>, vector<16xf32>,
        %swap3A_632 = vector.shape_cast %swap3A_631 : vector<16xf32> to vector<16xf32>
        %swap3A_633 = vector.shape_cast %add3A_520 : vector<16xf32> to vector<16xf32>
        tpu.vector_store %swap3A_629[%swap3A_630], %swap3A_633 {strides = array<i32>} : memref<128xf32, #tpu.memory_space<vmem>>, vector<16xf32>,
        %add3A_634 = arith.addf %add3A_520, %get3A_626 : vector<16xf32>
        %get3A_635 = arith.constant 0 : i32
        %get3A_636 = tpu.memref_slice %arg4[%scan3A_578, %get3A_635] : memref<256x128xf32, #tpu.memory_space<vmem>> -> memref<1x128xf32, #tpu.memory_space<vmem>>
        %get3A_637 = tpu.memref_squeeze %get3A_636 : memref<1x128xf32, #tpu.memory_space<vmem>> -> memref<128xf32, #tpu.memory_space<vmem>>
        %get3A_638 = arith.constant 64 : index
        %get3A_639 = tpu.vector_load %get3A_637[%get3A_638] {strides = array<i32>} : memref<128xf32, #tpu.memory_space<vmem>>, vector<16xf32>,
        %get3A_640 = vector.shape_cast %get3A_639 : vector<16xf32> to vector<16xf32>
        %swap3A_641 = arith.constant 0 : i32
        %swap3A_642 = tpu.memref_slice %arg5[%scan3A_578, %swap3A_641] : memref<256x128xf32, #tpu.memory_space<vmem>> -> memref<1x128xf32, #tpu.memory_space<vmem>>
        %swap3A_643 = tpu.memref_squeeze %swap3A_642 : memref<1x128xf32, #tpu.memory_space<vmem>> -> memref<128xf32, #tpu.memory_space<vmem>>
        %swap3A_644 = arith.constant 64 : index
        %swap3A_645 = tpu.vector_load %swap3A_643[%swap3A_644] {strides = array<i32>} : memref<128xf32, #tpu.memory_space<vmem>>, vector<16xf32>,
        %swap3A_646 = vector.shape_cast %swap3A_645 : vector<16xf32> to vector<16xf32>
        %swap3A_647 = vector.shape_cast %add3A_534 : vector<16xf32> to vector<16xf32>
        tpu.vector_store %swap3A_643[%swap3A_644], %swap3A_647 {strides = array<i32>} : memref<128xf32, #tpu.memory_space<vmem>>, vector<16xf32>,
        %add3A_648 = arith.addf %add3A_534, %get3A_640 : vector<16xf32>
        %get3A_649 = arith.constant 0 : i32
        %get3A_650 = tpu.memref_slice %arg4[%scan3A_578, %get3A_649] : memref<256x128xf32, #tpu.memory_space<vmem>> -> memref<1x128xf32, #tpu.memory_space<vmem>>
        %get3A_651 = tpu.memref_squeeze %get3A_650 : memref<1x128xf32, #tpu.memory_space<vmem>> -> memref<128xf32, #tpu.memory_space<vmem>>
        %get3A_652 = arith.constant 80 : index
        %get3A_653 = tpu.vector_load %get3A_651[%get3A_652] {strides = array<i32>} : memref<128xf32, #tpu.memory_space<vmem>>, vector<16xf32>,
        %get3A_654 = vector.shape_cast %get3A_653 : vector<16xf32> to vector<16xf32>
        %swap3A_655 = arith.constant 0 : i32
        %swap3A_656 = tpu.memref_slice %arg5[%scan3A_578, %swap3A_655] : memref<256x128xf32, #tpu.memory_space<vmem>> -> memref<1x128xf32, #tpu.memory_space<vmem>>
        %swap3A_657 = tpu.memref_squeeze %swap3A_656 : memref<1x128xf32, #tpu.memory_space<vmem>> -> memref<128xf32, #tpu.memory_space<vmem>>
        %swap3A_658 = arith.constant 80 : index
        %swap3A_659 = tpu.vector_load %swap3A_657[%swap3A_658] {strides = array<i32>} : memref<128xf32, #tpu.memory_space<vmem>>, vector<16xf32>,
        %swap3A_660 = vector.shape_cast %swap3A_659 : vector<16xf32> to vector<16xf32>
        %swap3A_661 = vector.shape_cast %add3A_548 : vector<16xf32> to vector<16xf32>
        tpu.vector_store %swap3A_657[%swap3A_658], %swap3A_661 {strides = array<i32>} : memref<128xf32, #tpu.memory_space<vmem>>, vector<16xf32>,
        %add3A_662 = arith.addf %add3A_548, %get3A_654 : vector<16xf32>
        %get3A_663 = arith.constant 0 : i32
        %get3A_664 = tpu.memref_slice %arg4[%scan3A_578, %get3A_663] : memref<256x128xf32, #tpu.memory_space<vmem>> -> memref<1x128xf32, #tpu.memory_space<vmem>>
        %get3A_665 = tpu.memref_squeeze %get3A_664 : memref<1x128xf32, #tpu.memory_space<vmem>> -> memref<128xf32, #tpu.memory_space<vmem>>
        %get3A_666 = arith.constant 96 : index
        %get3A_667 = tpu.vector_load %get3A_665[%get3A_666] {strides = array<i32>} : memref<128xf32, #tpu.memory_space<vmem>>, vector<16xf32>,
        %get3A_668 = vector.shape_cast %get3A_667 : vector<16xf32> to vector<16xf32>
        %swap3A_669 = arith.constant 0 : i32
        %swap3A_670 = tpu.memref_slice %arg5[%scan3A_578, %swap3A_669] : memref<256x128xf32, #tpu.memory_space<vmem>> -> memref<1x128xf32, #tpu.memory_space<vmem>>
        %swap3A_671 = tpu.memref_squeeze %swap3A_670 : memref<1x128xf32, #tpu.memory_space<vmem>> -> memref<128xf32, #tpu.memory_space<vmem>>
        %swap3A_672 = arith.constant 96 : index
        %swap3A_673 = tpu.vector_load %swap3A_671[%swap3A_672] {strides = array<i32>} : memref<128xf32, #tpu.memory_space<vmem>>, vector<16xf32>,
        %swap3A_674 = vector.shape_cast %swap3A_673 : vector<16xf32> to vector<16xf32>
        %swap3A_675 = vector.shape_cast %add3A_562 : vector<16xf32> to vector<16xf32>
        tpu.vector_store %swap3A_671[%swap3A_672], %swap3A_675 {strides = array<i32>} : memref<128xf32, #tpu.memory_space<vmem>>, vector<16xf32>,
        %add3A_676 = arith.addf %add3A_562, %get3A_668 : vector<16xf32>
        %get3A_677 = arith.constant 0 : i32
        %get3A_678 = tpu.memref_slice %arg4[%scan3A_578, %get3A_677] : memref<256x128xf32, #tpu.memory_space<vmem>> -> memref<1x128xf32, #tpu.memory_space<vmem>>
        %get3A_679 = tpu.memref_squeeze %get3A_678 : memref<1x128xf32, #tpu.memory_space<vmem>> -> memref<128xf32, #tpu.memory_space<vmem>>
        %get3A_680 = arith.constant 112 : index
        %get3A_681 = tpu.vector_load %get3A_679[%get3A_680] {strides = array<i32>} : memref<128xf32, #tpu.memory_space<vmem>>, vector<16xf32>,
        %get3A_682 = vector.shape_cast %get3A_681 : vector<16xf32> to vector<16xf32>
        %swap3A_683 = arith.constant 0 : i32
        %swap3A_684 = tpu.memref_slice %arg5[%scan3A_578, %swap3A_683] : memref<256x128xf32, #tpu.memory_space<vmem>> -> memref<1x128xf32, #tpu.memory_space<vmem>>
        %swap3A_685 = tpu.memref_squeeze %swap3A_684 : memref<1x128xf32, #tpu.memory_space<vmem>> -> memref<128xf32, #tpu.memory_space<vmem>>
        %swap3A_686 = arith.constant 112 : index
        %swap3A_687 = tpu.vector_load %swap3A_685[%swap3A_686] {strides = array<i32>} : memref<128xf32, #tpu.memory_space<vmem>>, vector<16xf32>,
        %swap3A_688 = vector.shape_cast %swap3A_687 : vector<16xf32> to vector<16xf32>
        %swap3A_689 = vector.shape_cast %add3A_576 : vector<16xf32> to vector<16xf32>
        tpu.vector_store %swap3A_685[%swap3A_686], %swap3A_689 {strides = array<i32>} : memref<128xf32, #tpu.memory_space<vmem>>, vector<16xf32>,
        %add3A_690 = arith.addf %add3A_576, %get3A_682 : vector<16xf32>
        %scan3A_691 = arith.constant 5 : i32
        %scan3A_692 = arith.addi %scan3A_116, %scan3A_691 : i32
        %get3A_693 = arith.constant 0 : i32
        %get3A_694 = tpu.memref_slice %arg4[%scan3A_692, %get3A_693] : memref<256x128xf32, #tpu.memory_space<vmem>> -> memref<1x128xf32, #tpu.memory_space<vmem>>
        %get3A_695 = tpu.memref_squeeze %get3A_694 : memref<1x128xf32, #tpu.memory_space<vmem>> -> memref<128xf32, #tpu.memory_space<vmem>>
        %get3A_696 = arith.constant 0 : index
        %get3A_697 = tpu.vector_load %get3A_695[%get3A_696] {strides = array<i32>} : memref<128xf32, #tpu.memory_space<vmem>>, vector<16xf32>,
        %get3A_698 = vector.shape_cast %get3A_697 : vector<16xf32> to vector<16xf32>
        %swap3A_699 = arith.constant 0 : i32
        %swap3A_700 = tpu.memref_slice %arg5[%scan3A_692, %swap3A_699] : memref<256x128xf32, #tpu.memory_space<vmem>> -> memref<1x128xf32, #tpu.memory_space<vmem>>
        %swap3A_701 = tpu.memref_squeeze %swap3A_700 : memref<1x128xf32, #tpu.memory_space<vmem>> -> memref<128xf32, #tpu.memory_space<vmem>>
        %swap3A_702 = arith.constant 0 : index
        %swap3A_703 = tpu.vector_load %swap3A_701[%swap3A_702] {strides = array<i32>} : memref<128xf32, #tpu.memory_space<vmem>>, vector<16xf32>,
        %swap3A_704 = vector.shape_cast %swap3A_703 : vector<16xf32> to vector<16xf32>
        %swap3A_705 = vector.shape_cast %add3A_592 : vector<16xf32> to vector<16xf32>
        tpu.vector_store %swap3A_701[%swap3A_702], %swap3A_705 {strides = array<i32>} : memref<128xf32, #tpu.memory_space<vmem>>, vector<16xf32>,
        %add3A_706 = arith.addf %add3A_592, %get3A_698 : vector<16xf32>
        %get3A_707 = arith.constant 0 : i32
        %get3A_708 = tpu.memref_slice %arg4[%scan3A_692, %get3A_707] : memref<256x128xf32, #tpu.memory_space<vmem>> -> memref<1x128xf32, #tpu.memory_space<vmem>>
        %get3A_709 = tpu.memref_squeeze %get3A_708 : memref<1x128xf32, #tpu.memory_space<vmem>> -> memref<128xf32, #tpu.memory_space<vmem>>
        %get3A_710 = arith.constant 16 : index
        %get3A_711 = tpu.vector_load %get3A_709[%get3A_710] {strides = array<i32>} : memref<128xf32, #tpu.memory_space<vmem>>, vector<16xf32>,
        %get3A_712 = vector.shape_cast %get3A_711 : vector<16xf32> to vector<16xf32>
        %swap3A_713 = arith.constant 0 : i32
        %swap3A_714 = tpu.memref_slice %arg5[%scan3A_692, %swap3A_713] : memref<256x128xf32, #tpu.memory_space<vmem>> -> memref<1x128xf32, #tpu.memory_space<vmem>>
        %swap3A_715 = tpu.memref_squeeze %swap3A_714 : memref<1x128xf32, #tpu.memory_space<vmem>> -> memref<128xf32, #tpu.memory_space<vmem>>
        %swap3A_716 = arith.constant 16 : index
        %swap3A_717 = tpu.vector_load %swap3A_715[%swap3A_716] {strides = array<i32>} : memref<128xf32, #tpu.memory_space<vmem>>, vector<16xf32>,
        %swap3A_718 = vector.shape_cast %swap3A_717 : vector<16xf32> to vector<16xf32>
        %swap3A_719 = vector.shape_cast %add3A_606 : vector<16xf32> to vector<16xf32>
        tpu.vector_store %swap3A_715[%swap3A_716], %swap3A_719 {strides = array<i32>} : memref<128xf32, #tpu.memory_space<vmem>>, vector<16xf32>,
        %add3A_720 = arith.addf %add3A_606, %get3A_712 : vector<16xf32>
        %get3A_721 = arith.constant 0 : i32
        %get3A_722 = tpu.memref_slice %arg4[%scan3A_692, %get3A_721] : memref<256x128xf32, #tpu.memory_space<vmem>> -> memref<1x128xf32, #tpu.memory_space<vmem>>
        %get3A_723 = tpu.memref_squeeze %get3A_722 : memref<1x128xf32, #tpu.memory_space<vmem>> -> memref<128xf32, #tpu.memory_space<vmem>>
        %get3A_724 = arith.constant 32 : index
        %get3A_725 = tpu.vector_load %get3A_723[%get3A_724] {strides = array<i32>} : memref<128xf32, #tpu.memory_space<vmem>>, vector<16xf32>,
        %get3A_726 = vector.shape_cast %get3A_725 : vector<16xf32> to vector<16xf32>
        %swap3A_727 = arith.constant 0 : i32
        %swap3A_728 = tpu.memref_slice %arg5[%scan3A_692, %swap3A_727] : memref<256x128xf32, #tpu.memory_space<vmem>> -> memref<1x128xf32, #tpu.memory_space<vmem>>
        %swap3A_729 = tpu.memref_squeeze %swap3A_728 : memref<1x128xf32, #tpu.memory_space<vmem>> -> memref<128xf32, #tpu.memory_space<vmem>>
        %swap3A_730 = arith.constant 32 : index
        %swap3A_731 = tpu.vector_load %swap3A_729[%swap3A_730] {strides = array<i32>} : memref<128xf32, #tpu.memory_space<vmem>>, vector<16xf32>,
        %swap3A_732 = vector.shape_cast %swap3A_731 : vector<16xf32> to vector<16xf32>
        %swap3A_733 = vector.shape_cast %add3A_620 : vector<16xf32> to vector<16xf32>
        tpu.vector_store %swap3A_729[%swap3A_730], %swap3A_733 {strides = array<i32>} : memref<128xf32, #tpu.memory_space<vmem>>, vector<16xf32>,
        %add3A_734 = arith.addf %add3A_620, %get3A_726 : vector<16xf32>
        %get3A_735 = arith.constant 0 : i32
        %get3A_736 = tpu.memref_slice %arg4[%scan3A_692, %get3A_735] : memref<256x128xf32, #tpu.memory_space<vmem>> -> memref<1x128xf32, #tpu.memory_space<vmem>>
        %get3A_737 = tpu.memref_squeeze %get3A_736 : memref<1x128xf32, #tpu.memory_space<vmem>> -> memref<128xf32, #tpu.memory_space<vmem>>
        %get3A_738 = arith.constant 48 : index
        %get3A_739 = tpu.vector_load %get3A_737[%get3A_738] {strides = array<i32>} : memref<128xf32, #tpu.memory_space<vmem>>, vector<16xf32>,
        %get3A_740 = vector.shape_cast %get3A_739 : vector<16xf32> to vector<16xf32>
        %swap3A_741 = arith.constant 0 : i32
        %swap3A_742 = tpu.memref_slice %arg5[%scan3A_692, %swap3A_741] : memref<256x128xf32, #tpu.memory_space<vmem>> -> memref<1x128xf32, #tpu.memory_space<vmem>>
        %swap3A_743 = tpu.memref_squeeze %swap3A_742 : memref<1x128xf32, #tpu.memory_space<vmem>> -> memref<128xf32, #tpu.memory_space<vmem>>
        %swap3A_744 = arith.constant 48 : index
        %swap3A_745 = tpu.vector_load %swap3A_743[%swap3A_744] {strides = array<i32>} : memref<128xf32, #tpu.memory_space<vmem>>, vector<16xf32>,
        %swap3A_746 = vector.shape_cast %swap3A_745 : vector<16xf32> to vector<16xf32>
        %swap3A_747 = vector.shape_cast %add3A_634 : vector<16xf32> to vector<16xf32>
        tpu.vector_store %swap3A_743[%swap3A_744], %swap3A_747 {strides = array<i32>} : memref<128xf32, #tpu.memory_space<vmem>>, vector<16xf32>,
        %add3A_748 = arith.addf %add3A_634, %get3A_740 : vector<16xf32>
        %get3A_749 = arith.constant 0 : i32
        %get3A_750 = tpu.memref_slice %arg4[%scan3A_692, %get3A_749] : memref<256x128xf32, #tpu.memory_space<vmem>> -> memref<1x128xf32, #tpu.memory_space<vmem>>
        %get3A_751 = tpu.memref_squeeze %get3A_750 : memref<1x128xf32, #tpu.memory_space<vmem>> -> memref<128xf32, #tpu.memory_space<vmem>>
        %get3A_752 = arith.constant 64 : index
        %get3A_753 = tpu.vector_load %get3A_751[%get3A_752] {strides = array<i32>} : memref<128xf32, #tpu.memory_space<vmem>>, vector<16xf32>,
        %get3A_754 = vector.shape_cast %get3A_753 : vector<16xf32> to vector<16xf32>
        %swap3A_755 = arith.constant 0 : i32
        %swap3A_756 = tpu.memref_slice %arg5[%scan3A_692, %swap3A_755] : memref<256x128xf32, #tpu.memory_space<vmem>> -> memref<1x128xf32, #tpu.memory_space<vmem>>
        %swap3A_757 = tpu.memref_squeeze %swap3A_756 : memref<1x128xf32, #tpu.memory_space<vmem>> -> memref<128xf32, #tpu.memory_space<vmem>>
        %swap3A_758 = arith.constant 64 : index
        %swap3A_759 = tpu.vector_load %swap3A_757[%swap3A_758] {strides = array<i32>} : memref<128xf32, #tpu.memory_space<vmem>>, vector<16xf32>,
        %swap3A_760 = vector.shape_cast %swap3A_759 : vector<16xf32> to vector<16xf32>
        %swap3A_761 = vector.shape_cast %add3A_648 : vector<16xf32> to vector<16xf32>
        tpu.vector_store %swap3A_757[%swap3A_758], %swap3A_761 {strides = array<i32>} : memref<128xf32, #tpu.memory_space<vmem>>, vector<16xf32>,
        %add3A_762 = arith.addf %add3A_648, %get3A_754 : vector<16xf32>
        %get3A_763 = arith.constant 0 : i32
        %get3A_764 = tpu.memref_slice %arg4[%scan3A_692, %get3A_763] : memref<256x128xf32, #tpu.memory_space<vmem>> -> memref<1x128xf32, #tpu.memory_space<vmem>>
        %get3A_765 = tpu.memref_squeeze %get3A_764 : memref<1x128xf32, #tpu.memory_space<vmem>> -> memref<128xf32, #tpu.memory_space<vmem>>
        %get3A_766 = arith.constant 80 : index
        %get3A_767 = tpu.vector_load %get3A_765[%get3A_766] {strides = array<i32>} : memref<128xf32, #tpu.memory_space<vmem>>, vector<16xf32>,
        %get3A_768 = vector.shape_cast %get3A_767 : vector<16xf32> to vector<16xf32>
        %swap3A_769 = arith.constant 0 : i32
        %swap3A_770 = tpu.memref_slice %arg5[%scan3A_692, %swap3A_769] : memref<256x128xf32, #tpu.memory_space<vmem>> -> memref<1x128xf32, #tpu.memory_space<vmem>>
        %swap3A_771 = tpu.memref_squeeze %swap3A_770 : memref<1x128xf32, #tpu.memory_space<vmem>> -> memref<128xf32, #tpu.memory_space<vmem>>
        %swap3A_772 = arith.constant 80 : index
        %swap3A_773 = tpu.vector_load %swap3A_771[%swap3A_772] {strides = array<i32>} : memref<128xf32, #tpu.memory_space<vmem>>, vector<16xf32>,
        %swap3A_774 = vector.shape_cast %swap3A_773 : vector<16xf32> to vector<16xf32>
        %swap3A_775 = vector.shape_cast %add3A_662 : vector<16xf32> to vector<16xf32>
        tpu.vector_store %swap3A_771[%swap3A_772], %swap3A_775 {strides = array<i32>} : memref<128xf32, #tpu.memory_space<vmem>>, vector<16xf32>,
        %add3A_776 = arith.addf %add3A_662, %get3A_768 : vector<16xf32>
        %get3A_777 = arith.constant 0 : i32
        %get3A_778 = tpu.memref_slice %arg4[%scan3A_692, %get3A_777] : memref<256x128xf32, #tpu.memory_space<vmem>> -> memref<1x128xf32, #tpu.memory_space<vmem>>
        %get3A_779 = tpu.memref_squeeze %get3A_778 : memref<1x128xf32, #tpu.memory_space<vmem>> -> memref<128xf32, #tpu.memory_space<vmem>>
        %get3A_780 = arith.constant 96 : index
        %get3A_781 = tpu.vector_load %get3A_779[%get3A_780] {strides = array<i32>} : memref<128xf32, #tpu.memory_space<vmem>>, vector<16xf32>,
        %get3A_782 = vector.shape_cast %get3A_781 : vector<16xf32> to vector<16xf32>
        %swap3A_783 = arith.constant 0 : i32
        %swap3A_784 = tpu.memref_slice %arg5[%scan3A_692, %swap3A_783] : memref<256x128xf32, #tpu.memory_space<vmem>> -> memref<1x128xf32, #tpu.memory_space<vmem>>
        %swap3A_785 = tpu.memref_squeeze %swap3A_784 : memref<1x128xf32, #tpu.memory_space<vmem>> -> memref<128xf32, #tpu.memory_space<vmem>>
        %swap3A_786 = arith.constant 96 : index
        %swap3A_787 = tpu.vector_load %swap3A_785[%swap3A_786] {strides = array<i32>} : memref<128xf32, #tpu.memory_space<vmem>>, vector<16xf32>,
        %swap3A_788 = vector.shape_cast %swap3A_787 : vector<16xf32> to vector<16xf32>
        %swap3A_789 = vector.shape_cast %add3A_676 : vector<16xf32> to vector<16xf32>
        tpu.vector_store %swap3A_785[%swap3A_786], %swap3A_789 {strides = array<i32>} : memref<128xf32, #tpu.memory_space<vmem>>, vector<16xf32>,
        %add3A_790 = arith.addf %add3A_676, %get3A_782 : vector<16xf32>
        %get3A_791 = arith.constant 0 : i32
        %get3A_792 = tpu.memref_slice %arg4[%scan3A_692, %get3A_791] : memref<256x128xf32, #tpu.memory_space<vmem>> -> memref<1x128xf32, #tpu.memory_space<vmem>>
        %get3A_793 = tpu.memref_squeeze %get3A_792 : memref<1x128xf32, #tpu.memory_space<vmem>> -> memref<128xf32, #tpu.memory_space<vmem>>
        %get3A_794 = arith.constant 112 : index
        %get3A_795 = tpu.vector_load %get3A_793[%get3A_794] {strides = array<i32>} : memref<128xf32, #tpu.memory_space<vmem>>, vector<16xf32>,
        %get3A_796 = vector.shape_cast %get3A_795 : vector<16xf32> to vector<16xf32>
        %swap3A_797 = arith.constant 0 : i32
        %swap3A_798 = tpu.memref_slice %arg5[%scan3A_692, %swap3A_797] : memref<256x128xf32, #tpu.memory_space<vmem>> -> memref<1x128xf32, #tpu.memory_space<vmem>>
        %swap3A_799 = tpu.memref_squeeze %swap3A_798 : memref<1x128xf32, #tpu.memory_space<vmem>> -> memref<128xf32, #tpu.memory_space<vmem>>
        %swap3A_800 = arith.constant 112 : index
        %swap3A_801 = tpu.vector_load %swap3A_799[%swap3A_800] {strides = array<i32>} : memref<128xf32, #tpu.memory_space<vmem>>, vector<16xf32>,
        %swap3A_802 = vector.shape_cast %swap3A_801 : vector<16xf32> to vector<16xf32>
        %swap3A_803 = vector.shape_cast %add3A_690 : vector<16xf32> to vector<16xf32>
        tpu.vector_store %swap3A_799[%swap3A_800], %swap3A_803 {strides = array<i32>} : memref<128xf32, #tpu.memory_space<vmem>>, vector<16xf32>,
        %add3A_804 = arith.addf %add3A_690, %get3A_796 : vector<16xf32>
        %scan3A_805 = arith.constant 6 : i32
        %scan3A_806 = arith.addi %scan3A_116, %scan3A_805 : i32
        %get3A_807 = arith.constant 0 : i32
        %get3A_808 = tpu.memref_slice %arg4[%scan3A_806, %get3A_807] : memref<256x128xf32, #tpu.memory_space<vmem>> -> memref<1x128xf32, #tpu.memory_space<vmem>>
        %get3A_809 = tpu.memref_squeeze %get3A_808 : memref<1x128xf32, #tpu.memory_space<vmem>> -> memref<128xf32, #tpu.memory_space<vmem>>
        %get3A_810 = arith.constant 0 : index
        %get3A_811 = tpu.vector_load %get3A_809[%get3A_810] {strides = array<i32>} : memref<128xf32, #tpu.memory_space<vmem>>, vector<16xf32>,
        %get3A_812 = vector.shape_cast %get3A_811 : vector<16xf32> to vector<16xf32>
        %swap3A_813 = arith.constant 0 : i32
        %swap3A_814 = tpu.memref_slice %arg5[%scan3A_806, %swap3A_813] : memref<256x128xf32, #tpu.memory_space<vmem>> -> memref<1x128xf32, #tpu.memory_space<vmem>>
        %swap3A_815 = tpu.memref_squeeze %swap3A_814 : memref<1x128xf32, #tpu.memory_space<vmem>> -> memref<128xf32, #tpu.memory_space<vmem>>
        %swap3A_816 = arith.constant 0 : index
        %swap3A_817 = tpu.vector_load %swap3A_815[%swap3A_816] {strides = array<i32>} : memref<128xf32, #tpu.memory_space<vmem>>, vector<16xf32>,
        %swap3A_818 = vector.shape_cast %swap3A_817 : vector<16xf32> to vector<16xf32>
        %swap3A_819 = vector.shape_cast %add3A_706 : vector<16xf32> to vector<16xf32>
        tpu.vector_store %swap3A_815[%swap3A_816], %swap3A_819 {strides = array<i32>} : memref<128xf32, #tpu.memory_space<vmem>>, vector<16xf32>,
        %add3A_820 = arith.addf %add3A_706, %get3A_812 : vector<16xf32>
        %get3A_821 = arith.constant 0 : i32
        %get3A_822 = tpu.memref_slice %arg4[%scan3A_806, %get3A_821] : memref<256x128xf32, #tpu.memory_space<vmem>> -> memref<1x128xf32, #tpu.memory_space<vmem>>
        %get3A_823 = tpu.memref_squeeze %get3A_822 : memref<1x128xf32, #tpu.memory_space<vmem>> -> memref<128xf32, #tpu.memory_space<vmem>>
        %get3A_824 = arith.constant 16 : index
        %get3A_825 = tpu.vector_load %get3A_823[%get3A_824] {strides = array<i32>} : memref<128xf32, #tpu.memory_space<vmem>>, vector<16xf32>,
        %get3A_826 = vector.shape_cast %get3A_825 : vector<16xf32> to vector<16xf32>
        %swap3A_827 = arith.constant 0 : i32
        %swap3A_828 = tpu.memref_slice %arg5[%scan3A_806, %swap3A_827] : memref<256x128xf32, #tpu.memory_space<vmem>> -> memref<1x128xf32, #tpu.memory_space<vmem>>
        %swap3A_829 = tpu.memref_squeeze %swap3A_828 : memref<1x128xf32, #tpu.memory_space<vmem>> -> memref<128xf32, #tpu.memory_space<vmem>>
        %swap3A_830 = arith.constant 16 : index
        %swap3A_831 = tpu.vector_load %swap3A_829[%swap3A_830] {strides = array<i32>} : memref<128xf32, #tpu.memory_space<vmem>>, vector<16xf32>,
        %swap3A_832 = vector.shape_cast %swap3A_831 : vector<16xf32> to vector<16xf32>
        %swap3A_833 = vector.shape_cast %add3A_720 : vector<16xf32> to vector<16xf32>
        tpu.vector_store %swap3A_829[%swap3A_830], %swap3A_833 {strides = array<i32>} : memref<128xf32, #tpu.memory_space<vmem>>, vector<16xf32>,
        %add3A_834 = arith.addf %add3A_720, %get3A_826 : vector<16xf32>
        %get3A_835 = arith.constant 0 : i32
        %get3A_836 = tpu.memref_slice %arg4[%scan3A_806, %get3A_835] : memref<256x128xf32, #tpu.memory_space<vmem>> -> memref<1x128xf32, #tpu.memory_space<vmem>>
        %get3A_837 = tpu.memref_squeeze %get3A_836 : memref<1x128xf32, #tpu.memory_space<vmem>> -> memref<128xf32, #tpu.memory_space<vmem>>
        %get3A_838 = arith.constant 32 : index
        %get3A_839 = tpu.vector_load %get3A_837[%get3A_838] {strides = array<i32>} : memref<128xf32, #tpu.memory_space<vmem>>, vector<16xf32>,
        %get3A_840 = vector.shape_cast %get3A_839 : vector<16xf32> to vector<16xf32>
        %swap3A_841 = arith.constant 0 : i32
        %swap3A_842 = tpu.memref_slice %arg5[%scan3A_806, %swap3A_841] : memref<256x128xf32, #tpu.memory_space<vmem>> -> memref<1x128xf32, #tpu.memory_space<vmem>>
        %swap3A_843 = tpu.memref_squeeze %swap3A_842 : memref<1x128xf32, #tpu.memory_space<vmem>> -> memref<128xf32, #tpu.memory_space<vmem>>
        %swap3A_844 = arith.constant 32 : index
        %swap3A_845 = tpu.vector_load %swap3A_843[%swap3A_844] {strides = array<i32>} : memref<128xf32, #tpu.memory_space<vmem>>, vector<16xf32>,
        %swap3A_846 = vector.shape_cast %swap3A_845 : vector<16xf32> to vector<16xf32>
        %swap3A_847 = vector.shape_cast %add3A_734 : vector<16xf32> to vector<16xf32>
        tpu.vector_store %swap3A_843[%swap3A_844], %swap3A_847 {strides = array<i32>} : memref<128xf32, #tpu.memory_space<vmem>>, vector<16xf32>,
        %add3A_848 = arith.addf %add3A_734, %get3A_840 : vector<16xf32>
        %get3A_849 = arith.constant 0 : i32
        %get3A_850 = tpu.memref_slice %arg4[%scan3A_806, %get3A_849] : memref<256x128xf32, #tpu.memory_space<vmem>> -> memref<1x128xf32, #tpu.memory_space<vmem>>
        %get3A_851 = tpu.memref_squeeze %get3A_850 : memref<1x128xf32, #tpu.memory_space<vmem>> -> memref<128xf32, #tpu.memory_space<vmem>>
        %get3A_852 = arith.constant 48 : index
        %get3A_853 = tpu.vector_load %get3A_851[%get3A_852] {strides = array<i32>} : memref<128xf32, #tpu.memory_space<vmem>>, vector<16xf32>,
        %get3A_854 = vector.shape_cast %get3A_853 : vector<16xf32> to vector<16xf32>
        %swap3A_855 = arith.constant 0 : i32
        %swap3A_856 = tpu.memref_slice %arg5[%scan3A_806, %swap3A_855] : memref<256x128xf32, #tpu.memory_space<vmem>> -> memref<1x128xf32, #tpu.memory_space<vmem>>
        %swap3A_857 = tpu.memref_squeeze %swap3A_856 : memref<1x128xf32, #tpu.memory_space<vmem>> -> memref<128xf32, #tpu.memory_space<vmem>>
        %swap3A_858 = arith.constant 48 : index
        %swap3A_859 = tpu.vector_load %swap3A_857[%swap3A_858] {strides = array<i32>} : memref<128xf32, #tpu.memory_space<vmem>>, vector<16xf32>,
        %swap3A_860 = vector.shape_cast %swap3A_859 : vector<16xf32> to vector<16xf32>
        %swap3A_861 = vector.shape_cast %add3A_748 : vector<16xf32> to vector<16xf32>
        tpu.vector_store %swap3A_857[%swap3A_858], %swap3A_861 {strides = array<i32>} : memref<128xf32, #tpu.memory_space<vmem>>, vector<16xf32>,
        %add3A_862 = arith.addf %add3A_748, %get3A_854 : vector<16xf32>
        %get3A_863 = arith.constant 0 : i32
        %get3A_864 = tpu.memref_slice %arg4[%scan3A_806, %get3A_863] : memref<256x128xf32, #tpu.memory_space<vmem>> -> memref<1x128xf32, #tpu.memory_space<vmem>>
        %get3A_865 = tpu.memref_squeeze %get3A_864 : memref<1x128xf32, #tpu.memory_space<vmem>> -> memref<128xf32, #tpu.memory_space<vmem>>
        %get3A_866 = arith.constant 64 : index
        %get3A_867 = tpu.vector_load %get3A_865[%get3A_866] {strides = array<i32>} : memref<128xf32, #tpu.memory_space<vmem>>, vector<16xf32>,
        %get3A_868 = vector.shape_cast %get3A_867 : vector<16xf32> to vector<16xf32>
        %swap3A_869 = arith.constant 0 : i32
        %swap3A_870 = tpu.memref_slice %arg5[%scan3A_806, %swap3A_869] : memref<256x128xf32, #tpu.memory_space<vmem>> -> memref<1x128xf32, #tpu.memory_space<vmem>>
        %swap3A_871 = tpu.memref_squeeze %swap3A_870 : memref<1x128xf32, #tpu.memory_space<vmem>> -> memref<128xf32, #tpu.memory_space<vmem>>
        %swap3A_872 = arith.constant 64 : index
        %swap3A_873 = tpu.vector_load %swap3A_871[%swap3A_872] {strides = array<i32>} : memref<128xf32, #tpu.memory_space<vmem>>, vector<16xf32>,
        %swap3A_874 = vector.shape_cast %swap3A_873 : vector<16xf32> to vector<16xf32>
        %swap3A_875 = vector.shape_cast %add3A_762 : vector<16xf32> to vector<16xf32>
        tpu.vector_store %swap3A_871[%swap3A_872], %swap3A_875 {strides = array<i32>} : memref<128xf32, #tpu.memory_space<vmem>>, vector<16xf32>,
        %add3A_876 = arith.addf %add3A_762, %get3A_868 : vector<16xf32>
        %get3A_877 = arith.constant 0 : i32
        %get3A_878 = tpu.memref_slice %arg4[%scan3A_806, %get3A_877] : memref<256x128xf32, #tpu.memory_space<vmem>> -> memref<1x128xf32, #tpu.memory_space<vmem>>
        %get3A_879 = tpu.memref_squeeze %get3A_878 : memref<1x128xf32, #tpu.memory_space<vmem>> -> memref<128xf32, #tpu.memory_space<vmem>>
        %get3A_880 = arith.constant 80 : index
        %get3A_881 = tpu.vector_load %get3A_879[%get3A_880] {strides = array<i32>} : memref<128xf32, #tpu.memory_space<vmem>>, vector<16xf32>,
        %get3A_882 = vector.shape_cast %get3A_881 : vector<16xf32> to vector<16xf32>
        %swap3A_883 = arith.constant 0 : i32
        %swap3A_884 = tpu.memref_slice %arg5[%scan3A_806, %swap3A_883] : memref<256x128xf32, #tpu.memory_space<vmem>> -> memref<1x128xf32, #tpu.memory_space<vmem>>
        %swap3A_885 = tpu.memref_squeeze %swap3A_884 : memref<1x128xf32, #tpu.memory_space<vmem>> -> memref<128xf32, #tpu.memory_space<vmem>>
        %swap3A_886 = arith.constant 80 : index
        %swap3A_887 = tpu.vector_load %swap3A_885[%swap3A_886] {strides = array<i32>} : memref<128xf32, #tpu.memory_space<vmem>>, vector<16xf32>,
        %swap3A_888 = vector.shape_cast %swap3A_887 : vector<16xf32> to vector<16xf32>
        %swap3A_889 = vector.shape_cast %add3A_776 : vector<16xf32> to vector<16xf32>
        tpu.vector_store %swap3A_885[%swap3A_886], %swap3A_889 {strides = array<i32>} : memref<128xf32, #tpu.memory_space<vmem>>, vector<16xf32>,
        %add3A_890 = arith.addf %add3A_776, %get3A_882 : vector<16xf32>
        %get3A_891 = arith.constant 0 : i32
        %get3A_892 = tpu.memref_slice %arg4[%scan3A_806, %get3A_891] : memref<256x128xf32, #tpu.memory_space<vmem>> -> memref<1x128xf32, #tpu.memory_space<vmem>>
        %get3A_893 = tpu.memref_squeeze %get3A_892 : memref<1x128xf32, #tpu.memory_space<vmem>> -> memref<128xf32, #tpu.memory_space<vmem>>
        %get3A_894 = arith.constant 96 : index
        %get3A_895 = tpu.vector_load %get3A_893[%get3A_894] {strides = array<i32>} : memref<128xf32, #tpu.memory_space<vmem>>, vector<16xf32>,
        %get3A_896 = vector.shape_cast %get3A_895 : vector<16xf32> to vector<16xf32>
        %swap3A_897 = arith.constant 0 : i32
        %swap3A_898 = tpu.memref_slice %arg5[%scan3A_806, %swap3A_897] : memref<256x128xf32, #tpu.memory_space<vmem>> -> memref<1x128xf32, #tpu.memory_space<vmem>>
        %swap3A_899 = tpu.memref_squeeze %swap3A_898 : memref<1x128xf32, #tpu.memory_space<vmem>> -> memref<128xf32, #tpu.memory_space<vmem>>
        %swap3A_900 = arith.constant 96 : index
        %swap3A_901 = tpu.vector_load %swap3A_899[%swap3A_900] {strides = array<i32>} : memref<128xf32, #tpu.memory_space<vmem>>, vector<16xf32>,
        %swap3A_902 = vector.shape_cast %swap3A_901 : vector<16xf32> to vector<16xf32>
        %swap3A_903 = vector.shape_cast %add3A_790 : vector<16xf32> to vector<16xf32>
        tpu.vector_store %swap3A_899[%swap3A_900], %swap3A_903 {strides = array<i32>} : memref<128xf32, #tpu.memory_space<vmem>>, vector<16xf32>,
        %add3A_904 = arith.addf %add3A_790, %get3A_896 : vector<16xf32>
        %get3A_905 = arith.constant 0 : i32
        %get3A_906 = tpu.memref_slice %arg4[%scan3A_806, %get3A_905] : memref<256x128xf32, #tpu.memory_space<vmem>> -> memref<1x128xf32, #tpu.memory_space<vmem>>
        %get3A_907 = tpu.memref_squeeze %get3A_906 : memref<1x128xf32, #tpu.memory_space<vmem>> -> memref<128xf32, #tpu.memory_space<vmem>>
        %get3A_908 = arith.constant 112 : index
        %get3A_909 = tpu.vector_load %get3A_907[%get3A_908] {strides = array<i32>} : memref<128xf32, #tpu.memory_space<vmem>>, vector<16xf32>,
        %get3A_910 = vector.shape_cast %get3A_909 : vector<16xf32> to vector<16xf32>
        %swap3A_911 = arith.constant 0 : i32
        %swap3A_912 = tpu.memref_slice %arg5[%scan3A_806, %swap3A_911] : memref<256x128xf32, #tpu.memory_space<vmem>> -> memref<1x128xf32, #tpu.memory_space<vmem>>
        %swap3A_913 = tpu.memref_squeeze %swap3A_912 : memref<1x128xf32, #tpu.memory_space<vmem>> -> memref<128xf32, #tpu.memory_space<vmem>>
        %swap3A_914 = arith.constant 112 : index
        %swap3A_915 = tpu.vector_load %swap3A_913[%swap3A_914] {strides = array<i32>} : memref<128xf32, #tpu.memory_space<vmem>>, vector<16xf32>,
        %swap3A_916 = vector.shape_cast %swap3A_915 : vector<16xf32> to vector<16xf32>
        %swap3A_917 = vector.shape_cast %add3A_804 : vector<16xf32> to vector<16xf32>
        tpu.vector_store %swap3A_913[%swap3A_914], %swap3A_917 {strides = array<i32>} : memref<128xf32, #tpu.memory_space<vmem>>, vector<16xf32>,
        %add3A_918 = arith.addf %add3A_804, %get3A_910 : vector<16xf32>
        %scan3A_919 = arith.constant 7 : i32
        %scan3A_920 = arith.addi %scan3A_116, %scan3A_919 : i32
        %get3A_921 = arith.constant 0 : i32
        %get3A_922 = tpu.memref_slice %arg4[%scan3A_920, %get3A_921] : memref<256x128xf32, #tpu.memory_space<vmem>> -> memref<1x128xf32, #tpu.memory_space<vmem>>
        %get3A_923 = tpu.memref_squeeze %get3A_922 : memref<1x128xf32, #tpu.memory_space<vmem>> -> memref<128xf32, #tpu.memory_space<vmem>>
        %get3A_924 = arith.constant 0 : index
        %get3A_925 = tpu.vector_load %get3A_923[%get3A_924] {strides = array<i32>} : memref<128xf32, #tpu.memory_space<vmem>>, vector<16xf32>,
        %get3A_926 = vector.shape_cast %get3A_925 : vector<16xf32> to vector<16xf32>
        %swap3A_927 = arith.constant 0 : i32
        %swap3A_928 = tpu.memref_slice %arg5[%scan3A_920, %swap3A_927] : memref<256x128xf32, #tpu.memory_space<vmem>> -> memref<1x128xf32, #tpu.memory_space<vmem>>
        %swap3A_929 = tpu.memref_squeeze %swap3A_928 : memref<1x128xf32, #tpu.memory_space<vmem>> -> memref<128xf32, #tpu.memory_space<vmem>>
        %swap3A_930 = arith.constant 0 : index
        %swap3A_931 = tpu.vector_load %swap3A_929[%swap3A_930] {strides = array<i32>} : memref<128xf32, #tpu.memory_space<vmem>>, vector<16xf32>,
        %swap3A_932 = vector.shape_cast %swap3A_931 : vector<16xf32> to vector<16xf32>
        %swap3A_933 = vector.shape_cast %add3A_820 : vector<16xf32> to vector<16xf32>
        tpu.vector_store %swap3A_929[%swap3A_930], %swap3A_933 {strides = array<i32>} : memref<128xf32, #tpu.memory_space<vmem>>, vector<16xf32>,
        %add3A_934 = arith.addf %add3A_820, %get3A_926 : vector<16xf32>
        %get3A_935 = arith.constant 0 : i32
        %get3A_936 = tpu.memref_slice %arg4[%scan3A_920, %get3A_935] : memref<256x128xf32, #tpu.memory_space<vmem>> -> memref<1x128xf32, #tpu.memory_space<vmem>>
        %get3A_937 = tpu.memref_squeeze %get3A_936 : memref<1x128xf32, #tpu.memory_space<vmem>> -> memref<128xf32, #tpu.memory_space<vmem>>
        %get3A_938 = arith.constant 16 : index
        %get3A_939 = tpu.vector_load %get3A_937[%get3A_938] {strides = array<i32>} : memref<128xf32, #tpu.memory_space<vmem>>, vector<16xf32>,
        %get3A_940 = vector.shape_cast %get3A_939 : vector<16xf32> to vector<16xf32>
        %swap3A_941 = arith.constant 0 : i32
        %swap3A_942 = tpu.memref_slice %arg5[%scan3A_920, %swap3A_941] : memref<256x128xf32, #tpu.memory_space<vmem>> -> memref<1x128xf32, #tpu.memory_space<vmem>>
        %swap3A_943 = tpu.memref_squeeze %swap3A_942 : memref<1x128xf32, #tpu.memory_space<vmem>> -> memref<128xf32, #tpu.memory_space<vmem>>
        %swap3A_944 = arith.constant 16 : index
        %swap3A_945 = tpu.vector_load %swap3A_943[%swap3A_944] {strides = array<i32>} : memref<128xf32, #tpu.memory_space<vmem>>, vector<16xf32>,
        %swap3A_946 = vector.shape_cast %swap3A_945 : vector<16xf32> to vector<16xf32>
        %swap3A_947 = vector.shape_cast %add3A_834 : vector<16xf32> to vector<16xf32>
        tpu.vector_store %swap3A_943[%swap3A_944], %swap3A_947 {strides = array<i32>} : memref<128xf32, #tpu.memory_space<vmem>>, vector<16xf32>,
        %add3A_948 = arith.addf %add3A_834, %get3A_940 : vector<16xf32>
        %get3A_949 = arith.constant 0 : i32
        %get3A_950 = tpu.memref_slice %arg4[%scan3A_920, %get3A_949] : memref<256x128xf32, #tpu.memory_space<vmem>> -> memref<1x128xf32, #tpu.memory_space<vmem>>
        %get3A_951 = tpu.memref_squeeze %get3A_950 : memref<1x128xf32, #tpu.memory_space<vmem>> -> memref<128xf32, #tpu.memory_space<vmem>>
        %get3A_952 = arith.constant 32 : index
        %get3A_953 = tpu.vector_load %get3A_951[%get3A_952] {strides = array<i32>} : memref<128xf32, #tpu.memory_space<vmem>>, vector<16xf32>,
        %get3A_954 = vector.shape_cast %get3A_953 : vector<16xf32> to vector<16xf32>
        %swap3A_955 = arith.constant 0 : i32
        %swap3A_956 = tpu.memref_slice %arg5[%scan3A_920, %swap3A_955] : memref<256x128xf32, #tpu.memory_space<vmem>> -> memref<1x128xf32, #tpu.memory_space<vmem>>
        %swap3A_957 = tpu.memref_squeeze %swap3A_956 : memref<1x128xf32, #tpu.memory_space<vmem>> -> memref<128xf32, #tpu.memory_space<vmem>>
        %swap3A_958 = arith.constant 32 : index
        %swap3A_959 = tpu.vector_load %swap3A_957[%swap3A_958] {strides = array<i32>} : memref<128xf32, #tpu.memory_space<vmem>>, vector<16xf32>,
        %swap3A_960 = vector.shape_cast %swap3A_959 : vector<16xf32> to vector<16xf32>
        %swap3A_961 = vector.shape_cast %add3A_848 : vector<16xf32> to vector<16xf32>
        tpu.vector_store %swap3A_957[%swap3A_958], %swap3A_961 {strides = array<i32>} : memref<128xf32, #tpu.memory_space<vmem>>, vector<16xf32>,
        %add3A_962 = arith.addf %add3A_848, %get3A_954 : vector<16xf32>
        %get3A_963 = arith.constant 0 : i32
        %get3A_964 = tpu.memref_slice %arg4[%scan3A_920, %get3A_963] : memref<256x128xf32, #tpu.memory_space<vmem>> -> memref<1x128xf32, #tpu.memory_space<vmem>>
        %get3A_965 = tpu.memref_squeeze %get3A_964 : memref<1x128xf32, #tpu.memory_space<vmem>> -> memref<128xf32, #tpu.memory_space<vmem>>
        %get3A_966 = arith.constant 48 : index
        %get3A_967 = tpu.vector_load %get3A_965[%get3A_966] {strides = array<i32>} : memref<128xf32, #tpu.memory_space<vmem>>, vector<16xf32>,
        %get3A_968 = vector.shape_cast %get3A_967 : vector<16xf32> to vector<16xf32>
        %swap3A_969 = arith.constant 0 : i32
        %swap3A_970 = tpu.memref_slice %arg5[%scan3A_920, %swap3A_969] : memref<256x128xf32, #tpu.memory_space<vmem>> -> memref<1x128xf32, #tpu.memory_space<vmem>>
        %swap3A_971 = tpu.memref_squeeze %swap3A_970 : memref<1x128xf32, #tpu.memory_space<vmem>> -> memref<128xf32, #tpu.memory_space<vmem>>
        %swap3A_972 = arith.constant 48 : index
        %swap3A_973 = tpu.vector_load %swap3A_971[%swap3A_972] {strides = array<i32>} : memref<128xf32, #tpu.memory_space<vmem>>, vector<16xf32>,
        %swap3A_974 = vector.shape_cast %swap3A_973 : vector<16xf32> to vector<16xf32>
        %swap3A_975 = vector.shape_cast %add3A_862 : vector<16xf32> to vector<16xf32>
        tpu.vector_store %swap3A_971[%swap3A_972], %swap3A_975 {strides = array<i32>} : memref<128xf32, #tpu.memory_space<vmem>>, vector<16xf32>,
        %add3A_976 = arith.addf %add3A_862, %get3A_968 : vector<16xf32>
        %get3A_977 = arith.constant 0 : i32
        %get3A_978 = tpu.memref_slice %arg4[%scan3A_920, %get3A_977] : memref<256x128xf32, #tpu.memory_space<vmem>> -> memref<1x128xf32, #tpu.memory_space<vmem>>
        %get3A_979 = tpu.memref_squeeze %get3A_978 : memref<1x128xf32, #tpu.memory_space<vmem>> -> memref<128xf32, #tpu.memory_space<vmem>>
        %get3A_980 = arith.constant 64 : index
        %get3A_981 = tpu.vector_load %get3A_979[%get3A_980] {strides = array<i32>} : memref<128xf32, #tpu.memory_space<vmem>>, vector<16xf32>,
        %get3A_982 = vector.shape_cast %get3A_981 : vector<16xf32> to vector<16xf32>
        %swap3A_983 = arith.constant 0 : i32
        %swap3A_984 = tpu.memref_slice %arg5[%scan3A_920, %swap3A_983] : memref<256x128xf32, #tpu.memory_space<vmem>> -> memref<1x128xf32, #tpu.memory_space<vmem>>
        %swap3A_985 = tpu.memref_squeeze %swap3A_984 : memref<1x128xf32, #tpu.memory_space<vmem>> -> memref<128xf32, #tpu.memory_space<vmem>>
        %swap3A_986 = arith.constant 64 : index
        %swap3A_987 = tpu.vector_load %swap3A_985[%swap3A_986] {strides = array<i32>} : memref<128xf32, #tpu.memory_space<vmem>>, vector<16xf32>,
        %swap3A_988 = vector.shape_cast %swap3A_987 : vector<16xf32> to vector<16xf32>
        %swap3A_989 = vector.shape_cast %add3A_876 : vector<16xf32> to vector<16xf32>
        tpu.vector_store %swap3A_985[%swap3A_986], %swap3A_989 {strides = array<i32>} : memref<128xf32, #tpu.memory_space<vmem>>, vector<16xf32>,
        %add3A_990 = arith.addf %add3A_876, %get3A_982 : vector<16xf32>
        %get3A_991 = arith.constant 0 : i32
        %get3A_992 = tpu.memref_slice %arg4[%scan3A_920, %get3A_991] : memref<256x128xf32, #tpu.memory_space<vmem>> -> memref<1x128xf32, #tpu.memory_space<vmem>>
        %get3A_993 = tpu.memref_squeeze %get3A_992 : memref<1x128xf32, #tpu.memory_space<vmem>> -> memref<128xf32, #tpu.memory_space<vmem>>
        %get3A_994 = arith.constant 80 : index
        %get3A_995 = tpu.vector_load %get3A_993[%get3A_994] {strides = array<i32>} : memref<128xf32, #tpu.memory_space<vmem>>, vector<16xf32>,
        %get3A_996 = vector.shape_cast %get3A_995 : vector<16xf32> to vector<16xf32>
        %swap3A_997 = arith.constant 0 : i32
        %swap3A_998 = tpu.memref_slice %arg5[%scan3A_920, %swap3A_997] : memref<256x128xf32, #tpu.memory_space<vmem>> -> memref<1x128xf32, #tpu.memory_space<vmem>>
        %swap3A_999 = tpu.memref_squeeze %swap3A_998 : memref<1x128xf32, #tpu.memory_space<vmem>> -> memref<128xf32, #tpu.memory_space<vmem>>
        %swap3A_1000 = arith.constant 80 : index
        %swap3A_1001 = tpu.vector_load %swap3A_999[%swap3A_1000] {strides = array<i32>} : memref<128xf32, #tpu.memory_space<vmem>>, vector<16xf32>,
        %swap3A_1002 = vector.shape_cast %swap3A_1001 : vector<16xf32> to vector<16xf32>
        %swap3A_1003 = vector.shape_cast %add3A_890 : vector<16xf32> to vector<16xf32>
        tpu.vector_store %swap3A_999[%swap3A_1000], %swap3A_1003 {strides = array<i32>} : memref<128xf32, #tpu.memory_space<vmem>>, vector<16xf32>,
        %add3A_1004 = arith.addf %add3A_890, %get3A_996 : vector<16xf32>
        %get3A_1005 = arith.constant 0 : i32
        %get3A_1006 = tpu.memref_slice %arg4[%scan3A_920, %get3A_1005] : memref<256x128xf32, #tpu.memory_space<vmem>> -> memref<1x128xf32, #tpu.memory_space<vmem>>
        %get3A_1007 = tpu.memref_squeeze %get3A_1006 : memref<1x128xf32, #tpu.memory_space<vmem>> -> memref<128xf32, #tpu.memory_space<vmem>>
        %get3A_1008 = arith.constant 96 : index
        %get3A_1009 = tpu.vector_load %get3A_1007[%get3A_1008] {strides = array<i32>} : memref<128xf32, #tpu.memory_space<vmem>>, vector<16xf32>,
        %get3A_1010 = vector.shape_cast %get3A_1009 : vector<16xf32> to vector<16xf32>
        %swap3A_1011 = arith.constant 0 : i32
        %swap3A_1012 = tpu.memref_slice %arg5[%scan3A_920, %swap3A_1011] : memref<256x128xf32, #tpu.memory_space<vmem>> -> memref<1x128xf32, #tpu.memory_space<vmem>>
        %swap3A_1013 = tpu.memref_squeeze %swap3A_1012 : memref<1x128xf32, #tpu.memory_space<vmem>> -> memref<128xf32, #tpu.memory_space<vmem>>
        %swap3A_1014 = arith.constant 96 : index
        %swap3A_1015 = tpu.vector_load %swap3A_1013[%swap3A_1014] {strides = array<i32>} : memref<128xf32, #tpu.memory_space<vmem>>, vector<16xf32>,
        %swap3A_1016 = vector.shape_cast %swap3A_1015 : vector<16xf32> to vector<16xf32>
        %swap3A_1017 = vector.shape_cast %add3A_904 : vector<16xf32> to vector<16xf32>
        tpu.vector_store %swap3A_1013[%swap3A_1014], %swap3A_1017 {strides = array<i32>} : memref<128xf32, #tpu.memory_space<vmem>>, vector<16xf32>,
        %add3A_1018 = arith.addf %add3A_904, %get3A_1010 : vector<16xf32>
        %get3A_1019 = arith.constant 0 : i32
        %get3A_1020 = tpu.memref_slice %arg4[%scan3A_920, %get3A_1019] : memref<256x128xf32, #tpu.memory_space<vmem>> -> memref<1x128xf32, #tpu.memory_space<vmem>>
        %get3A_1021 = tpu.memref_squeeze %get3A_1020 : memref<1x128xf32, #tpu.memory_space<vmem>> -> memref<128xf32, #tpu.memory_space<vmem>>
        %get3A_1022 = arith.constant 112 : index
        %get3A_1023 = tpu.vector_load %get3A_1021[%get3A_1022] {strides = array<i32>} : memref<128xf32, #tpu.memory_space<vmem>>, vector<16xf32>,
        %get3A_1024 = vector.shape_cast %get3A_1023 : vector<16xf32> to vector<16xf32>
        %swap3A_1025 = arith.constant 0 : i32
        %swap3A_1026 = tpu.memref_slice %arg5[%scan3A_920, %swap3A_1025] : memref<256x128xf32, #tpu.memory_space<vmem>> -> memref<1x128xf32, #tpu.memory_space<vmem>>
        %swap3A_1027 = tpu.memref_squeeze %swap3A_1026 : memref<1x128xf32, #tpu.memory_space<vmem>> -> memref<128xf32, #tpu.memory_space<vmem>>
        %swap3A_1028 = arith.constant 112 : index
        %swap3A_1029 = tpu.vector_load %swap3A_1027[%swap3A_1028] {strides = array<i32>} : memref<128xf32, #tpu.memory_space<vmem>>, vector<16xf32>,
        %swap3A_1030 = vector.shape_cast %swap3A_1029 : vector<16xf32> to vector<16xf32>
        %swap3A_1031 = vector.shape_cast %add3A_918 : vector<16xf32> to vector<16xf32>
        tpu.vector_store %swap3A_1027[%swap3A_1028], %swap3A_1031 {strides = array<i32>} : memref<128xf32, #tpu.memory_space<vmem>>, vector<16xf32>,
        %add3A_1032 = arith.addf %add3A_918, %get3A_1024 : vector<16xf32>
        scf.yield %add3A_934, %add3A_948, %add3A_962, %add3A_976, %add3A_990, %add3A_1004, %add3A_1018, %add3A_1032 : vector<16xf32>, vector<16xf32>, vector<16xf32>, vector<16xf32>, vector<16xf32>, vector<16xf32>, vector<16xf32>, vector<16xf32>
      }
      %scan3A_115 = arith.constant 256 : i32
      "tpu.region"() ({
        %run_scoped3A = tpu.sem_alloc : memref<!tpu.dma_semaphore, #tpu.memory_space<semaphore_mem>>
        %dma_start3A = tpu.memref_slice %arg3[%select_n3A, %multiple_of3A_109, %multiple_of3A] : memref<4x4096x2048xf32, #tpu.memory_space<hbm>> -> memref<1x256x128xf32, #tpu.memory_space<hbm>>
        %dma_start3A_116 = tpu.memref_squeeze %dma_start3A : memref<1x256x128xf32, #tpu.memory_space<hbm>> -> memref<256x128xf32, #tpu.memory_space<hbm>>
        %dma_start3A_117 = tpu.memref_slice %arg3[%select_n3A, %multiple_of3A_109, %multiple_of3A] : memref<4x4096x2048xf32, #tpu.memory_space<hbm>> -> memref<1x256x128xf32, #tpu.memory_space<hbm>>
        %dma_start3A_118 = tpu.memref_squeeze %dma_start3A_117 : memref<1x256x128xf32, #tpu.memory_space<hbm>> -> memref<256x128xf32, #tpu.memory_space<hbm>>
        tpu.enqueue_dma source(%arg5 : memref<256x128xf32, #tpu.memory_space<vmem>>) target(%dma_start3A_118 : memref<256x128xf32, #tpu.memory_space<hbm>>) target_semaphore(%run_scoped3A : memref<!tpu.dma_semaphore, #tpu.memory_space<semaphore_mem>>)
        %dma_wait3A = tpu.memref_slice %arg3[%select_n3A, %multiple_of3A_109, %multiple_of3A] : memref<4x4096x2048xf32, #tpu.memory_space<hbm>> -> memref<1x256x128xf32, #tpu.memory_space<hbm>>
        %dma_wait3A_119 = tpu.memref_squeeze %dma_wait3A : memref<1x256x128xf32, #tpu.memory_space<hbm>> -> memref<256x128xf32, #tpu.memory_space<hbm>>
        %dma_wait3A_120 = tpu.memref_slice %arg3[%select_n3A, %multiple_of3A_109, %multiple_of3A] : memref<4x4096x2048xf32, #tpu.memory_space<hbm>> -> memref<1x256x128xf32, #tpu.memory_space<hbm>>
        %dma_wait3A_121 = tpu.memref_squeeze %dma_wait3A_120 : memref<1x256x128xf32, #tpu.memory_space<hbm>> -> memref<256x128xf32, #tpu.memory_space<hbm>>
        tpu.wait_dma2 semaphore(%run_scoped3A : memref<!tpu.dma_semaphore, #tpu.memory_space<semaphore_mem>>) src(%arg5 : memref<256x128xf32, #tpu.memory_space<vmem>>) dst(%dma_wait3A_121 : memref<256x128xf32, #tpu.memory_space<hbm>>)
        tpu.yield
      }) : () -> ()
      scf.yield %scan3A_114#0, %scan3A_114#1, %scan3A_114#2, %scan3A_114#3, %scan3A_114#4, %scan3A_114#5, %scan3A_114#6, %scan3A_114#7 : vector<16xf32>, vector<16xf32>, vector<16xf32>, vector<16xf32>, vector<16xf32>, vector<16xf32>, vector<16xf32>, vector<16xf32>
    }
    %scan3A_42 = arith.constant 16 : i32
    %mul3A_43 = arith.constant 2 : i32
    %mul3A_44 = arith.muli %add3A, %mul3A_43 : i32
    %add3A_45 = arith.constant 1 : i32
    %add3A_46 = arith.addi %mul3A_44, %add3A_45 : i32
    %jit3A_47 = arith.constant 16 : i32
    %div3A_48 = arith.divsi %add3A_46, %jit3A_47 : i32
    %sign3A_49 = arith.constant 0 : i32
    %sign3A_50 = arith.cmpi sgt, %add3A_46, %sign3A_49 : i32
    %sign3A_51 = arith.extui %sign3A_50 : i1 to i32
    %sign3A_52 = arith.constant 0 : i32
    %sign3A_53 = arith.cmpi slt, %add3A_46, %sign3A_52 : i32
    %sign3A_54 = arith.extui %sign3A_53 : i1 to i32
    %sign3A_55 = arith.subi %sign3A_51, %sign3A_54 : i32
    %sign3A_56 = arith.constant 0 : i32
    %sign3A_57 = arith.cmpi sgt, %jit3A_47, %sign3A_56 : i32
    %sign3A_58 = arith.extui %sign3A_57 : i1 to i32
    %sign3A_59 = arith.constant 0 : i32
    %sign3A_60 = arith.cmpi slt, %jit3A_47, %sign3A_59 : i32
    %sign3A_61 = arith.extui %sign3A_60 : i1 to i32
    %sign3A_62 = arith.subi %sign3A_58, %sign3A_61 : i32
    %ne3A_63 = arith.cmpi ne, %sign3A_55, %sign3A_62 : i32
    %rem3A_64 = arith.remsi %add3A_46, %jit3A_47 : i32
    %ne3A_65 = arith.constant 0 : i32
    %ne3A_66 = arith.cmpi ne, %rem3A_64, %ne3A_65 : i32
    %and3A_67 = arith.andi %ne3A_63, %ne3A_66 : i1
    %sub3A_68 = arith.constant 1 : i32
    %sub3A_69 = arith.subi %div3A_48, %sub3A_68 : i32
    %select_n3A_70 = arith.select %and3A_67, %sub3A_69, %div3A_48 : i32
    %jit3A_71 = arith.constant 16 : i32
    %eq3A_72 = arith.constant 0 : i32
    %eq3A_73 = arith.cmpi eq, %jit3A_71, %eq3A_72 : i32
    %jit3A_74 = arith.constant 1 : i32
    %select_n3A_75 = arith.select %eq3A_73, %jit3A_74, %jit3A_71 : i32
    %rem3A_76 = arith.remsi %add3A_46, %select_n3A_75 : i32
    %ne3A_77 = arith.constant 0 : i32
    %ne3A_78 = arith.cmpi ne, %rem3A_76, %ne3A_77 : i32
    %lt3A_79 = arith.constant 0 : i32
    %lt3A_80 = arith.cmpi slt, %rem3A_76, %lt3A_79 : i32
    %lt3A_81 = arith.constant 0 : i32
    %lt3A_82 = arith.cmpi slt, %select_n3A_75, %lt3A_81 : i32
    %ne3A_83 = arith.xori %lt3A_80, %lt3A_82 : i1
    %and3A_84 = arith.andi %ne3A_83, %ne3A_78 : i1
    %add3A_85 = arith.addi %rem3A_76, %select_n3A_75 : i32
    %select_n3A_86 = arith.select %and3A_84, %add3A_85, %rem3A_76 : i32
    %mul3A_87 = arith.constant 128 : i32
    %mul3A_88 = arith.muli %select_n3A_86, %mul3A_87 : i32
    %multiple_of3A_89 = tpu.assume_multiple %mul3A_88, 128 : i32
    %broadcast_in_dim3A_90 = arith.constant 0.000000e+00 : f32
    %broadcast_in_dim3A_91 = vector.broadcast %broadcast_in_dim3A_90 : f32 to vector<16xf32>
    %scan3A_92 = arith.constant 0 : i32
    %scan3A_93 = arith.constant 16 : i32
    %scan3A_94 = arith.addi %scan3A_92, %scan3A_93 : i32
    %scan3A_95 = arith.constant 1 : i32
    %scan3A_96:8 = scf.for %scan3A_98 = %scan3A_92 to %scan3A_94 step %scan3A_95 iter_args(%scan3A_99 = %broadcast_in_dim3A_91, %scan3A_100 = %broadcast_in_dim3A_91, %scan3A_101 = %broadcast_in_dim3A_91, %scan3A_102 = %broadcast_in_dim3A_91, %scan3A_103 = %broadcast_in_dim3A_91, %scan3A_104 = %broadcast_in_dim3A_91, %scan3A_105 = %broadcast_in_dim3A_91, %scan3A_106 = %broadcast_in_dim3A_91) -> (vector<16xf32>, vector<16xf32>, vector<16xf32>, vector<16xf32>, vector<16xf32>, vector<16xf32>, vector<16xf32>, vector<16xf32>)  : i32 {
      %mul3A_107 = arith.constant 256 : i32
      %mul3A_108 = arith.muli %scan3A_98, %mul3A_107 : i32
      %multiple_of3A_109 = tpu.assume_multiple %mul3A_108, 256 : i32
      "tpu.region"() ({
        %run_scoped3A = tpu.sem_alloc : memref<!tpu.dma_semaphore, #tpu.memory_space<semaphore_mem>>
        %dma_start3A = tpu.memref_slice %arg2[%select_n3A_70, %multiple_of3A_109, %multiple_of3A_89] : memref<4x4096x2048xf32, #tpu.memory_space<hbm>> -> memref<1x256x128xf32, #tpu.memory_space<hbm>>
        %dma_start3A_116 = tpu.memref_squeeze %dma_start3A : memref<1x256x128xf32, #tpu.memory_space<hbm>> -> memref<256x128xf32, #tpu.memory_space<hbm>>
        %dma_start3A_117 = tpu.memref_slice %arg2[%select_n3A_70, %multiple_of3A_109, %multiple_of3A_89] : memref<4x4096x2048xf32, #tpu.memory_space<hbm>> -> memref<1x256x128xf32, #tpu.memory_space<hbm>>
        %dma_start3A_118 = tpu.memref_squeeze %dma_start3A_117 : memref<1x256x128xf32, #tpu.memory_space<hbm>> -> memref<256x128xf32, #tpu.memory_space<hbm>>
        tpu.enqueue_dma source(%dma_start3A_118 : memref<256x128xf32, #tpu.memory_space<hbm>>) target(%arg4 : memref<256x128xf32, #tpu.memory_space<vmem>>) target_semaphore(%run_scoped3A : memref<!tpu.dma_semaphore, #tpu.memory_space<semaphore_mem>>)
        %dma_wait3A = tpu.memref_slice %arg2[%select_n3A_70, %multiple_of3A_109, %multiple_of3A_89] : memref<4x4096x2048xf32, #tpu.memory_space<hbm>> -> memref<1x256x128xf32, #tpu.memory_space<hbm>>
        %dma_wait3A_119 = tpu.memref_squeeze %dma_wait3A : memref<1x256x128xf32, #tpu.memory_space<hbm>> -> memref<256x128xf32, #tpu.memory_space<hbm>>
        %dma_wait3A_120 = tpu.memref_slice %arg2[%select_n3A_70, %multiple_of3A_109, %multiple_of3A_89] : memref<4x4096x2048xf32, #tpu.memory_space<hbm>> -> memref<1x256x128xf32, #tpu.memory_space<hbm>>
        %dma_wait3A_121 = tpu.memref_squeeze %dma_wait3A_120 : memref<1x256x128xf32, #tpu.memory_space<hbm>> -> memref<256x128xf32, #tpu.memory_space<hbm>>
        tpu.wait_dma2 semaphore(%run_scoped3A : memref<!tpu.dma_semaphore, #tpu.memory_space<semaphore_mem>>) src(%dma_wait3A_121 : memref<256x128xf32, #tpu.memory_space<hbm>>) dst(%arg4 : memref<256x128xf32, #tpu.memory_space<vmem>>)
        tpu.yield
      }) : () -> ()
      %scan3A_110 = arith.constant 0 : i32
      %scan3A_111 = arith.constant 256 : i32
      %scan3A_112 = arith.addi %scan3A_110, %scan3A_111 : i32
      %scan3A_113 = arith.constant 8 : i32
      %scan3A_114:8 = scf.for %scan3A_116 = %scan3A_110 to %scan3A_112 step %scan3A_113 iter_args(%scan3A_117 = %scan3A_99, %scan3A_118 = %scan3A_100, %scan3A_119 = %scan3A_101, %scan3A_120 = %scan3A_102, %scan3A_121 = %scan3A_103, %scan3A_122 = %scan3A_104, %scan3A_123 = %scan3A_105, %scan3A_124 = %scan3A_106) -> (vector<16xf32>, vector<16xf32>, vector<16xf32>, vector<16xf32>, vector<16xf32>, vector<16xf32>, vector<16xf32>, vector<16xf32>)  : i32 {
        %get3A = arith.constant 0 : i32
        %get3A_125 = tpu.memref_slice %arg4[%scan3A_116, %get3A] : memref<256x128xf32, #tpu.memory_space<vmem>> -> memref<1x128xf32, #tpu.memory_space<vmem>>
        %get3A_126 = tpu.memref_squeeze %get3A_125 : memref<1x128xf32, #tpu.memory_space<vmem>> -> memref<128xf32, #tpu.memory_space<vmem>>
        %get3A_127 = arith.constant 0 : index
        %get3A_128 = tpu.vector_load %get3A_126[%get3A_127] {strides = array<i32>} : memref<128xf32, #tpu.memory_space<vmem>>, vector<16xf32>,
        %get3A_129 = vector.shape_cast %get3A_128 : vector<16xf32> to vector<16xf32>
        %swap3A = arith.constant 0 : i32
        %swap3A_130 = tpu.memref_slice %arg5[%scan3A_116, %swap3A] : memref<256x128xf32, #tpu.memory_space<vmem>> -> memref<1x128xf32, #tpu.memory_space<vmem>>
        %swap3A_131 = tpu.memref_squeeze %swap3A_130 : memref<1x128xf32, #tpu.memory_space<vmem>> -> memref<128xf32, #tpu.memory_space<vmem>>
        %swap3A_132 = arith.constant 0 : index
        %swap3A_133 = tpu.vector_load %swap3A_131[%swap3A_132] {strides = array<i32>} : memref<128xf32, #tpu.memory_space<vmem>>, vector<16xf32>,
        %swap3A_134 = vector.shape_cast %swap3A_133 : vector<16xf32> to vector<16xf32>
        %swap3A_135 = vector.shape_cast %scan3A_117 : vector<16xf32> to vector<16xf32>
        tpu.vector_store %swap3A_131[%swap3A_132], %swap3A_135 {strides = array<i32>} : memref<128xf32, #tpu.memory_space<vmem>>, vector<16xf32>,
        %add3A_136 = arith.addf %scan3A_117, %get3A_129 : vector<16xf32>
        %get3A_137 = arith.constant 0 : i32
        %get3A_138 = tpu.memref_slice %arg4[%scan3A_116, %get3A_137] : memref<256x128xf32, #tpu.memory_space<vmem>> -> memref<1x128xf32, #tpu.memory_space<vmem>>
        %get3A_139 = tpu.memref_squeeze %get3A_138 : memref<1x128xf32, #tpu.memory_space<vmem>> -> memref<128xf32, #tpu.memory_space<vmem>>
        %get3A_140 = arith.constant 16 : index
        %get3A_141 = tpu.vector_load %get3A_139[%get3A_140] {strides = array<i32>} : memref<128xf32, #tpu.memory_space<vmem>>, vector<16xf32>,
        %get3A_142 = vector.shape_cast %get3A_141 : vector<16xf32> to vector<16xf32>
        %swap3A_143 = arith.constant 0 : i32
        %swap3A_144 = tpu.memref_slice %arg5[%scan3A_116, %swap3A_143] : memref<256x128xf32, #tpu.memory_space<vmem>> -> memref<1x128xf32, #tpu.memory_space<vmem>>
        %swap3A_145 = tpu.memref_squeeze %swap3A_144 : memref<1x128xf32, #tpu.memory_space<vmem>> -> memref<128xf32, #tpu.memory_space<vmem>>
        %swap3A_146 = arith.constant 16 : index
        %swap3A_147 = tpu.vector_load %swap3A_145[%swap3A_146] {strides = array<i32>} : memref<128xf32, #tpu.memory_space<vmem>>, vector<16xf32>,
        %swap3A_148 = vector.shape_cast %swap3A_147 : vector<16xf32> to vector<16xf32>
        %swap3A_149 = vector.shape_cast %scan3A_118 : vector<16xf32> to vector<16xf32>
        tpu.vector_store %swap3A_145[%swap3A_146], %swap3A_149 {strides = array<i32>} : memref<128xf32, #tpu.memory_space<vmem>>, vector<16xf32>,
        %add3A_150 = arith.addf %scan3A_118, %get3A_142 : vector<16xf32>
        %get3A_151 = arith.constant 0 : i32
        %get3A_152 = tpu.memref_slice %arg4[%scan3A_116, %get3A_151] : memref<256x128xf32, #tpu.memory_space<vmem>> -> memref<1x128xf32, #tpu.memory_space<vmem>>
        %get3A_153 = tpu.memref_squeeze %get3A_152 : memref<1x128xf32, #tpu.memory_space<vmem>> -> memref<128xf32, #tpu.memory_space<vmem>>
        %get3A_154 = arith.constant 32 : index
        %get3A_155 = tpu.vector_load %get3A_153[%get3A_154] {strides = array<i32>} : memref<128xf32, #tpu.memory_space<vmem>>, vector<16xf32>,
        %get3A_156 = vector.shape_cast %get3A_155 : vector<16xf32> to vector<16xf32>
        %swap3A_157 = arith.constant 0 : i32
        %swap3A_158 = tpu.memref_slice %arg5[%scan3A_116, %swap3A_157] : memref<256x128xf32, #tpu.memory_space<vmem>> -> memref<1x128xf32, #tpu.memory_space<vmem>>
        %swap3A_159 = tpu.memref_squeeze %swap3A_158 : memref<1x128xf32, #tpu.memory_space<vmem>> -> memref<128xf32, #tpu.memory_space<vmem>>
        %swap3A_160 = arith.constant 32 : index
        %swap3A_161 = tpu.vector_load %swap3A_159[%swap3A_160] {strides = array<i32>} : memref<128xf32, #tpu.memory_space<vmem>>, vector<16xf32>,
        %swap3A_162 = vector.shape_cast %swap3A_161 : vector<16xf32> to vector<16xf32>
        %swap3A_163 = vector.shape_cast %scan3A_119 : vector<16xf32> to vector<16xf32>
        tpu.vector_store %swap3A_159[%swap3A_160], %swap3A_163 {strides = array<i32>} : memref<128xf32, #tpu.memory_space<vmem>>, vector<16xf32>,
        %add3A_164 = arith.addf %scan3A_119, %get3A_156 : vector<16xf32>
        %get3A_165 = arith.constant 0 : i32
        %get3A_166 = tpu.memref_slice %arg4[%scan3A_116, %get3A_165] : memref<256x128xf32, #tpu.memory_space<vmem>> -> memref<1x128xf32, #tpu.memory_space<vmem>>
        %get3A_167 = tpu.memref_squeeze %get3A_166 : memref<1x128xf32, #tpu.memory_space<vmem>> -> memref<128xf32, #tpu.memory_space<vmem>>
        %get3A_168 = arith.constant 48 : index
        %get3A_169 = tpu.vector_load %get3A_167[%get3A_168] {strides = array<i32>} : memref<128xf32, #tpu.memory_space<vmem>>, vector<16xf32>,
        %get3A_170 = vector.shape_cast %get3A_169 : vector<16xf32> to vector<16xf32>
        %swap3A_171 = arith.constant 0 : i32
        %swap3A_172 = tpu.memref_slice %arg5[%scan3A_116, %swap3A_171] : memref<256x128xf32, #tpu.memory_space<vmem>> -> memref<1x128xf32, #tpu.memory_space<vmem>>
        %swap3A_173 = tpu.memref_squeeze %swap3A_172 : memref<1x128xf32, #tpu.memory_space<vmem>> -> memref<128xf32, #tpu.memory_space<vmem>>
        %swap3A_174 = arith.constant 48 : index
        %swap3A_175 = tpu.vector_load %swap3A_173[%swap3A_174] {strides = array<i32>} : memref<128xf32, #tpu.memory_space<vmem>>, vector<16xf32>,
        %swap3A_176 = vector.shape_cast %swap3A_175 : vector<16xf32> to vector<16xf32>
        %swap3A_177 = vector.shape_cast %scan3A_120 : vector<16xf32> to vector<16xf32>
        tpu.vector_store %swap3A_173[%swap3A_174], %swap3A_177 {strides = array<i32>} : memref<128xf32, #tpu.memory_space<vmem>>, vector<16xf32>,
        %add3A_178 = arith.addf %scan3A_120, %get3A_170 : vector<16xf32>
        %get3A_179 = arith.constant 0 : i32
        %get3A_180 = tpu.memref_slice %arg4[%scan3A_116, %get3A_179] : memref<256x128xf32, #tpu.memory_space<vmem>> -> memref<1x128xf32, #tpu.memory_space<vmem>>
        %get3A_181 = tpu.memref_squeeze %get3A_180 : memref<1x128xf32, #tpu.memory_space<vmem>> -> memref<128xf32, #tpu.memory_space<vmem>>
        %get3A_182 = arith.constant 64 : index
        %get3A_183 = tpu.vector_load %get3A_181[%get3A_182] {strides = array<i32>} : memref<128xf32, #tpu.memory_space<vmem>>, vector<16xf32>,
        %get3A_184 = vector.shape_cast %get3A_183 : vector<16xf32> to vector<16xf32>
        %swap3A_185 = arith.constant 0 : i32
        %swap3A_186 = tpu.memref_slice %arg5[%scan3A_116, %swap3A_185] : memref<256x128xf32, #tpu.memory_space<vmem>> -> memref<1x128xf32, #tpu.memory_space<vmem>>
        %swap3A_187 = tpu.memref_squeeze %swap3A_186 : memref<1x128xf32, #tpu.memory_space<vmem>> -> memref<128xf32, #tpu.memory_space<vmem>>
        %swap3A_188 = arith.constant 64 : index
        %swap3A_189 = tpu.vector_load %swap3A_187[%swap3A_188] {strides = array<i32>} : memref<128xf32, #tpu.memory_space<vmem>>, vector<16xf32>,
        %swap3A_190 = vector.shape_cast %swap3A_189 : vector<16xf32> to vector<16xf32>
        %swap3A_191 = vector.shape_cast %scan3A_121 : vector<16xf32> to vector<16xf32>
        tpu.vector_store %swap3A_187[%swap3A_188], %swap3A_191 {strides = array<i32>} : memref<128xf32, #tpu.memory_space<vmem>>, vector<16xf32>,
        %add3A_192 = arith.addf %scan3A_121, %get3A_184 : vector<16xf32>
        %get3A_193 = arith.constant 0 : i32
        %get3A_194 = tpu.memref_slice %arg4[%scan3A_116, %get3A_193] : memref<256x128xf32, #tpu.memory_space<vmem>> -> memref<1x128xf32, #tpu.memory_space<vmem>>
        %get3A_195 = tpu.memref_squeeze %get3A_194 : memref<1x128xf32, #tpu.memory_space<vmem>> -> memref<128xf32, #tpu.memory_space<vmem>>
        %get3A_196 = arith.constant 80 : index
        %get3A_197 = tpu.vector_load %get3A_195[%get3A_196] {strides = array<i32>} : memref<128xf32, #tpu.memory_space<vmem>>, vector<16xf32>,
        %get3A_198 = vector.shape_cast %get3A_197 : vector<16xf32> to vector<16xf32>
        %swap3A_199 = arith.constant 0 : i32
        %swap3A_200 = tpu.memref_slice %arg5[%scan3A_116, %swap3A_199] : memref<256x128xf32, #tpu.memory_space<vmem>> -> memref<1x128xf32, #tpu.memory_space<vmem>>
        %swap3A_201 = tpu.memref_squeeze %swap3A_200 : memref<1x128xf32, #tpu.memory_space<vmem>> -> memref<128xf32, #tpu.memory_space<vmem>>
        %swap3A_202 = arith.constant 80 : index
        %swap3A_203 = tpu.vector_load %swap3A_201[%swap3A_202] {strides = array<i32>} : memref<128xf32, #tpu.memory_space<vmem>>, vector<16xf32>,
        %swap3A_204 = vector.shape_cast %swap3A_203 : vector<16xf32> to vector<16xf32>
        %swap3A_205 = vector.shape_cast %scan3A_122 : vector<16xf32> to vector<16xf32>
        tpu.vector_store %swap3A_201[%swap3A_202], %swap3A_205 {strides = array<i32>} : memref<128xf32, #tpu.memory_space<vmem>>, vector<16xf32>,
        %add3A_206 = arith.addf %scan3A_122, %get3A_198 : vector<16xf32>
        %get3A_207 = arith.constant 0 : i32
        %get3A_208 = tpu.memref_slice %arg4[%scan3A_116, %get3A_207] : memref<256x128xf32, #tpu.memory_space<vmem>> -> memref<1x128xf32, #tpu.memory_space<vmem>>
        %get3A_209 = tpu.memref_squeeze %get3A_208 : memref<1x128xf32, #tpu.memory_space<vmem>> -> memref<128xf32, #tpu.memory_space<vmem>>
        %get3A_210 = arith.constant 96 : index
        %get3A_211 = tpu.vector_load %get3A_209[%get3A_210] {strides = array<i32>} : memref<128xf32, #tpu.memory_space<vmem>>, vector<16xf32>,
        %get3A_212 = vector.shape_cast %get3A_211 : vector<16xf32> to vector<16xf32>
        %swap3A_213 = arith.constant 0 : i32
        %swap3A_214 = tpu.memref_slice %arg5[%scan3A_116, %swap3A_213] : memref<256x128xf32, #tpu.memory_space<vmem>> -> memref<1x128xf32, #tpu.memory_space<vmem>>
        %swap3A_215 = tpu.memref_squeeze %swap3A_214 : memref<1x128xf32, #tpu.memory_space<vmem>> -> memref<128xf32, #tpu.memory_space<vmem>>
        %swap3A_216 = arith.constant 96 : index
        %swap3A_217 = tpu.vector_load %swap3A_215[%swap3A_216] {strides = array<i32>} : memref<128xf32, #tpu.memory_space<vmem>>, vector<16xf32>,
        %swap3A_218 = vector.shape_cast %swap3A_217 : vector<16xf32> to vector<16xf32>
        %swap3A_219 = vector.shape_cast %scan3A_123 : vector<16xf32> to vector<16xf32>
        tpu.vector_store %swap3A_215[%swap3A_216], %swap3A_219 {strides = array<i32>} : memref<128xf32, #tpu.memory_space<vmem>>, vector<16xf32>,
        %add3A_220 = arith.addf %scan3A_123, %get3A_212 : vector<16xf32>
        %get3A_221 = arith.constant 0 : i32
        %get3A_222 = tpu.memref_slice %arg4[%scan3A_116, %get3A_221] : memref<256x128xf32, #tpu.memory_space<vmem>> -> memref<1x128xf32, #tpu.memory_space<vmem>>
        %get3A_223 = tpu.memref_squeeze %get3A_222 : memref<1x128xf32, #tpu.memory_space<vmem>> -> memref<128xf32, #tpu.memory_space<vmem>>
        %get3A_224 = arith.constant 112 : index
        %get3A_225 = tpu.vector_load %get3A_223[%get3A_224] {strides = array<i32>} : memref<128xf32, #tpu.memory_space<vmem>>, vector<16xf32>,
        %get3A_226 = vector.shape_cast %get3A_225 : vector<16xf32> to vector<16xf32>
        %swap3A_227 = arith.constant 0 : i32
        %swap3A_228 = tpu.memref_slice %arg5[%scan3A_116, %swap3A_227] : memref<256x128xf32, #tpu.memory_space<vmem>> -> memref<1x128xf32, #tpu.memory_space<vmem>>
        %swap3A_229 = tpu.memref_squeeze %swap3A_228 : memref<1x128xf32, #tpu.memory_space<vmem>> -> memref<128xf32, #tpu.memory_space<vmem>>
        %swap3A_230 = arith.constant 112 : index
        %swap3A_231 = tpu.vector_load %swap3A_229[%swap3A_230] {strides = array<i32>} : memref<128xf32, #tpu.memory_space<vmem>>, vector<16xf32>,
        %swap3A_232 = vector.shape_cast %swap3A_231 : vector<16xf32> to vector<16xf32>
        %swap3A_233 = vector.shape_cast %scan3A_124 : vector<16xf32> to vector<16xf32>
        tpu.vector_store %swap3A_229[%swap3A_230], %swap3A_233 {strides = array<i32>} : memref<128xf32, #tpu.memory_space<vmem>>, vector<16xf32>,
        %add3A_234 = arith.addf %scan3A_124, %get3A_226 : vector<16xf32>
        %scan3A_235 = arith.constant 1 : i32
        %scan3A_236 = arith.addi %scan3A_116, %scan3A_235 : i32
        %get3A_237 = arith.constant 0 : i32
        %get3A_238 = tpu.memref_slice %arg4[%scan3A_236, %get3A_237] : memref<256x128xf32, #tpu.memory_space<vmem>> -> memref<1x128xf32, #tpu.memory_space<vmem>>
        %get3A_239 = tpu.memref_squeeze %get3A_238 : memref<1x128xf32, #tpu.memory_space<vmem>> -> memref<128xf32, #tpu.memory_space<vmem>>
        %get3A_240 = arith.constant 0 : index
        %get3A_241 = tpu.vector_load %get3A_239[%get3A_240] {strides = array<i32>} : memref<128xf32, #tpu.memory_space<vmem>>, vector<16xf32>,
        %get3A_242 = vector.shape_cast %get3A_241 : vector<16xf32> to vector<16xf32>
        %swap3A_243 = arith.constant 0 : i32
        %swap3A_244 = tpu.memref_slice %arg5[%scan3A_236, %swap3A_243] : memref<256x128xf32, #tpu.memory_space<vmem>> -> memref<1x128xf32, #tpu.memory_space<vmem>>
        %swap3A_245 = tpu.memref_squeeze %swap3A_244 : memref<1x128xf32, #tpu.memory_space<vmem>> -> memref<128xf32, #tpu.memory_space<vmem>>
        %swap3A_246 = arith.constant 0 : index
        %swap3A_247 = tpu.vector_load %swap3A_245[%swap3A_246] {strides = array<i32>} : memref<128xf32, #tpu.memory_space<vmem>>, vector<16xf32>,
        %swap3A_248 = vector.shape_cast %swap3A_247 : vector<16xf32> to vector<16xf32>
        %swap3A_249 = vector.shape_cast %add3A_136 : vector<16xf32> to vector<16xf32>
        tpu.vector_store %swap3A_245[%swap3A_246], %swap3A_249 {strides = array<i32>} : memref<128xf32, #tpu.memory_space<vmem>>, vector<16xf32>,
        %add3A_250 = arith.addf %add3A_136, %get3A_242 : vector<16xf32>
        %get3A_251 = arith.constant 0 : i32
        %get3A_252 = tpu.memref_slice %arg4[%scan3A_236, %get3A_251] : memref<256x128xf32, #tpu.memory_space<vmem>> -> memref<1x128xf32, #tpu.memory_space<vmem>>
        %get3A_253 = tpu.memref_squeeze %get3A_252 : memref<1x128xf32, #tpu.memory_space<vmem>> -> memref<128xf32, #tpu.memory_space<vmem>>
        %get3A_254 = arith.constant 16 : index
        %get3A_255 = tpu.vector_load %get3A_253[%get3A_254] {strides = array<i32>} : memref<128xf32, #tpu.memory_space<vmem>>, vector<16xf32>,
        %get3A_256 = vector.shape_cast %get3A_255 : vector<16xf32> to vector<16xf32>
        %swap3A_257 = arith.constant 0 : i32
        %swap3A_258 = tpu.memref_slice %arg5[%scan3A_236, %swap3A_257] : memref<256x128xf32, #tpu.memory_space<vmem>> -> memref<1x128xf32, #tpu.memory_space<vmem>>
        %swap3A_259 = tpu.memref_squeeze %swap3A_258 : memref<1x128xf32, #tpu.memory_space<vmem>> -> memref<128xf32, #tpu.memory_space<vmem>>
        %swap3A_260 = arith.constant 16 : index
        %swap3A_261 = tpu.vector_load %swap3A_259[%swap3A_260] {strides = array<i32>} : memref<128xf32, #tpu.memory_space<vmem>>, vector<16xf32>,
        %swap3A_262 = vector.shape_cast %swap3A_261 : vector<16xf32> to vector<16xf32>
        %swap3A_263 = vector.shape_cast %add3A_150 : vector<16xf32> to vector<16xf32>
        tpu.vector_store %swap3A_259[%swap3A_260], %swap3A_263 {strides = array<i32>} : memref<128xf32, #tpu.memory_space<vmem>>, vector<16xf32>,
        %add3A_264 = arith.addf %add3A_150, %get3A_256 : vector<16xf32>
        %get3A_265 = arith.constant 0 : i32
        %get3A_266 = tpu.memref_slice %arg4[%scan3A_236, %get3A_265] : memref<256x128xf32, #tpu.memory_space<vmem>> -> memref<1x128xf32, #tpu.memory_space<vmem>>
        %get3A_267 = tpu.memref_squeeze %get3A_266 : memref<1x128xf32, #tpu.memory_space<vmem>> -> memref<128xf32, #tpu.memory_space<vmem>>
        %get3A_268 = arith.constant 32 : index
        %get3A_269 = tpu.vector_load %get3A_267[%get3A_268] {strides = array<i32>} : memref<128xf32, #tpu.memory_space<vmem>>, vector<16xf32>,
        %get3A_270 = vector.shape_cast %get3A_269 : vector<16xf32> to vector<16xf32>
        %swap3A_271 = arith.constant 0 : i32
        %swap3A_272 = tpu.memref_slice %arg5[%scan3A_236, %swap3A_271] : memref<256x128xf32, #tpu.memory_space<vmem>> -> memref<1x128xf32, #tpu.memory_space<vmem>>
        %swap3A_273 = tpu.memref_squeeze %swap3A_272 : memref<1x128xf32, #tpu.memory_space<vmem>> -> memref<128xf32, #tpu.memory_space<vmem>>
        %swap3A_274 = arith.constant 32 : index
        %swap3A_275 = tpu.vector_load %swap3A_273[%swap3A_274] {strides = array<i32>} : memref<128xf32, #tpu.memory_space<vmem>>, vector<16xf32>,
        %swap3A_276 = vector.shape_cast %swap3A_275 : vector<16xf32> to vector<16xf32>
        %swap3A_277 = vector.shape_cast %add3A_164 : vector<16xf32> to vector<16xf32>
        tpu.vector_store %swap3A_273[%swap3A_274], %swap3A_277 {strides = array<i32>} : memref<128xf32, #tpu.memory_space<vmem>>, vector<16xf32>,
        %add3A_278 = arith.addf %add3A_164, %get3A_270 : vector<16xf32>
        %get3A_279 = arith.constant 0 : i32
        %get3A_280 = tpu.memref_slice %arg4[%scan3A_236, %get3A_279] : memref<256x128xf32, #tpu.memory_space<vmem>> -> memref<1x128xf32, #tpu.memory_space<vmem>>
        %get3A_281 = tpu.memref_squeeze %get3A_280 : memref<1x128xf32, #tpu.memory_space<vmem>> -> memref<128xf32, #tpu.memory_space<vmem>>
        %get3A_282 = arith.constant 48 : index
        %get3A_283 = tpu.vector_load %get3A_281[%get3A_282] {strides = array<i32>} : memref<128xf32, #tpu.memory_space<vmem>>, vector<16xf32>,
        %get3A_284 = vector.shape_cast %get3A_283 : vector<16xf32> to vector<16xf32>
        %swap3A_285 = arith.constant 0 : i32
        %swap3A_286 = tpu.memref_slice %arg5[%scan3A_236, %swap3A_285] : memref<256x128xf32, #tpu.memory_space<vmem>> -> memref<1x128xf32, #tpu.memory_space<vmem>>
        %swap3A_287 = tpu.memref_squeeze %swap3A_286 : memref<1x128xf32, #tpu.memory_space<vmem>> -> memref<128xf32, #tpu.memory_space<vmem>>
        %swap3A_288 = arith.constant 48 : index
        %swap3A_289 = tpu.vector_load %swap3A_287[%swap3A_288] {strides = array<i32>} : memref<128xf32, #tpu.memory_space<vmem>>, vector<16xf32>,
        %swap3A_290 = vector.shape_cast %swap3A_289 : vector<16xf32> to vector<16xf32>
        %swap3A_291 = vector.shape_cast %add3A_178 : vector<16xf32> to vector<16xf32>
        tpu.vector_store %swap3A_287[%swap3A_288], %swap3A_291 {strides = array<i32>} : memref<128xf32, #tpu.memory_space<vmem>>, vector<16xf32>,
        %add3A_292 = arith.addf %add3A_178, %get3A_284 : vector<16xf32>
        %get3A_293 = arith.constant 0 : i32
        %get3A_294 = tpu.memref_slice %arg4[%scan3A_236, %get3A_293] : memref<256x128xf32, #tpu.memory_space<vmem>> -> memref<1x128xf32, #tpu.memory_space<vmem>>
        %get3A_295 = tpu.memref_squeeze %get3A_294 : memref<1x128xf32, #tpu.memory_space<vmem>> -> memref<128xf32, #tpu.memory_space<vmem>>
        %get3A_296 = arith.constant 64 : index
        %get3A_297 = tpu.vector_load %get3A_295[%get3A_296] {strides = array<i32>} : memref<128xf32, #tpu.memory_space<vmem>>, vector<16xf32>,
        %get3A_298 = vector.shape_cast %get3A_297 : vector<16xf32> to vector<16xf32>
        %swap3A_299 = arith.constant 0 : i32
        %swap3A_300 = tpu.memref_slice %arg5[%scan3A_236, %swap3A_299] : memref<256x128xf32, #tpu.memory_space<vmem>> -> memref<1x128xf32, #tpu.memory_space<vmem>>
        %swap3A_301 = tpu.memref_squeeze %swap3A_300 : memref<1x128xf32, #tpu.memory_space<vmem>> -> memref<128xf32, #tpu.memory_space<vmem>>
        %swap3A_302 = arith.constant 64 : index
        %swap3A_303 = tpu.vector_load %swap3A_301[%swap3A_302] {strides = array<i32>} : memref<128xf32, #tpu.memory_space<vmem>>, vector<16xf32>,
        %swap3A_304 = vector.shape_cast %swap3A_303 : vector<16xf32> to vector<16xf32>
        %swap3A_305 = vector.shape_cast %add3A_192 : vector<16xf32> to vector<16xf32>
        tpu.vector_store %swap3A_301[%swap3A_302], %swap3A_305 {strides = array<i32>} : memref<128xf32, #tpu.memory_space<vmem>>, vector<16xf32>,
        %add3A_306 = arith.addf %add3A_192, %get3A_298 : vector<16xf32>
        %get3A_307 = arith.constant 0 : i32
        %get3A_308 = tpu.memref_slice %arg4[%scan3A_236, %get3A_307] : memref<256x128xf32, #tpu.memory_space<vmem>> -> memref<1x128xf32, #tpu.memory_space<vmem>>
        %get3A_309 = tpu.memref_squeeze %get3A_308 : memref<1x128xf32, #tpu.memory_space<vmem>> -> memref<128xf32, #tpu.memory_space<vmem>>
        %get3A_310 = arith.constant 80 : index
        %get3A_311 = tpu.vector_load %get3A_309[%get3A_310] {strides = array<i32>} : memref<128xf32, #tpu.memory_space<vmem>>, vector<16xf32>,
        %get3A_312 = vector.shape_cast %get3A_311 : vector<16xf32> to vector<16xf32>
        %swap3A_313 = arith.constant 0 : i32
        %swap3A_314 = tpu.memref_slice %arg5[%scan3A_236, %swap3A_313] : memref<256x128xf32, #tpu.memory_space<vmem>> -> memref<1x128xf32, #tpu.memory_space<vmem>>
        %swap3A_315 = tpu.memref_squeeze %swap3A_314 : memref<1x128xf32, #tpu.memory_space<vmem>> -> memref<128xf32, #tpu.memory_space<vmem>>
        %swap3A_316 = arith.constant 80 : index
        %swap3A_317 = tpu.vector_load %swap3A_315[%swap3A_316] {strides = array<i32>} : memref<128xf32, #tpu.memory_space<vmem>>, vector<16xf32>,
        %swap3A_318 = vector.shape_cast %swap3A_317 : vector<16xf32> to vector<16xf32>
        %swap3A_319 = vector.shape_cast %add3A_206 : vector<16xf32> to vector<16xf32>
        tpu.vector_store %swap3A_315[%swap3A_316], %swap3A_319 {strides = array<i32>} : memref<128xf32, #tpu.memory_space<vmem>>, vector<16xf32>,
        %add3A_320 = arith.addf %add3A_206, %get3A_312 : vector<16xf32>
        %get3A_321 = arith.constant 0 : i32
        %get3A_322 = tpu.memref_slice %arg4[%scan3A_236, %get3A_321] : memref<256x128xf32, #tpu.memory_space<vmem>> -> memref<1x128xf32, #tpu.memory_space<vmem>>
        %get3A_323 = tpu.memref_squeeze %get3A_322 : memref<1x128xf32, #tpu.memory_space<vmem>> -> memref<128xf32, #tpu.memory_space<vmem>>
        %get3A_324 = arith.constant 96 : index
        %get3A_325 = tpu.vector_load %get3A_323[%get3A_324] {strides = array<i32>} : memref<128xf32, #tpu.memory_space<vmem>>, vector<16xf32>,
        %get3A_326 = vector.shape_cast %get3A_325 : vector<16xf32> to vector<16xf32>
        %swap3A_327 = arith.constant 0 : i32
        %swap3A_328 = tpu.memref_slice %arg5[%scan3A_236, %swap3A_327] : memref<256x128xf32, #tpu.memory_space<vmem>> -> memref<1x128xf32, #tpu.memory_space<vmem>>
        %swap3A_329 = tpu.memref_squeeze %swap3A_328 : memref<1x128xf32, #tpu.memory_space<vmem>> -> memref<128xf32, #tpu.memory_space<vmem>>
        %swap3A_330 = arith.constant 96 : index
        %swap3A_331 = tpu.vector_load %swap3A_329[%swap3A_330] {strides = array<i32>} : memref<128xf32, #tpu.memory_space<vmem>>, vector<16xf32>,
        %swap3A_332 = vector.shape_cast %swap3A_331 : vector<16xf32> to vector<16xf32>
        %swap3A_333 = vector.shape_cast %add3A_220 : vector<16xf32> to vector<16xf32>
        tpu.vector_store %swap3A_329[%swap3A_330], %swap3A_333 {strides = array<i32>} : memref<128xf32, #tpu.memory_space<vmem>>, vector<16xf32>,
        %add3A_334 = arith.addf %add3A_220, %get3A_326 : vector<16xf32>
        %get3A_335 = arith.constant 0 : i32
        %get3A_336 = tpu.memref_slice %arg4[%scan3A_236, %get3A_335] : memref<256x128xf32, #tpu.memory_space<vmem>> -> memref<1x128xf32, #tpu.memory_space<vmem>>
        %get3A_337 = tpu.memref_squeeze %get3A_336 : memref<1x128xf32, #tpu.memory_space<vmem>> -> memref<128xf32, #tpu.memory_space<vmem>>
        %get3A_338 = arith.constant 112 : index
        %get3A_339 = tpu.vector_load %get3A_337[%get3A_338] {strides = array<i32>} : memref<128xf32, #tpu.memory_space<vmem>>, vector<16xf32>,
        %get3A_340 = vector.shape_cast %get3A_339 : vector<16xf32> to vector<16xf32>
        %swap3A_341 = arith.constant 0 : i32
        %swap3A_342 = tpu.memref_slice %arg5[%scan3A_236, %swap3A_341] : memref<256x128xf32, #tpu.memory_space<vmem>> -> memref<1x128xf32, #tpu.memory_space<vmem>>
        %swap3A_343 = tpu.memref_squeeze %swap3A_342 : memref<1x128xf32, #tpu.memory_space<vmem>> -> memref<128xf32, #tpu.memory_space<vmem>>
        %swap3A_344 = arith.constant 112 : index
        %swap3A_345 = tpu.vector_load %swap3A_343[%swap3A_344] {strides = array<i32>} : memref<128xf32, #tpu.memory_space<vmem>>, vector<16xf32>,
        %swap3A_346 = vector.shape_cast %swap3A_345 : vector<16xf32> to vector<16xf32>
        %swap3A_347 = vector.shape_cast %add3A_234 : vector<16xf32> to vector<16xf32>
        tpu.vector_store %swap3A_343[%swap3A_344], %swap3A_347 {strides = array<i32>} : memref<128xf32, #tpu.memory_space<vmem>>, vector<16xf32>,
        %add3A_348 = arith.addf %add3A_234, %get3A_340 : vector<16xf32>
        %scan3A_349 = arith.constant 2 : i32
        %scan3A_350 = arith.addi %scan3A_116, %scan3A_349 : i32
        %get3A_351 = arith.constant 0 : i32
        %get3A_352 = tpu.memref_slice %arg4[%scan3A_350, %get3A_351] : memref<256x128xf32, #tpu.memory_space<vmem>> -> memref<1x128xf32, #tpu.memory_space<vmem>>
        %get3A_353 = tpu.memref_squeeze %get3A_352 : memref<1x128xf32, #tpu.memory_space<vmem>> -> memref<128xf32, #tpu.memory_space<vmem>>
        %get3A_354 = arith.constant 0 : index
        %get3A_355 = tpu.vector_load %get3A_353[%get3A_354] {strides = array<i32>} : memref<128xf32, #tpu.memory_space<vmem>>, vector<16xf32>,
        %get3A_356 = vector.shape_cast %get3A_355 : vector<16xf32> to vector<16xf32>
        %swap3A_357 = arith.constant 0 : i32
        %swap3A_358 = tpu.memref_slice %arg5[%scan3A_350, %swap3A_357] : memref<256x128xf32, #tpu.memory_space<vmem>> -> memref<1x128xf32, #tpu.memory_space<vmem>>
        %swap3A_359 = tpu.memref_squeeze %swap3A_358 : memref<1x128xf32, #tpu.memory_space<vmem>> -> memref<128xf32, #tpu.memory_space<vmem>>
        %swap3A_360 = arith.constant 0 : index
        %swap3A_361 = tpu.vector_load %swap3A_359[%swap3A_360] {strides = array<i32>} : memref<128xf32, #tpu.memory_space<vmem>>, vector<16xf32>,
        %swap3A_362 = vector.shape_cast %swap3A_361 : vector<16xf32> to vector<16xf32>
        %swap3A_363 = vector.shape_cast %add3A_250 : vector<16xf32> to vector<16xf32>
        tpu.vector_store %swap3A_359[%swap3A_360], %swap3A_363 {strides = array<i32>} : memref<128xf32, #tpu.memory_space<vmem>>, vector<16xf32>,
        %add3A_364 = arith.addf %add3A_250, %get3A_356 : vector<16xf32>
        %get3A_365 = arith.constant 0 : i32
        %get3A_366 = tpu.memref_slice %arg4[%scan3A_350, %get3A_365] : memref<256x128xf32, #tpu.memory_space<vmem>> -> memref<1x128xf32, #tpu.memory_space<vmem>>
        %get3A_367 = tpu.memref_squeeze %get3A_366 : memref<1x128xf32, #tpu.memory_space<vmem>> -> memref<128xf32, #tpu.memory_space<vmem>>
        %get3A_368 = arith.constant 16 : index
        %get3A_369 = tpu.vector_load %get3A_367[%get3A_368] {strides = array<i32>} : memref<128xf32, #tpu.memory_space<vmem>>, vector<16xf32>,
        %get3A_370 = vector.shape_cast %get3A_369 : vector<16xf32> to vector<16xf32>
        %swap3A_371 = arith.constant 0 : i32
        %swap3A_372 = tpu.memref_slice %arg5[%scan3A_350, %swap3A_371] : memref<256x128xf32, #tpu.memory_space<vmem>> -> memref<1x128xf32, #tpu.memory_space<vmem>>
        %swap3A_373 = tpu.memref_squeeze %swap3A_372 : memref<1x128xf32, #tpu.memory_space<vmem>> -> memref<128xf32, #tpu.memory_space<vmem>>
        %swap3A_374 = arith.constant 16 : index
        %swap3A_375 = tpu.vector_load %swap3A_373[%swap3A_374] {strides = array<i32>} : memref<128xf32, #tpu.memory_space<vmem>>, vector<16xf32>,
        %swap3A_376 = vector.shape_cast %swap3A_375 : vector<16xf32> to vector<16xf32>
        %swap3A_377 = vector.shape_cast %add3A_264 : vector<16xf32> to vector<16xf32>
        tpu.vector_store %swap3A_373[%swap3A_374], %swap3A_377 {strides = array<i32>} : memref<128xf32, #tpu.memory_space<vmem>>, vector<16xf32>,
        %add3A_378 = arith.addf %add3A_264, %get3A_370 : vector<16xf32>
        %get3A_379 = arith.constant 0 : i32
        %get3A_380 = tpu.memref_slice %arg4[%scan3A_350, %get3A_379] : memref<256x128xf32, #tpu.memory_space<vmem>> -> memref<1x128xf32, #tpu.memory_space<vmem>>
        %get3A_381 = tpu.memref_squeeze %get3A_380 : memref<1x128xf32, #tpu.memory_space<vmem>> -> memref<128xf32, #tpu.memory_space<vmem>>
        %get3A_382 = arith.constant 32 : index
        %get3A_383 = tpu.vector_load %get3A_381[%get3A_382] {strides = array<i32>} : memref<128xf32, #tpu.memory_space<vmem>>, vector<16xf32>,
        %get3A_384 = vector.shape_cast %get3A_383 : vector<16xf32> to vector<16xf32>
        %swap3A_385 = arith.constant 0 : i32
        %swap3A_386 = tpu.memref_slice %arg5[%scan3A_350, %swap3A_385] : memref<256x128xf32, #tpu.memory_space<vmem>> -> memref<1x128xf32, #tpu.memory_space<vmem>>
        %swap3A_387 = tpu.memref_squeeze %swap3A_386 : memref<1x128xf32, #tpu.memory_space<vmem>> -> memref<128xf32, #tpu.memory_space<vmem>>
        %swap3A_388 = arith.constant 32 : index
        %swap3A_389 = tpu.vector_load %swap3A_387[%swap3A_388] {strides = array<i32>} : memref<128xf32, #tpu.memory_space<vmem>>, vector<16xf32>,
        %swap3A_390 = vector.shape_cast %swap3A_389 : vector<16xf32> to vector<16xf32>
        %swap3A_391 = vector.shape_cast %add3A_278 : vector<16xf32> to vector<16xf32>
        tpu.vector_store %swap3A_387[%swap3A_388], %swap3A_391 {strides = array<i32>} : memref<128xf32, #tpu.memory_space<vmem>>, vector<16xf32>,
        %add3A_392 = arith.addf %add3A_278, %get3A_384 : vector<16xf32>
        %get3A_393 = arith.constant 0 : i32
        %get3A_394 = tpu.memref_slice %arg4[%scan3A_350, %get3A_393] : memref<256x128xf32, #tpu.memory_space<vmem>> -> memref<1x128xf32, #tpu.memory_space<vmem>>
        %get3A_395 = tpu.memref_squeeze %get3A_394 : memref<1x128xf32, #tpu.memory_space<vmem>> -> memref<128xf32, #tpu.memory_space<vmem>>
        %get3A_396 = arith.constant 48 : index
        %get3A_397 = tpu.vector_load %get3A_395[%get3A_396] {strides = array<i32>} : memref<128xf32, #tpu.memory_space<vmem>>, vector<16xf32>,
        %get3A_398 = vector.shape_cast %get3A_397 : vector<16xf32> to vector<16xf32>
        %swap3A_399 = arith.constant 0 : i32
        %swap3A_400 = tpu.memref_slice %arg5[%scan3A_350, %swap3A_399] : memref<256x128xf32, #tpu.memory_space<vmem>> -> memref<1x128xf32, #tpu.memory_space<vmem>>
        %swap3A_401 = tpu.memref_squeeze %swap3A_400 : memref<1x128xf32, #tpu.memory_space<vmem>> -> memref<128xf32, #tpu.memory_space<vmem>>
        %swap3A_402 = arith.constant 48 : index
        %swap3A_403 = tpu.vector_load %swap3A_401[%swap3A_402] {strides = array<i32>} : memref<128xf32, #tpu.memory_space<vmem>>, vector<16xf32>,
        %swap3A_404 = vector.shape_cast %swap3A_403 : vector<16xf32> to vector<16xf32>
        %swap3A_405 = vector.shape_cast %add3A_292 : vector<16xf32> to vector<16xf32>
        tpu.vector_store %swap3A_401[%swap3A_402], %swap3A_405 {strides = array<i32>} : memref<128xf32, #tpu.memory_space<vmem>>, vector<16xf32>,
        %add3A_406 = arith.addf %add3A_292, %get3A_398 : vector<16xf32>
        %get3A_407 = arith.constant 0 : i32
        %get3A_408 = tpu.memref_slice %arg4[%scan3A_350, %get3A_407] : memref<256x128xf32, #tpu.memory_space<vmem>> -> memref<1x128xf32, #tpu.memory_space<vmem>>
        %get3A_409 = tpu.memref_squeeze %get3A_408 : memref<1x128xf32, #tpu.memory_space<vmem>> -> memref<128xf32, #tpu.memory_space<vmem>>
        %get3A_410 = arith.constant 64 : index
        %get3A_411 = tpu.vector_load %get3A_409[%get3A_410] {strides = array<i32>} : memref<128xf32, #tpu.memory_space<vmem>>, vector<16xf32>,
        %get3A_412 = vector.shape_cast %get3A_411 : vector<16xf32> to vector<16xf32>
        %swap3A_413 = arith.constant 0 : i32
        %swap3A_414 = tpu.memref_slice %arg5[%scan3A_350, %swap3A_413] : memref<256x128xf32, #tpu.memory_space<vmem>> -> memref<1x128xf32, #tpu.memory_space<vmem>>
        %swap3A_415 = tpu.memref_squeeze %swap3A_414 : memref<1x128xf32, #tpu.memory_space<vmem>> -> memref<128xf32, #tpu.memory_space<vmem>>
        %swap3A_416 = arith.constant 64 : index
        %swap3A_417 = tpu.vector_load %swap3A_415[%swap3A_416] {strides = array<i32>} : memref<128xf32, #tpu.memory_space<vmem>>, vector<16xf32>,
        %swap3A_418 = vector.shape_cast %swap3A_417 : vector<16xf32> to vector<16xf32>
        %swap3A_419 = vector.shape_cast %add3A_306 : vector<16xf32> to vector<16xf32>
        tpu.vector_store %swap3A_415[%swap3A_416], %swap3A_419 {strides = array<i32>} : memref<128xf32, #tpu.memory_space<vmem>>, vector<16xf32>,
        %add3A_420 = arith.addf %add3A_306, %get3A_412 : vector<16xf32>
        %get3A_421 = arith.constant 0 : i32
        %get3A_422 = tpu.memref_slice %arg4[%scan3A_350, %get3A_421] : memref<256x128xf32, #tpu.memory_space<vmem>> -> memref<1x128xf32, #tpu.memory_space<vmem>>
        %get3A_423 = tpu.memref_squeeze %get3A_422 : memref<1x128xf32, #tpu.memory_space<vmem>> -> memref<128xf32, #tpu.memory_space<vmem>>
        %get3A_424 = arith.constant 80 : index
        %get3A_425 = tpu.vector_load %get3A_423[%get3A_424] {strides = array<i32>} : memref<128xf32, #tpu.memory_space<vmem>>, vector<16xf32>,
        %get3A_426 = vector.shape_cast %get3A_425 : vector<16xf32> to vector<16xf32>
        %swap3A_427 = arith.constant 0 : i32
        %swap3A_428 = tpu.memref_slice %arg5[%scan3A_350, %swap3A_427] : memref<256x128xf32, #tpu.memory_space<vmem>> -> memref<1x128xf32, #tpu.memory_space<vmem>>
        %swap3A_429 = tpu.memref_squeeze %swap3A_428 : memref<1x128xf32, #tpu.memory_space<vmem>> -> memref<128xf32, #tpu.memory_space<vmem>>
        %swap3A_430 = arith.constant 80 : index
        %swap3A_431 = tpu.vector_load %swap3A_429[%swap3A_430] {strides = array<i32>} : memref<128xf32, #tpu.memory_space<vmem>>, vector<16xf32>,
        %swap3A_432 = vector.shape_cast %swap3A_431 : vector<16xf32> to vector<16xf32>
        %swap3A_433 = vector.shape_cast %add3A_320 : vector<16xf32> to vector<16xf32>
        tpu.vector_store %swap3A_429[%swap3A_430], %swap3A_433 {strides = array<i32>} : memref<128xf32, #tpu.memory_space<vmem>>, vector<16xf32>,
        %add3A_434 = arith.addf %add3A_320, %get3A_426 : vector<16xf32>
        %get3A_435 = arith.constant 0 : i32
        %get3A_436 = tpu.memref_slice %arg4[%scan3A_350, %get3A_435] : memref<256x128xf32, #tpu.memory_space<vmem>> -> memref<1x128xf32, #tpu.memory_space<vmem>>
        %get3A_437 = tpu.memref_squeeze %get3A_436 : memref<1x128xf32, #tpu.memory_space<vmem>> -> memref<128xf32, #tpu.memory_space<vmem>>
        %get3A_438 = arith.constant 96 : index
        %get3A_439 = tpu.vector_load %get3A_437[%get3A_438] {strides = array<i32>} : memref<128xf32, #tpu.memory_space<vmem>>, vector<16xf32>,
        %get3A_440 = vector.shape_cast %get3A_439 : vector<16xf32> to vector<16xf32>
        %swap3A_441 = arith.constant 0 : i32
        %swap3A_442 = tpu.memref_slice %arg5[%scan3A_350, %swap3A_441] : memref<256x128xf32, #tpu.memory_space<vmem>> -> memref<1x128xf32, #tpu.memory_space<vmem>>
        %swap3A_443 = tpu.memref_squeeze %swap3A_442 : memref<1x128xf32, #tpu.memory_space<vmem>> -> memref<128xf32, #tpu.memory_space<vmem>>
        %swap3A_444 = arith.constant 96 : index
        %swap3A_445 = tpu.vector_load %swap3A_443[%swap3A_444] {strides = array<i32>} : memref<128xf32, #tpu.memory_space<vmem>>, vector<16xf32>,
        %swap3A_446 = vector.shape_cast %swap3A_445 : vector<16xf32> to vector<16xf32>
        %swap3A_447 = vector.shape_cast %add3A_334 : vector<16xf32> to vector<16xf32>
        tpu.vector_store %swap3A_443[%swap3A_444], %swap3A_447 {strides = array<i32>} : memref<128xf32, #tpu.memory_space<vmem>>, vector<16xf32>,
        %add3A_448 = arith.addf %add3A_334, %get3A_440 : vector<16xf32>
        %get3A_449 = arith.constant 0 : i32
        %get3A_450 = tpu.memref_slice %arg4[%scan3A_350, %get3A_449] : memref<256x128xf32, #tpu.memory_space<vmem>> -> memref<1x128xf32, #tpu.memory_space<vmem>>
        %get3A_451 = tpu.memref_squeeze %get3A_450 : memref<1x128xf32, #tpu.memory_space<vmem>> -> memref<128xf32, #tpu.memory_space<vmem>>
        %get3A_452 = arith.constant 112 : index
        %get3A_453 = tpu.vector_load %get3A_451[%get3A_452] {strides = array<i32>} : memref<128xf32, #tpu.memory_space<vmem>>, vector<16xf32>,
        %get3A_454 = vector.shape_cast %get3A_453 : vector<16xf32> to vector<16xf32>
        %swap3A_455 = arith.constant 0 : i32
        %swap3A_456 = tpu.memref_slice %arg5[%scan3A_350, %swap3A_455] : memref<256x128xf32, #tpu.memory_space<vmem>> -> memref<1x128xf32, #tpu.memory_space<vmem>>
        %swap3A_457 = tpu.memref_squeeze %swap3A_456 : memref<1x128xf32, #tpu.memory_space<vmem>> -> memref<128xf32, #tpu.memory_space<vmem>>
        %swap3A_458 = arith.constant 112 : index
        %swap3A_459 = tpu.vector_load %swap3A_457[%swap3A_458] {strides = array<i32>} : memref<128xf32, #tpu.memory_space<vmem>>, vector<16xf32>,
        %swap3A_460 = vector.shape_cast %swap3A_459 : vector<16xf32> to vector<16xf32>
        %swap3A_461 = vector.shape_cast %add3A_348 : vector<16xf32> to vector<16xf32>
        tpu.vector_store %swap3A_457[%swap3A_458], %swap3A_461 {strides = array<i32>} : memref<128xf32, #tpu.memory_space<vmem>>, vector<16xf32>,
        %add3A_462 = arith.addf %add3A_348, %get3A_454 : vector<16xf32>
        %scan3A_463 = arith.constant 3 : i32
        %scan3A_464 = arith.addi %scan3A_116, %scan3A_463 : i32
        %get3A_465 = arith.constant 0 : i32
        %get3A_466 = tpu.memref_slice %arg4[%scan3A_464, %get3A_465] : memref<256x128xf32, #tpu.memory_space<vmem>> -> memref<1x128xf32, #tpu.memory_space<vmem>>
        %get3A_467 = tpu.memref_squeeze %get3A_466 : memref<1x128xf32, #tpu.memory_space<vmem>> -> memref<128xf32, #tpu.memory_space<vmem>>
        %get3A_468 = arith.constant 0 : index
        %get3A_469 = tpu.vector_load %get3A_467[%get3A_468] {strides = array<i32>} : memref<128xf32, #tpu.memory_space<vmem>>, vector<16xf32>,
        %get3A_470 = vector.shape_cast %get3A_469 : vector<16xf32> to vector<16xf32>
        %swap3A_471 = arith.constant 0 : i32
        %swap3A_472 = tpu.memref_slice %arg5[%scan3A_464, %swap3A_471] : memref<256x128xf32, #tpu.memory_space<vmem>> -> memref<1x128xf32, #tpu.memory_space<vmem>>
        %swap3A_473 = tpu.memref_squeeze %swap3A_472 : memref<1x128xf32, #tpu.memory_space<vmem>> -> memref<128xf32, #tpu.memory_space<vmem>>
        %swap3A_474 = arith.constant 0 : index
        %swap3A_475 = tpu.vector_load %swap3A_473[%swap3A_474] {strides = array<i32>} : memref<128xf32, #tpu.memory_space<vmem>>, vector<16xf32>,
        %swap3A_476 = vector.shape_cast %swap3A_475 : vector<16xf32> to vector<16xf32>
        %swap3A_477 = vector.shape_cast %add3A_364 : vector<16xf32> to vector<16xf32>
        tpu.vector_store %swap3A_473[%swap3A_474], %swap3A_477 {strides = array<i32>} : memref<128xf32, #tpu.memory_space<vmem>>, vector<16xf32>,
        %add3A_478 = arith.addf %add3A_364, %get3A_470 : vector<16xf32>
        %get3A_479 = arith.constant 0 : i32
        %get3A_480 = tpu.memref_slice %arg4[%scan3A_464, %get3A_479] : memref<256x128xf32, #tpu.memory_space<vmem>> -> memref<1x128xf32, #tpu.memory_space<vmem>>
        %get3A_481 = tpu.memref_squeeze %get3A_480 : memref<1x128xf32, #tpu.memory_space<vmem>> -> memref<128xf32, #tpu.memory_space<vmem>>
        %get3A_482 = arith.constant 16 : index
        %get3A_483 = tpu.vector_load %get3A_481[%get3A_482] {strides = array<i32>} : memref<128xf32, #tpu.memory_space<vmem>>, vector<16xf32>,
        %get3A_484 = vector.shape_cast %get3A_483 : vector<16xf32> to vector<16xf32>
        %swap3A_485 = arith.constant 0 : i32
        %swap3A_486 = tpu.memref_slice %arg5[%scan3A_464, %swap3A_485] : memref<256x128xf32, #tpu.memory_space<vmem>> -> memref<1x128xf32, #tpu.memory_space<vmem>>
        %swap3A_487 = tpu.memref_squeeze %swap3A_486 : memref<1x128xf32, #tpu.memory_space<vmem>> -> memref<128xf32, #tpu.memory_space<vmem>>
        %swap3A_488 = arith.constant 16 : index
        %swap3A_489 = tpu.vector_load %swap3A_487[%swap3A_488] {strides = array<i32>} : memref<128xf32, #tpu.memory_space<vmem>>, vector<16xf32>,
        %swap3A_490 = vector.shape_cast %swap3A_489 : vector<16xf32> to vector<16xf32>
        %swap3A_491 = vector.shape_cast %add3A_378 : vector<16xf32> to vector<16xf32>
        tpu.vector_store %swap3A_487[%swap3A_488], %swap3A_491 {strides = array<i32>} : memref<128xf32, #tpu.memory_space<vmem>>, vector<16xf32>,
        %add3A_492 = arith.addf %add3A_378, %get3A_484 : vector<16xf32>
        %get3A_493 = arith.constant 0 : i32
        %get3A_494 = tpu.memref_slice %arg4[%scan3A_464, %get3A_493] : memref<256x128xf32, #tpu.memory_space<vmem>> -> memref<1x128xf32, #tpu.memory_space<vmem>>
        %get3A_495 = tpu.memref_squeeze %get3A_494 : memref<1x128xf32, #tpu.memory_space<vmem>> -> memref<128xf32, #tpu.memory_space<vmem>>
        %get3A_496 = arith.constant 32 : index
        %get3A_497 = tpu.vector_load %get3A_495[%get3A_496] {strides = array<i32>} : memref<128xf32, #tpu.memory_space<vmem>>, vector<16xf32>,
        %get3A_498 = vector.shape_cast %get3A_497 : vector<16xf32> to vector<16xf32>
        %swap3A_499 = arith.constant 0 : i32
        %swap3A_500 = tpu.memref_slice %arg5[%scan3A_464, %swap3A_499] : memref<256x128xf32, #tpu.memory_space<vmem>> -> memref<1x128xf32, #tpu.memory_space<vmem>>
        %swap3A_501 = tpu.memref_squeeze %swap3A_500 : memref<1x128xf32, #tpu.memory_space<vmem>> -> memref<128xf32, #tpu.memory_space<vmem>>
        %swap3A_502 = arith.constant 32 : index
        %swap3A_503 = tpu.vector_load %swap3A_501[%swap3A_502] {strides = array<i32>} : memref<128xf32, #tpu.memory_space<vmem>>, vector<16xf32>,
        %swap3A_504 = vector.shape_cast %swap3A_503 : vector<16xf32> to vector<16xf32>
        %swap3A_505 = vector.shape_cast %add3A_392 : vector<16xf32> to vector<16xf32>
        tpu.vector_store %swap3A_501[%swap3A_502], %swap3A_505 {strides = array<i32>} : memref<128xf32, #tpu.memory_space<vmem>>, vector<16xf32>,
        %add3A_506 = arith.addf %add3A_392, %get3A_498 : vector<16xf32>
        %get3A_507 = arith.constant 0 : i32
        %get3A_508 = tpu.memref_slice %arg4[%scan3A_464, %get3A_507] : memref<256x128xf32, #tpu.memory_space<vmem>> -> memref<1x128xf32, #tpu.memory_space<vmem>>
        %get3A_509 = tpu.memref_squeeze %get3A_508 : memref<1x128xf32, #tpu.memory_space<vmem>> -> memref<128xf32, #tpu.memory_space<vmem>>
        %get3A_510 = arith.constant 48 : index
        %get3A_511 = tpu.vector_load %get3A_509[%get3A_510] {strides = array<i32>} : memref<128xf32, #tpu.memory_space<vmem>>, vector<16xf32>,
        %get3A_512 = vector.shape_cast %get3A_511 : vector<16xf32> to vector<16xf32>
        %swap3A_513 = arith.constant 0 : i32
        %swap3A_514 = tpu.memref_slice %arg5[%scan3A_464, %swap3A_513] : memref<256x128xf32, #tpu.memory_space<vmem>> -> memref<1x128xf32, #tpu.memory_space<vmem>>
        %swap3A_515 = tpu.memref_squeeze %swap3A_514 : memref<1x128xf32, #tpu.memory_space<vmem>> -> memref<128xf32, #tpu.memory_space<vmem>>
        %swap3A_516 = arith.constant 48 : index
        %swap3A_517 = tpu.vector_load %swap3A_515[%swap3A_516] {strides = array<i32>} : memref<128xf32, #tpu.memory_space<vmem>>, vector<16xf32>,
        %swap3A_518 = vector.shape_cast %swap3A_517 : vector<16xf32> to vector<16xf32>
        %swap3A_519 = vector.shape_cast %add3A_406 : vector<16xf32> to vector<16xf32>
        tpu.vector_store %swap3A_515[%swap3A_516], %swap3A_519 {strides = array<i32>} : memref<128xf32, #tpu.memory_space<vmem>>, vector<16xf32>,
        %add3A_520 = arith.addf %add3A_406, %get3A_512 : vector<16xf32>
        %get3A_521 = arith.constant 0 : i32
        %get3A_522 = tpu.memref_slice %arg4[%scan3A_464, %get3A_521] : memref<256x128xf32, #tpu.memory_space<vmem>> -> memref<1x128xf32, #tpu.memory_space<vmem>>
        %get3A_523 = tpu.memref_squeeze %get3A_522 : memref<1x128xf32, #tpu.memory_space<vmem>> -> memref<128xf32, #tpu.memory_space<vmem>>
        %get3A_524 = arith.constant 64 : index
        %get3A_525 = tpu.vector_load %get3A_523[%get3A_524] {strides = array<i32>} : memref<128xf32, #tpu.memory_space<vmem>>, vector<16xf32>,
        %get3A_526 = vector.shape_cast %get3A_525 : vector<16xf32> to vector<16xf32>
        %swap3A_527 = arith.constant 0 : i32
        %swap3A_528 = tpu.memref_slice %arg5[%scan3A_464, %swap3A_527] : memref<256x128xf32, #tpu.memory_space<vmem>> -> memref<1x128xf32, #tpu.memory_space<vmem>>
        %swap3A_529 = tpu.memref_squeeze %swap3A_528 : memref<1x128xf32, #tpu.memory_space<vmem>> -> memref<128xf32, #tpu.memory_space<vmem>>
        %swap3A_530 = arith.constant 64 : index
        %swap3A_531 = tpu.vector_load %swap3A_529[%swap3A_530] {strides = array<i32>} : memref<128xf32, #tpu.memory_space<vmem>>, vector<16xf32>,
        %swap3A_532 = vector.shape_cast %swap3A_531 : vector<16xf32> to vector<16xf32>
        %swap3A_533 = vector.shape_cast %add3A_420 : vector<16xf32> to vector<16xf32>
        tpu.vector_store %swap3A_529[%swap3A_530], %swap3A_533 {strides = array<i32>} : memref<128xf32, #tpu.memory_space<vmem>>, vector<16xf32>,
        %add3A_534 = arith.addf %add3A_420, %get3A_526 : vector<16xf32>
        %get3A_535 = arith.constant 0 : i32
        %get3A_536 = tpu.memref_slice %arg4[%scan3A_464, %get3A_535] : memref<256x128xf32, #tpu.memory_space<vmem>> -> memref<1x128xf32, #tpu.memory_space<vmem>>
        %get3A_537 = tpu.memref_squeeze %get3A_536 : memref<1x128xf32, #tpu.memory_space<vmem>> -> memref<128xf32, #tpu.memory_space<vmem>>
        %get3A_538 = arith.constant 80 : index
        %get3A_539 = tpu.vector_load %get3A_537[%get3A_538] {strides = array<i32>} : memref<128xf32, #tpu.memory_space<vmem>>, vector<16xf32>,
        %get3A_540 = vector.shape_cast %get3A_539 : vector<16xf32> to vector<16xf32>
        %swap3A_541 = arith.constant 0 : i32
        %swap3A_542 = tpu.memref_slice %arg5[%scan3A_464, %swap3A_541] : memref<256x128xf32, #tpu.memory_space<vmem>> -> memref<1x128xf32, #tpu.memory_space<vmem>>
        %swap3A_543 = tpu.memref_squeeze %swap3A_542 : memref<1x128xf32, #tpu.memory_space<vmem>> -> memref<128xf32, #tpu.memory_space<vmem>>
        %swap3A_544 = arith.constant 80 : index
        %swap3A_545 = tpu.vector_load %swap3A_543[%swap3A_544] {strides = array<i32>} : memref<128xf32, #tpu.memory_space<vmem>>, vector<16xf32>,
        %swap3A_546 = vector.shape_cast %swap3A_545 : vector<16xf32> to vector<16xf32>
        %swap3A_547 = vector.shape_cast %add3A_434 : vector<16xf32> to vector<16xf32>
        tpu.vector_store %swap3A_543[%swap3A_544], %swap3A_547 {strides = array<i32>} : memref<128xf32, #tpu.memory_space<vmem>>, vector<16xf32>,
        %add3A_548 = arith.addf %add3A_434, %get3A_540 : vector<16xf32>
        %get3A_549 = arith.constant 0 : i32
        %get3A_550 = tpu.memref_slice %arg4[%scan3A_464, %get3A_549] : memref<256x128xf32, #tpu.memory_space<vmem>> -> memref<1x128xf32, #tpu.memory_space<vmem>>
        %get3A_551 = tpu.memref_squeeze %get3A_550 : memref<1x128xf32, #tpu.memory_space<vmem>> -> memref<128xf32, #tpu.memory_space<vmem>>
        %get3A_552 = arith.constant 96 : index
        %get3A_553 = tpu.vector_load %get3A_551[%get3A_552] {strides = array<i32>} : memref<128xf32, #tpu.memory_space<vmem>>, vector<16xf32>,
        %get3A_554 = vector.shape_cast %get3A_553 : vector<16xf32> to vector<16xf32>
        %swap3A_555 = arith.constant 0 : i32
        %swap3A_556 = tpu.memref_slice %arg5[%scan3A_464, %swap3A_555] : memref<256x128xf32, #tpu.memory_space<vmem>> -> memref<1x128xf32, #tpu.memory_space<vmem>>
        %swap3A_557 = tpu.memref_squeeze %swap3A_556 : memref<1x128xf32, #tpu.memory_space<vmem>> -> memref<128xf32, #tpu.memory_space<vmem>>
        %swap3A_558 = arith.constant 96 : index
        %swap3A_559 = tpu.vector_load %swap3A_557[%swap3A_558] {strides = array<i32>} : memref<128xf32, #tpu.memory_space<vmem>>, vector<16xf32>,
        %swap3A_560 = vector.shape_cast %swap3A_559 : vector<16xf32> to vector<16xf32>
        %swap3A_561 = vector.shape_cast %add3A_448 : vector<16xf32> to vector<16xf32>
        tpu.vector_store %swap3A_557[%swap3A_558], %swap3A_561 {strides = array<i32>} : memref<128xf32, #tpu.memory_space<vmem>>, vector<16xf32>,
        %add3A_562 = arith.addf %add3A_448, %get3A_554 : vector<16xf32>
        %get3A_563 = arith.constant 0 : i32
        %get3A_564 = tpu.memref_slice %arg4[%scan3A_464, %get3A_563] : memref<256x128xf32, #tpu.memory_space<vmem>> -> memref<1x128xf32, #tpu.memory_space<vmem>>
        %get3A_565 = tpu.memref_squeeze %get3A_564 : memref<1x128xf32, #tpu.memory_space<vmem>> -> memref<128xf32, #tpu.memory_space<vmem>>
        %get3A_566 = arith.constant 112 : index
        %get3A_567 = tpu.vector_load %get3A_565[%get3A_566] {strides = array<i32>} : memref<128xf32, #tpu.memory_space<vmem>>, vector<16xf32>,
        %get3A_568 = vector.shape_cast %get3A_567 : vector<16xf32> to vector<16xf32>
        %swap3A_569 = arith.constant 0 : i32
        %swap3A_570 = tpu.memref_slice %arg5[%scan3A_464, %swap3A_569] : memref<256x128xf32, #tpu.memory_space<vmem>> -> memref<1x128xf32, #tpu.memory_space<vmem>>
        %swap3A_571 = tpu.memref_squeeze %swap3A_570 : memref<1x128xf32, #tpu.memory_space<vmem>> -> memref<128xf32, #tpu.memory_space<vmem>>
        %swap3A_572 = arith.constant 112 : index
        %swap3A_573 = tpu.vector_load %swap3A_571[%swap3A_572] {strides = array<i32>} : memref<128xf32, #tpu.memory_space<vmem>>, vector<16xf32>,
        %swap3A_574 = vector.shape_cast %swap3A_573 : vector<16xf32> to vector<16xf32>
        %swap3A_575 = vector.shape_cast %add3A_462 : vector<16xf32> to vector<16xf32>
        tpu.vector_store %swap3A_571[%swap3A_572], %swap3A_575 {strides = array<i32>} : memref<128xf32, #tpu.memory_space<vmem>>, vector<16xf32>,
        %add3A_576 = arith.addf %add3A_462, %get3A_568 : vector<16xf32>
        %scan3A_577 = arith.constant 4 : i32
        %scan3A_578 = arith.addi %scan3A_116, %scan3A_577 : i32
        %get3A_579 = arith.constant 0 : i32
        %get3A_580 = tpu.memref_slice %arg4[%scan3A_578, %get3A_579] : memref<256x128xf32, #tpu.memory_space<vmem>> -> memref<1x128xf32, #tpu.memory_space<vmem>>
        %get3A_581 = tpu.memref_squeeze %get3A_580 : memref<1x128xf32, #tpu.memory_space<vmem>> -> memref<128xf32, #tpu.memory_space<vmem>>
        %get3A_582 = arith.constant 0 : index
        %get3A_583 = tpu.vector_load %get3A_581[%get3A_582] {strides = array<i32>} : memref<128xf32, #tpu.memory_space<vmem>>, vector<16xf32>,
        %get3A_584 = vector.shape_cast %get3A_583 : vector<16xf32> to vector<16xf32>
        %swap3A_585 = arith.constant 0 : i32
        %swap3A_586 = tpu.memref_slice %arg5[%scan3A_578, %swap3A_585] : memref<256x128xf32, #tpu.memory_space<vmem>> -> memref<1x128xf32, #tpu.memory_space<vmem>>
        %swap3A_587 = tpu.memref_squeeze %swap3A_586 : memref<1x128xf32, #tpu.memory_space<vmem>> -> memref<128xf32, #tpu.memory_space<vmem>>
        %swap3A_588 = arith.constant 0 : index
        %swap3A_589 = tpu.vector_load %swap3A_587[%swap3A_588] {strides = array<i32>} : memref<128xf32, #tpu.memory_space<vmem>>, vector<16xf32>,
        %swap3A_590 = vector.shape_cast %swap3A_589 : vector<16xf32> to vector<16xf32>
        %swap3A_591 = vector.shape_cast %add3A_478 : vector<16xf32> to vector<16xf32>
        tpu.vector_store %swap3A_587[%swap3A_588], %swap3A_591 {strides = array<i32>} : memref<128xf32, #tpu.memory_space<vmem>>, vector<16xf32>,
        %add3A_592 = arith.addf %add3A_478, %get3A_584 : vector<16xf32>
        %get3A_593 = arith.constant 0 : i32
        %get3A_594 = tpu.memref_slice %arg4[%scan3A_578, %get3A_593] : memref<256x128xf32, #tpu.memory_space<vmem>> -> memref<1x128xf32, #tpu.memory_space<vmem>>
        %get3A_595 = tpu.memref_squeeze %get3A_594 : memref<1x128xf32, #tpu.memory_space<vmem>> -> memref<128xf32, #tpu.memory_space<vmem>>
        %get3A_596 = arith.constant 16 : index
        %get3A_597 = tpu.vector_load %get3A_595[%get3A_596] {strides = array<i32>} : memref<128xf32, #tpu.memory_space<vmem>>, vector<16xf32>,
        %get3A_598 = vector.shape_cast %get3A_597 : vector<16xf32> to vector<16xf32>
        %swap3A_599 = arith.constant 0 : i32
        %swap3A_600 = tpu.memref_slice %arg5[%scan3A_578, %swap3A_599] : memref<256x128xf32, #tpu.memory_space<vmem>> -> memref<1x128xf32, #tpu.memory_space<vmem>>
        %swap3A_601 = tpu.memref_squeeze %swap3A_600 : memref<1x128xf32, #tpu.memory_space<vmem>> -> memref<128xf32, #tpu.memory_space<vmem>>
        %swap3A_602 = arith.constant 16 : index
        %swap3A_603 = tpu.vector_load %swap3A_601[%swap3A_602] {strides = array<i32>} : memref<128xf32, #tpu.memory_space<vmem>>, vector<16xf32>,
        %swap3A_604 = vector.shape_cast %swap3A_603 : vector<16xf32> to vector<16xf32>
        %swap3A_605 = vector.shape_cast %add3A_492 : vector<16xf32> to vector<16xf32>
        tpu.vector_store %swap3A_601[%swap3A_602], %swap3A_605 {strides = array<i32>} : memref<128xf32, #tpu.memory_space<vmem>>, vector<16xf32>,
        %add3A_606 = arith.addf %add3A_492, %get3A_598 : vector<16xf32>
        %get3A_607 = arith.constant 0 : i32
        %get3A_608 = tpu.memref_slice %arg4[%scan3A_578, %get3A_607] : memref<256x128xf32, #tpu.memory_space<vmem>> -> memref<1x128xf32, #tpu.memory_space<vmem>>
        %get3A_609 = tpu.memref_squeeze %get3A_608 : memref<1x128xf32, #tpu.memory_space<vmem>> -> memref<128xf32, #tpu.memory_space<vmem>>
        %get3A_610 = arith.constant 32 : index
        %get3A_611 = tpu.vector_load %get3A_609[%get3A_610] {strides = array<i32>} : memref<128xf32, #tpu.memory_space<vmem>>, vector<16xf32>,
        %get3A_612 = vector.shape_cast %get3A_611 : vector<16xf32> to vector<16xf32>
        %swap3A_613 = arith.constant 0 : i32
        %swap3A_614 = tpu.memref_slice %arg5[%scan3A_578, %swap3A_613] : memref<256x128xf32, #tpu.memory_space<vmem>> -> memref<1x128xf32, #tpu.memory_space<vmem>>
        %swap3A_615 = tpu.memref_squeeze %swap3A_614 : memref<1x128xf32, #tpu.memory_space<vmem>> -> memref<128xf32, #tpu.memory_space<vmem>>
        %swap3A_616 = arith.constant 32 : index
        %swap3A_617 = tpu.vector_load %swap3A_615[%swap3A_616] {strides = array<i32>} : memref<128xf32, #tpu.memory_space<vmem>>, vector<16xf32>,
        %swap3A_618 = vector.shape_cast %swap3A_617 : vector<16xf32> to vector<16xf32>
        %swap3A_619 = vector.shape_cast %add3A_506 : vector<16xf32> to vector<16xf32>
        tpu.vector_store %swap3A_615[%swap3A_616], %swap3A_619 {strides = array<i32>} : memref<128xf32, #tpu.memory_space<vmem>>, vector<16xf32>,
        %add3A_620 = arith.addf %add3A_506, %get3A_612 : vector<16xf32>
        %get3A_621 = arith.constant 0 : i32
        %get3A_622 = tpu.memref_slice %arg4[%scan3A_578, %get3A_621] : memref<256x128xf32, #tpu.memory_space<vmem>> -> memref<1x128xf32, #tpu.memory_space<vmem>>
        %get3A_623 = tpu.memref_squeeze %get3A_622 : memref<1x128xf32, #tpu.memory_space<vmem>> -> memref<128xf32, #tpu.memory_space<vmem>>
        %get3A_624 = arith.constant 48 : index
        %get3A_625 = tpu.vector_load %get3A_623[%get3A_624] {strides = array<i32>} : memref<128xf32, #tpu.memory_space<vmem>>, vector<16xf32>,
        %get3A_626 = vector.shape_cast %get3A_625 : vector<16xf32> to vector<16xf32>
        %swap3A_627 = arith.constant 0 : i32
        %swap3A_628 = tpu.memref_slice %arg5[%scan3A_578, %swap3A_627] : memref<256x128xf32, #tpu.memory_space<vmem>> -> memref<1x128xf32, #tpu.memory_space<vmem>>
        %swap3A_629 = tpu.memref_squeeze %swap3A_628 : memref<1x128xf32, #tpu.memory_space<vmem>> -> memref<128xf32, #tpu.memory_space<vmem>>
        %swap3A_630 = arith.constant 48 : index
        %swap3A_631 = tpu.vector_load %swap3A_629[%swap3A_630] {strides = array<i32>} : memref<128xf32, #tpu.memory_space<vmem>>, vector<16xf32>,
        %swap3A_632 = vector.shape_cast %swap3A_631 : vector<16xf32> to vector<16xf32>
        %swap3A_633 = vector.shape_cast %add3A_520 : vector<16xf32> to vector<16xf32>
        tpu.vector_store %swap3A_629[%swap3A_630], %swap3A_633 {strides = array<i32>} : memref<128xf32, #tpu.memory_space<vmem>>, vector<16xf32>,
        %add3A_634 = arith.addf %add3A_520, %get3A_626 : vector<16xf32>
        %get3A_635 = arith.constant 0 : i32
        %get3A_636 = tpu.memref_slice %arg4[%scan3A_578, %get3A_635] : memref<256x128xf32, #tpu.memory_space<vmem>> -> memref<1x128xf32, #tpu.memory_space<vmem>>
        %get3A_637 = tpu.memref_squeeze %get3A_636 : memref<1x128xf32, #tpu.memory_space<vmem>> -> memref<128xf32, #tpu.memory_space<vmem>>
        %get3A_638 = arith.constant 64 : index
        %get3A_639 = tpu.vector_load %get3A_637[%get3A_638] {strides = array<i32>} : memref<128xf32, #tpu.memory_space<vmem>>, vector<16xf32>,
        %get3A_640 = vector.shape_cast %get3A_639 : vector<16xf32> to vector<16xf32>
        %swap3A_641 = arith.constant 0 : i32
        %swap3A_642 = tpu.memref_slice %arg5[%scan3A_578, %swap3A_641] : memref<256x128xf32, #tpu.memory_space<vmem>> -> memref<1x128xf32, #tpu.memory_space<vmem>>
        %swap3A_643 = tpu.memref_squeeze %swap3A_642 : memref<1x128xf32, #tpu.memory_space<vmem>> -> memref<128xf32, #tpu.memory_space<vmem>>
        %swap3A_644 = arith.constant 64 : index
        %swap3A_645 = tpu.vector_load %swap3A_643[%swap3A_644] {strides = array<i32>} : memref<128xf32, #tpu.memory_space<vmem>>, vector<16xf32>,
        %swap3A_646 = vector.shape_cast %swap3A_645 : vector<16xf32> to vector<16xf32>
        %swap3A_647 = vector.shape_cast %add3A_534 : vector<16xf32> to vector<16xf32>
        tpu.vector_store %swap3A_643[%swap3A_644], %swap3A_647 {strides = array<i32>} : memref<128xf32, #tpu.memory_space<vmem>>, vector<16xf32>,
        %add3A_648 = arith.addf %add3A_534, %get3A_640 : vector<16xf32>
        %get3A_649 = arith.constant 0 : i32
        %get3A_650 = tpu.memref_slice %arg4[%scan3A_578, %get3A_649] : memref<256x128xf32, #tpu.memory_space<vmem>> -> memref<1x128xf32, #tpu.memory_space<vmem>>
        %get3A_651 = tpu.memref_squeeze %get3A_650 : memref<1x128xf32, #tpu.memory_space<vmem>> -> memref<128xf32, #tpu.memory_space<vmem>>
        %get3A_652 = arith.constant 80 : index
        %get3A_653 = tpu.vector_load %get3A_651[%get3A_652] {strides = array<i32>} : memref<128xf32, #tpu.memory_space<vmem>>, vector<16xf32>,
        %get3A_654 = vector.shape_cast %get3A_653 : vector<16xf32> to vector<16xf32>
        %swap3A_655 = arith.constant 0 : i32
        %swap3A_656 = tpu.memref_slice %arg5[%scan3A_578, %swap3A_655] : memref<256x128xf32, #tpu.memory_space<vmem>> -> memref<1x128xf32, #tpu.memory_space<vmem>>
        %swap3A_657 = tpu.memref_squeeze %swap3A_656 : memref<1x128xf32, #tpu.memory_space<vmem>> -> memref<128xf32, #tpu.memory_space<vmem>>
        %swap3A_658 = arith.constant 80 : index
        %swap3A_659 = tpu.vector_load %swap3A_657[%swap3A_658] {strides = array<i32>} : memref<128xf32, #tpu.memory_space<vmem>>, vector<16xf32>,
        %swap3A_660 = vector.shape_cast %swap3A_659 : vector<16xf32> to vector<16xf32>
        %swap3A_661 = vector.shape_cast %add3A_548 : vector<16xf32> to vector<16xf32>
        tpu.vector_store %swap3A_657[%swap3A_658], %swap3A_661 {strides = array<i32>} : memref<128xf32, #tpu.memory_space<vmem>>, vector<16xf32>,
        %add3A_662 = arith.addf %add3A_548, %get3A_654 : vector<16xf32>
        %get3A_663 = arith.constant 0 : i32
        %get3A_664 = tpu.memref_slice %arg4[%scan3A_578, %get3A_663] : memref<256x128xf32, #tpu.memory_space<vmem>> -> memref<1x128xf32, #tpu.memory_space<vmem>>
        %get3A_665 = tpu.memref_squeeze %get3A_664 : memref<1x128xf32, #tpu.memory_space<vmem>> -> memref<128xf32, #tpu.memory_space<vmem>>
        %get3A_666 = arith.constant 96 : index
        %get3A_667 = tpu.vector_load %get3A_665[%get3A_666] {strides = array<i32>} : memref<128xf32, #tpu.memory_space<vmem>>, vector<16xf32>,
        %get3A_668 = vector.shape_cast %get3A_667 : vector<16xf32> to vector<16xf32>
        %swap3A_669 = arith.constant 0 : i32
        %swap3A_670 = tpu.memref_slice %arg5[%scan3A_578, %swap3A_669] : memref<256x128xf32, #tpu.memory_space<vmem>> -> memref<1x128xf32, #tpu.memory_space<vmem>>
        %swap3A_671 = tpu.memref_squeeze %swap3A_670 : memref<1x128xf32, #tpu.memory_space<vmem>> -> memref<128xf32, #tpu.memory_space<vmem>>
        %swap3A_672 = arith.constant 96 : index
        %swap3A_673 = tpu.vector_load %swap3A_671[%swap3A_672] {strides = array<i32>} : memref<128xf32, #tpu.memory_space<vmem>>, vector<16xf32>,
        %swap3A_674 = vector.shape_cast %swap3A_673 : vector<16xf32> to vector<16xf32>
        %swap3A_675 = vector.shape_cast %add3A_562 : vector<16xf32> to vector<16xf32>
        tpu.vector_store %swap3A_671[%swap3A_672], %swap3A_675 {strides = array<i32>} : memref<128xf32, #tpu.memory_space<vmem>>, vector<16xf32>,
        %add3A_676 = arith.addf %add3A_562, %get3A_668 : vector<16xf32>
        %get3A_677 = arith.constant 0 : i32
        %get3A_678 = tpu.memref_slice %arg4[%scan3A_578, %get3A_677] : memref<256x128xf32, #tpu.memory_space<vmem>> -> memref<1x128xf32, #tpu.memory_space<vmem>>
        %get3A_679 = tpu.memref_squeeze %get3A_678 : memref<1x128xf32, #tpu.memory_space<vmem>> -> memref<128xf32, #tpu.memory_space<vmem>>
        %get3A_680 = arith.constant 112 : index
        %get3A_681 = tpu.vector_load %get3A_679[%get3A_680] {strides = array<i32>} : memref<128xf32, #tpu.memory_space<vmem>>, vector<16xf32>,
        %get3A_682 = vector.shape_cast %get3A_681 : vector<16xf32> to vector<16xf32>
        %swap3A_683 = arith.constant 0 : i32
        %swap3A_684 = tpu.memref_slice %arg5[%scan3A_578, %swap3A_683] : memref<256x128xf32, #tpu.memory_space<vmem>> -> memref<1x128xf32, #tpu.memory_space<vmem>>
        %swap3A_685 = tpu.memref_squeeze %swap3A_684 : memref<1x128xf32, #tpu.memory_space<vmem>> -> memref<128xf32, #tpu.memory_space<vmem>>
        %swap3A_686 = arith.constant 112 : index
        %swap3A_687 = tpu.vector_load %swap3A_685[%swap3A_686] {strides = array<i32>} : memref<128xf32, #tpu.memory_space<vmem>>, vector<16xf32>,
        %swap3A_688 = vector.shape_cast %swap3A_687 : vector<16xf32> to vector<16xf32>
        %swap3A_689 = vector.shape_cast %add3A_576 : vector<16xf32> to vector<16xf32>
        tpu.vector_store %swap3A_685[%swap3A_686], %swap3A_689 {strides = array<i32>} : memref<128xf32, #tpu.memory_space<vmem>>, vector<16xf32>,
        %add3A_690 = arith.addf %add3A_576, %get3A_682 : vector<16xf32>
        %scan3A_691 = arith.constant 5 : i32
        %scan3A_692 = arith.addi %scan3A_116, %scan3A_691 : i32
        %get3A_693 = arith.constant 0 : i32
        %get3A_694 = tpu.memref_slice %arg4[%scan3A_692, %get3A_693] : memref<256x128xf32, #tpu.memory_space<vmem>> -> memref<1x128xf32, #tpu.memory_space<vmem>>
        %get3A_695 = tpu.memref_squeeze %get3A_694 : memref<1x128xf32, #tpu.memory_space<vmem>> -> memref<128xf32, #tpu.memory_space<vmem>>
        %get3A_696 = arith.constant 0 : index
        %get3A_697 = tpu.vector_load %get3A_695[%get3A_696] {strides = array<i32>} : memref<128xf32, #tpu.memory_space<vmem>>, vector<16xf32>,
        %get3A_698 = vector.shape_cast %get3A_697 : vector<16xf32> to vector<16xf32>
        %swap3A_699 = arith.constant 0 : i32
        %swap3A_700 = tpu.memref_slice %arg5[%scan3A_692, %swap3A_699] : memref<256x128xf32, #tpu.memory_space<vmem>> -> memref<1x128xf32, #tpu.memory_space<vmem>>
        %swap3A_701 = tpu.memref_squeeze %swap3A_700 : memref<1x128xf32, #tpu.memory_space<vmem>> -> memref<128xf32, #tpu.memory_space<vmem>>
        %swap3A_702 = arith.constant 0 : index
        %swap3A_703 = tpu.vector_load %swap3A_701[%swap3A_702] {strides = array<i32>} : memref<128xf32, #tpu.memory_space<vmem>>, vector<16xf32>,
        %swap3A_704 = vector.shape_cast %swap3A_703 : vector<16xf32> to vector<16xf32>
        %swap3A_705 = vector.shape_cast %add3A_592 : vector<16xf32> to vector<16xf32>
        tpu.vector_store %swap3A_701[%swap3A_702], %swap3A_705 {strides = array<i32>} : memref<128xf32, #tpu.memory_space<vmem>>, vector<16xf32>,
        %add3A_706 = arith.addf %add3A_592, %get3A_698 : vector<16xf32>
        %get3A_707 = arith.constant 0 : i32
        %get3A_708 = tpu.memref_slice %arg4[%scan3A_692, %get3A_707] : memref<256x128xf32, #tpu.memory_space<vmem>> -> memref<1x128xf32, #tpu.memory_space<vmem>>
        %get3A_709 = tpu.memref_squeeze %get3A_708 : memref<1x128xf32, #tpu.memory_space<vmem>> -> memref<128xf32, #tpu.memory_space<vmem>>
        %get3A_710 = arith.constant 16 : index
        %get3A_711 = tpu.vector_load %get3A_709[%get3A_710] {strides = array<i32>} : memref<128xf32, #tpu.memory_space<vmem>>, vector<16xf32>,
        %get3A_712 = vector.shape_cast %get3A_711 : vector<16xf32> to vector<16xf32>
        %swap3A_713 = arith.constant 0 : i32
        %swap3A_714 = tpu.memref_slice %arg5[%scan3A_692, %swap3A_713] : memref<256x128xf32, #tpu.memory_space<vmem>> -> memref<1x128xf32, #tpu.memory_space<vmem>>
        %swap3A_715 = tpu.memref_squeeze %swap3A_714 : memref<1x128xf32, #tpu.memory_space<vmem>> -> memref<128xf32, #tpu.memory_space<vmem>>
        %swap3A_716 = arith.constant 16 : index
        %swap3A_717 = tpu.vector_load %swap3A_715[%swap3A_716] {strides = array<i32>} : memref<128xf32, #tpu.memory_space<vmem>>, vector<16xf32>,
        %swap3A_718 = vector.shape_cast %swap3A_717 : vector<16xf32> to vector<16xf32>
        %swap3A_719 = vector.shape_cast %add3A_606 : vector<16xf32> to vector<16xf32>
        tpu.vector_store %swap3A_715[%swap3A_716], %swap3A_719 {strides = array<i32>} : memref<128xf32, #tpu.memory_space<vmem>>, vector<16xf32>,
        %add3A_720 = arith.addf %add3A_606, %get3A_712 : vector<16xf32>
        %get3A_721 = arith.constant 0 : i32
        %get3A_722 = tpu.memref_slice %arg4[%scan3A_692, %get3A_721] : memref<256x128xf32, #tpu.memory_space<vmem>> -> memref<1x128xf32, #tpu.memory_space<vmem>>
        %get3A_723 = tpu.memref_squeeze %get3A_722 : memref<1x128xf32, #tpu.memory_space<vmem>> -> memref<128xf32, #tpu.memory_space<vmem>>
        %get3A_724 = arith.constant 32 : index
        %get3A_725 = tpu.vector_load %get3A_723[%get3A_724] {strides = array<i32>} : memref<128xf32, #tpu.memory_space<vmem>>, vector<16xf32>,
        %get3A_726 = vector.shape_cast %get3A_725 : vector<16xf32> to vector<16xf32>
        %swap3A_727 = arith.constant 0 : i32
        %swap3A_728 = tpu.memref_slice %arg5[%scan3A_692, %swap3A_727] : memref<256x128xf32, #tpu.memory_space<vmem>> -> memref<1x128xf32, #tpu.memory_space<vmem>>
        %swap3A_729 = tpu.memref_squeeze %swap3A_728 : memref<1x128xf32, #tpu.memory_space<vmem>> -> memref<128xf32, #tpu.memory_space<vmem>>
        %swap3A_730 = arith.constant 32 : index
        %swap3A_731 = tpu.vector_load %swap3A_729[%swap3A_730] {strides = array<i32>} : memref<128xf32, #tpu.memory_space<vmem>>, vector<16xf32>,
        %swap3A_732 = vector.shape_cast %swap3A_731 : vector<16xf32> to vector<16xf32>
        %swap3A_733 = vector.shape_cast %add3A_620 : vector<16xf32> to vector<16xf32>
        tpu.vector_store %swap3A_729[%swap3A_730], %swap3A_733 {strides = array<i32>} : memref<128xf32, #tpu.memory_space<vmem>>, vector<16xf32>,
        %add3A_734 = arith.addf %add3A_620, %get3A_726 : vector<16xf32>
        %get3A_735 = arith.constant 0 : i32
        %get3A_736 = tpu.memref_slice %arg4[%scan3A_692, %get3A_735] : memref<256x128xf32, #tpu.memory_space<vmem>> -> memref<1x128xf32, #tpu.memory_space<vmem>>
        %get3A_737 = tpu.memref_squeeze %get3A_736 : memref<1x128xf32, #tpu.memory_space<vmem>> -> memref<128xf32, #tpu.memory_space<vmem>>
        %get3A_738 = arith.constant 48 : index
        %get3A_739 = tpu.vector_load %get3A_737[%get3A_738] {strides = array<i32>} : memref<128xf32, #tpu.memory_space<vmem>>, vector<16xf32>,
        %get3A_740 = vector.shape_cast %get3A_739 : vector<16xf32> to vector<16xf32>
        %swap3A_741 = arith.constant 0 : i32
        %swap3A_742 = tpu.memref_slice %arg5[%scan3A_692, %swap3A_741] : memref<256x128xf32, #tpu.memory_space<vmem>> -> memref<1x128xf32, #tpu.memory_space<vmem>>
        %swap3A_743 = tpu.memref_squeeze %swap3A_742 : memref<1x128xf32, #tpu.memory_space<vmem>> -> memref<128xf32, #tpu.memory_space<vmem>>
        %swap3A_744 = arith.constant 48 : index
        %swap3A_745 = tpu.vector_load %swap3A_743[%swap3A_744] {strides = array<i32>} : memref<128xf32, #tpu.memory_space<vmem>>, vector<16xf32>,
        %swap3A_746 = vector.shape_cast %swap3A_745 : vector<16xf32> to vector<16xf32>
        %swap3A_747 = vector.shape_cast %add3A_634 : vector<16xf32> to vector<16xf32>
        tpu.vector_store %swap3A_743[%swap3A_744], %swap3A_747 {strides = array<i32>} : memref<128xf32, #tpu.memory_space<vmem>>, vector<16xf32>,
        %add3A_748 = arith.addf %add3A_634, %get3A_740 : vector<16xf32>
        %get3A_749 = arith.constant 0 : i32
        %get3A_750 = tpu.memref_slice %arg4[%scan3A_692, %get3A_749] : memref<256x128xf32, #tpu.memory_space<vmem>> -> memref<1x128xf32, #tpu.memory_space<vmem>>
        %get3A_751 = tpu.memref_squeeze %get3A_750 : memref<1x128xf32, #tpu.memory_space<vmem>> -> memref<128xf32, #tpu.memory_space<vmem>>
        %get3A_752 = arith.constant 64 : index
        %get3A_753 = tpu.vector_load %get3A_751[%get3A_752] {strides = array<i32>} : memref<128xf32, #tpu.memory_space<vmem>>, vector<16xf32>,
        %get3A_754 = vector.shape_cast %get3A_753 : vector<16xf32> to vector<16xf32>
        %swap3A_755 = arith.constant 0 : i32
        %swap3A_756 = tpu.memref_slice %arg5[%scan3A_692, %swap3A_755] : memref<256x128xf32, #tpu.memory_space<vmem>> -> memref<1x128xf32, #tpu.memory_space<vmem>>
        %swap3A_757 = tpu.memref_squeeze %swap3A_756 : memref<1x128xf32, #tpu.memory_space<vmem>> -> memref<128xf32, #tpu.memory_space<vmem>>
        %swap3A_758 = arith.constant 64 : index
        %swap3A_759 = tpu.vector_load %swap3A_757[%swap3A_758] {strides = array<i32>} : memref<128xf32, #tpu.memory_space<vmem>>, vector<16xf32>,
        %swap3A_760 = vector.shape_cast %swap3A_759 : vector<16xf32> to vector<16xf32>
        %swap3A_761 = vector.shape_cast %add3A_648 : vector<16xf32> to vector<16xf32>
        tpu.vector_store %swap3A_757[%swap3A_758], %swap3A_761 {strides = array<i32>} : memref<128xf32, #tpu.memory_space<vmem>>, vector<16xf32>,
        %add3A_762 = arith.addf %add3A_648, %get3A_754 : vector<16xf32>
        %get3A_763 = arith.constant 0 : i32
        %get3A_764 = tpu.memref_slice %arg4[%scan3A_692, %get3A_763] : memref<256x128xf32, #tpu.memory_space<vmem>> -> memref<1x128xf32, #tpu.memory_space<vmem>>
        %get3A_765 = tpu.memref_squeeze %get3A_764 : memref<1x128xf32, #tpu.memory_space<vmem>> -> memref<128xf32, #tpu.memory_space<vmem>>
        %get3A_766 = arith.constant 80 : index
        %get3A_767 = tpu.vector_load %get3A_765[%get3A_766] {strides = array<i32>} : memref<128xf32, #tpu.memory_space<vmem>>, vector<16xf32>,
        %get3A_768 = vector.shape_cast %get3A_767 : vector<16xf32> to vector<16xf32>
        %swap3A_769 = arith.constant 0 : i32
        %swap3A_770 = tpu.memref_slice %arg5[%scan3A_692, %swap3A_769] : memref<256x128xf32, #tpu.memory_space<vmem>> -> memref<1x128xf32, #tpu.memory_space<vmem>>
        %swap3A_771 = tpu.memref_squeeze %swap3A_770 : memref<1x128xf32, #tpu.memory_space<vmem>> -> memref<128xf32, #tpu.memory_space<vmem>>
        %swap3A_772 = arith.constant 80 : index
        %swap3A_773 = tpu.vector_load %swap3A_771[%swap3A_772] {strides = array<i32>} : memref<128xf32, #tpu.memory_space<vmem>>, vector<16xf32>,
        %swap3A_774 = vector.shape_cast %swap3A_773 : vector<16xf32> to vector<16xf32>
        %swap3A_775 = vector.shape_cast %add3A_662 : vector<16xf32> to vector<16xf32>
        tpu.vector_store %swap3A_771[%swap3A_772], %swap3A_775 {strides = array<i32>} : memref<128xf32, #tpu.memory_space<vmem>>, vector<16xf32>,
        %add3A_776 = arith.addf %add3A_662, %get3A_768 : vector<16xf32>
        %get3A_777 = arith.constant 0 : i32
        %get3A_778 = tpu.memref_slice %arg4[%scan3A_692, %get3A_777] : memref<256x128xf32, #tpu.memory_space<vmem>> -> memref<1x128xf32, #tpu.memory_space<vmem>>
        %get3A_779 = tpu.memref_squeeze %get3A_778 : memref<1x128xf32, #tpu.memory_space<vmem>> -> memref<128xf32, #tpu.memory_space<vmem>>
        %get3A_780 = arith.constant 96 : index
        %get3A_781 = tpu.vector_load %get3A_779[%get3A_780] {strides = array<i32>} : memref<128xf32, #tpu.memory_space<vmem>>, vector<16xf32>,
        %get3A_782 = vector.shape_cast %get3A_781 : vector<16xf32> to vector<16xf32>
        %swap3A_783 = arith.constant 0 : i32
        %swap3A_784 = tpu.memref_slice %arg5[%scan3A_692, %swap3A_783] : memref<256x128xf32, #tpu.memory_space<vmem>> -> memref<1x128xf32, #tpu.memory_space<vmem>>
        %swap3A_785 = tpu.memref_squeeze %swap3A_784 : memref<1x128xf32, #tpu.memory_space<vmem>> -> memref<128xf32, #tpu.memory_space<vmem>>
        %swap3A_786 = arith.constant 96 : index
        %swap3A_787 = tpu.vector_load %swap3A_785[%swap3A_786] {strides = array<i32>} : memref<128xf32, #tpu.memory_space<vmem>>, vector<16xf32>,
        %swap3A_788 = vector.shape_cast %swap3A_787 : vector<16xf32> to vector<16xf32>
        %swap3A_789 = vector.shape_cast %add3A_676 : vector<16xf32> to vector<16xf32>
        tpu.vector_store %swap3A_785[%swap3A_786], %swap3A_789 {strides = array<i32>} : memref<128xf32, #tpu.memory_space<vmem>>, vector<16xf32>,
        %add3A_790 = arith.addf %add3A_676, %get3A_782 : vector<16xf32>
        %get3A_791 = arith.constant 0 : i32
        %get3A_792 = tpu.memref_slice %arg4[%scan3A_692, %get3A_791] : memref<256x128xf32, #tpu.memory_space<vmem>> -> memref<1x128xf32, #tpu.memory_space<vmem>>
        %get3A_793 = tpu.memref_squeeze %get3A_792 : memref<1x128xf32, #tpu.memory_space<vmem>> -> memref<128xf32, #tpu.memory_space<vmem>>
        %get3A_794 = arith.constant 112 : index
        %get3A_795 = tpu.vector_load %get3A_793[%get3A_794] {strides = array<i32>} : memref<128xf32, #tpu.memory_space<vmem>>, vector<16xf32>,
        %get3A_796 = vector.shape_cast %get3A_795 : vector<16xf32> to vector<16xf32>
        %swap3A_797 = arith.constant 0 : i32
        %swap3A_798 = tpu.memref_slice %arg5[%scan3A_692, %swap3A_797] : memref<256x128xf32, #tpu.memory_space<vmem>> -> memref<1x128xf32, #tpu.memory_space<vmem>>
        %swap3A_799 = tpu.memref_squeeze %swap3A_798 : memref<1x128xf32, #tpu.memory_space<vmem>> -> memref<128xf32, #tpu.memory_space<vmem>>
        %swap3A_800 = arith.constant 112 : index
        %swap3A_801 = tpu.vector_load %swap3A_799[%swap3A_800] {strides = array<i32>} : memref<128xf32, #tpu.memory_space<vmem>>, vector<16xf32>,
        %swap3A_802 = vector.shape_cast %swap3A_801 : vector<16xf32> to vector<16xf32>
        %swap3A_803 = vector.shape_cast %add3A_690 : vector<16xf32> to vector<16xf32>
        tpu.vector_store %swap3A_799[%swap3A_800], %swap3A_803 {strides = array<i32>} : memref<128xf32, #tpu.memory_space<vmem>>, vector<16xf32>,
        %add3A_804 = arith.addf %add3A_690, %get3A_796 : vector<16xf32>
        %scan3A_805 = arith.constant 6 : i32
        %scan3A_806 = arith.addi %scan3A_116, %scan3A_805 : i32
        %get3A_807 = arith.constant 0 : i32
        %get3A_808 = tpu.memref_slice %arg4[%scan3A_806, %get3A_807] : memref<256x128xf32, #tpu.memory_space<vmem>> -> memref<1x128xf32, #tpu.memory_space<vmem>>
        %get3A_809 = tpu.memref_squeeze %get3A_808 : memref<1x128xf32, #tpu.memory_space<vmem>> -> memref<128xf32, #tpu.memory_space<vmem>>
        %get3A_810 = arith.constant 0 : index
        %get3A_811 = tpu.vector_load %get3A_809[%get3A_810] {strides = array<i32>} : memref<128xf32, #tpu.memory_space<vmem>>, vector<16xf32>,
        %get3A_812 = vector.shape_cast %get3A_811 : vector<16xf32> to vector<16xf32>
        %swap3A_813 = arith.constant 0 : i32
        %swap3A_814 = tpu.memref_slice %arg5[%scan3A_806, %swap3A_813] : memref<256x128xf32, #tpu.memory_space<vmem>> -> memref<1x128xf32, #tpu.memory_space<vmem>>
        %swap3A_815 = tpu.memref_squeeze %swap3A_814 : memref<1x128xf32, #tpu.memory_space<vmem>> -> memref<128xf32, #tpu.memory_space<vmem>>
        %swap3A_816 = arith.constant 0 : index
        %swap3A_817 = tpu.vector_load %swap3A_815[%swap3A_816] {strides = array<i32>} : memref<128xf32, #tpu.memory_space<vmem>>, vector<16xf32>,
        %swap3A_818 = vector.shape_cast %swap3A_817 : vector<16xf32> to vector<16xf32>
        %swap3A_819 = vector.shape_cast %add3A_706 : vector<16xf32> to vector<16xf32>
        tpu.vector_store %swap3A_815[%swap3A_816], %swap3A_819 {strides = array<i32>} : memref<128xf32, #tpu.memory_space<vmem>>, vector<16xf32>,
        %add3A_820 = arith.addf %add3A_706, %get3A_812 : vector<16xf32>
        %get3A_821 = arith.constant 0 : i32
        %get3A_822 = tpu.memref_slice %arg4[%scan3A_806, %get3A_821] : memref<256x128xf32, #tpu.memory_space<vmem>> -> memref<1x128xf32, #tpu.memory_space<vmem>>
        %get3A_823 = tpu.memref_squeeze %get3A_822 : memref<1x128xf32, #tpu.memory_space<vmem>> -> memref<128xf32, #tpu.memory_space<vmem>>
        %get3A_824 = arith.constant 16 : index
        %get3A_825 = tpu.vector_load %get3A_823[%get3A_824] {strides = array<i32>} : memref<128xf32, #tpu.memory_space<vmem>>, vector<16xf32>,
        %get3A_826 = vector.shape_cast %get3A_825 : vector<16xf32> to vector<16xf32>
        %swap3A_827 = arith.constant 0 : i32
        %swap3A_828 = tpu.memref_slice %arg5[%scan3A_806, %swap3A_827] : memref<256x128xf32, #tpu.memory_space<vmem>> -> memref<1x128xf32, #tpu.memory_space<vmem>>
        %swap3A_829 = tpu.memref_squeeze %swap3A_828 : memref<1x128xf32, #tpu.memory_space<vmem>> -> memref<128xf32, #tpu.memory_space<vmem>>
        %swap3A_830 = arith.constant 16 : index
        %swap3A_831 = tpu.vector_load %swap3A_829[%swap3A_830] {strides = array<i32>} : memref<128xf32, #tpu.memory_space<vmem>>, vector<16xf32>,
        %swap3A_832 = vector.shape_cast %swap3A_831 : vector<16xf32> to vector<16xf32>
        %swap3A_833 = vector.shape_cast %add3A_720 : vector<16xf32> to vector<16xf32>
        tpu.vector_store %swap3A_829[%swap3A_830], %swap3A_833 {strides = array<i32>} : memref<128xf32, #tpu.memory_space<vmem>>, vector<16xf32>,
        %add3A_834 = arith.addf %add3A_720, %get3A_826 : vector<16xf32>
        %get3A_835 = arith.constant 0 : i32
        %get3A_836 = tpu.memref_slice %arg4[%scan3A_806, %get3A_835] : memref<256x128xf32, #tpu.memory_space<vmem>> -> memref<1x128xf32, #tpu.memory_space<vmem>>
        %get3A_837 = tpu.memref_squeeze %get3A_836 : memref<1x128xf32, #tpu.memory_space<vmem>> -> memref<128xf32, #tpu.memory_space<vmem>>
        %get3A_838 = arith.constant 32 : index
        %get3A_839 = tpu.vector_load %get3A_837[%get3A_838] {strides = array<i32>} : memref<128xf32, #tpu.memory_space<vmem>>, vector<16xf32>,
        %get3A_840 = vector.shape_cast %get3A_839 : vector<16xf32> to vector<16xf32>
        %swap3A_841 = arith.constant 0 : i32
        %swap3A_842 = tpu.memref_slice %arg5[%scan3A_806, %swap3A_841] : memref<256x128xf32, #tpu.memory_space<vmem>> -> memref<1x128xf32, #tpu.memory_space<vmem>>
        %swap3A_843 = tpu.memref_squeeze %swap3A_842 : memref<1x128xf32, #tpu.memory_space<vmem>> -> memref<128xf32, #tpu.memory_space<vmem>>
        %swap3A_844 = arith.constant 32 : index
        %swap3A_845 = tpu.vector_load %swap3A_843[%swap3A_844] {strides = array<i32>} : memref<128xf32, #tpu.memory_space<vmem>>, vector<16xf32>,
        %swap3A_846 = vector.shape_cast %swap3A_845 : vector<16xf32> to vector<16xf32>
        %swap3A_847 = vector.shape_cast %add3A_734 : vector<16xf32> to vector<16xf32>
        tpu.vector_store %swap3A_843[%swap3A_844], %swap3A_847 {strides = array<i32>} : memref<128xf32, #tpu.memory_space<vmem>>, vector<16xf32>,
        %add3A_848 = arith.addf %add3A_734, %get3A_840 : vector<16xf32>
        %get3A_849 = arith.constant 0 : i32
        %get3A_850 = tpu.memref_slice %arg4[%scan3A_806, %get3A_849] : memref<256x128xf32, #tpu.memory_space<vmem>> -> memref<1x128xf32, #tpu.memory_space<vmem>>
        %get3A_851 = tpu.memref_squeeze %get3A_850 : memref<1x128xf32, #tpu.memory_space<vmem>> -> memref<128xf32, #tpu.memory_space<vmem>>
        %get3A_852 = arith.constant 48 : index
        %get3A_853 = tpu.vector_load %get3A_851[%get3A_852] {strides = array<i32>} : memref<128xf32, #tpu.memory_space<vmem>>, vector<16xf32>,
        %get3A_854 = vector.shape_cast %get3A_853 : vector<16xf32> to vector<16xf32>
        %swap3A_855 = arith.constant 0 : i32
        %swap3A_856 = tpu.memref_slice %arg5[%scan3A_806, %swap3A_855] : memref<256x128xf32, #tpu.memory_space<vmem>> -> memref<1x128xf32, #tpu.memory_space<vmem>>
        %swap3A_857 = tpu.memref_squeeze %swap3A_856 : memref<1x128xf32, #tpu.memory_space<vmem>> -> memref<128xf32, #tpu.memory_space<vmem>>
        %swap3A_858 = arith.constant 48 : index
        %swap3A_859 = tpu.vector_load %swap3A_857[%swap3A_858] {strides = array<i32>} : memref<128xf32, #tpu.memory_space<vmem>>, vector<16xf32>,
        %swap3A_860 = vector.shape_cast %swap3A_859 : vector<16xf32> to vector<16xf32>
        %swap3A_861 = vector.shape_cast %add3A_748 : vector<16xf32> to vector<16xf32>
        tpu.vector_store %swap3A_857[%swap3A_858], %swap3A_861 {strides = array<i32>} : memref<128xf32, #tpu.memory_space<vmem>>, vector<16xf32>,
        %add3A_862 = arith.addf %add3A_748, %get3A_854 : vector<16xf32>
        %get3A_863 = arith.constant 0 : i32
        %get3A_864 = tpu.memref_slice %arg4[%scan3A_806, %get3A_863] : memref<256x128xf32, #tpu.memory_space<vmem>> -> memref<1x128xf32, #tpu.memory_space<vmem>>
        %get3A_865 = tpu.memref_squeeze %get3A_864 : memref<1x128xf32, #tpu.memory_space<vmem>> -> memref<128xf32, #tpu.memory_space<vmem>>
        %get3A_866 = arith.constant 64 : index
        %get3A_867 = tpu.vector_load %get3A_865[%get3A_866] {strides = array<i32>} : memref<128xf32, #tpu.memory_space<vmem>>, vector<16xf32>,
        %get3A_868 = vector.shape_cast %get3A_867 : vector<16xf32> to vector<16xf32>
        %swap3A_869 = arith.constant 0 : i32
        %swap3A_870 = tpu.memref_slice %arg5[%scan3A_806, %swap3A_869] : memref<256x128xf32, #tpu.memory_space<vmem>> -> memref<1x128xf32, #tpu.memory_space<vmem>>
        %swap3A_871 = tpu.memref_squeeze %swap3A_870 : memref<1x128xf32, #tpu.memory_space<vmem>> -> memref<128xf32, #tpu.memory_space<vmem>>
        %swap3A_872 = arith.constant 64 : index
        %swap3A_873 = tpu.vector_load %swap3A_871[%swap3A_872] {strides = array<i32>} : memref<128xf32, #tpu.memory_space<vmem>>, vector<16xf32>,
        %swap3A_874 = vector.shape_cast %swap3A_873 : vector<16xf32> to vector<16xf32>
        %swap3A_875 = vector.shape_cast %add3A_762 : vector<16xf32> to vector<16xf32>
        tpu.vector_store %swap3A_871[%swap3A_872], %swap3A_875 {strides = array<i32>} : memref<128xf32, #tpu.memory_space<vmem>>, vector<16xf32>,
        %add3A_876 = arith.addf %add3A_762, %get3A_868 : vector<16xf32>
        %get3A_877 = arith.constant 0 : i32
        %get3A_878 = tpu.memref_slice %arg4[%scan3A_806, %get3A_877] : memref<256x128xf32, #tpu.memory_space<vmem>> -> memref<1x128xf32, #tpu.memory_space<vmem>>
        %get3A_879 = tpu.memref_squeeze %get3A_878 : memref<1x128xf32, #tpu.memory_space<vmem>> -> memref<128xf32, #tpu.memory_space<vmem>>
        %get3A_880 = arith.constant 80 : index
        %get3A_881 = tpu.vector_load %get3A_879[%get3A_880] {strides = array<i32>} : memref<128xf32, #tpu.memory_space<vmem>>, vector<16xf32>,
        %get3A_882 = vector.shape_cast %get3A_881 : vector<16xf32> to vector<16xf32>
        %swap3A_883 = arith.constant 0 : i32
        %swap3A_884 = tpu.memref_slice %arg5[%scan3A_806, %swap3A_883] : memref<256x128xf32, #tpu.memory_space<vmem>> -> memref<1x128xf32, #tpu.memory_space<vmem>>
        %swap3A_885 = tpu.memref_squeeze %swap3A_884 : memref<1x128xf32, #tpu.memory_space<vmem>> -> memref<128xf32, #tpu.memory_space<vmem>>
        %swap3A_886 = arith.constant 80 : index
        %swap3A_887 = tpu.vector_load %swap3A_885[%swap3A_886] {strides = array<i32>} : memref<128xf32, #tpu.memory_space<vmem>>, vector<16xf32>,
        %swap3A_888 = vector.shape_cast %swap3A_887 : vector<16xf32> to vector<16xf32>
        %swap3A_889 = vector.shape_cast %add3A_776 : vector<16xf32> to vector<16xf32>
        tpu.vector_store %swap3A_885[%swap3A_886], %swap3A_889 {strides = array<i32>} : memref<128xf32, #tpu.memory_space<vmem>>, vector<16xf32>,
        %add3A_890 = arith.addf %add3A_776, %get3A_882 : vector<16xf32>
        %get3A_891 = arith.constant 0 : i32
        %get3A_892 = tpu.memref_slice %arg4[%scan3A_806, %get3A_891] : memref<256x128xf32, #tpu.memory_space<vmem>> -> memref<1x128xf32, #tpu.memory_space<vmem>>
        %get3A_893 = tpu.memref_squeeze %get3A_892 : memref<1x128xf32, #tpu.memory_space<vmem>> -> memref<128xf32, #tpu.memory_space<vmem>>
        %get3A_894 = arith.constant 96 : index
        %get3A_895 = tpu.vector_load %get3A_893[%get3A_894] {strides = array<i32>} : memref<128xf32, #tpu.memory_space<vmem>>, vector<16xf32>,
        %get3A_896 = vector.shape_cast %get3A_895 : vector<16xf32> to vector<16xf32>
        %swap3A_897 = arith.constant 0 : i32
        %swap3A_898 = tpu.memref_slice %arg5[%scan3A_806, %swap3A_897] : memref<256x128xf32, #tpu.memory_space<vmem>> -> memref<1x128xf32, #tpu.memory_space<vmem>>
        %swap3A_899 = tpu.memref_squeeze %swap3A_898 : memref<1x128xf32, #tpu.memory_space<vmem>> -> memref<128xf32, #tpu.memory_space<vmem>>
        %swap3A_900 = arith.constant 96 : index
        %swap3A_901 = tpu.vector_load %swap3A_899[%swap3A_900] {strides = array<i32>} : memref<128xf32, #tpu.memory_space<vmem>>, vector<16xf32>,
        %swap3A_902 = vector.shape_cast %swap3A_901 : vector<16xf32> to vector<16xf32>
        %swap3A_903 = vector.shape_cast %add3A_790 : vector<16xf32> to vector<16xf32>
        tpu.vector_store %swap3A_899[%swap3A_900], %swap3A_903 {strides = array<i32>} : memref<128xf32, #tpu.memory_space<vmem>>, vector<16xf32>,
        %add3A_904 = arith.addf %add3A_790, %get3A_896 : vector<16xf32>
        %get3A_905 = arith.constant 0 : i32
        %get3A_906 = tpu.memref_slice %arg4[%scan3A_806, %get3A_905] : memref<256x128xf32, #tpu.memory_space<vmem>> -> memref<1x128xf32, #tpu.memory_space<vmem>>
        %get3A_907 = tpu.memref_squeeze %get3A_906 : memref<1x128xf32, #tpu.memory_space<vmem>> -> memref<128xf32, #tpu.memory_space<vmem>>
        %get3A_908 = arith.constant 112 : index
        %get3A_909 = tpu.vector_load %get3A_907[%get3A_908] {strides = array<i32>} : memref<128xf32, #tpu.memory_space<vmem>>, vector<16xf32>,
        %get3A_910 = vector.shape_cast %get3A_909 : vector<16xf32> to vector<16xf32>
        %swap3A_911 = arith.constant 0 : i32
        %swap3A_912 = tpu.memref_slice %arg5[%scan3A_806, %swap3A_911] : memref<256x128xf32, #tpu.memory_space<vmem>> -> memref<1x128xf32, #tpu.memory_space<vmem>>
        %swap3A_913 = tpu.memref_squeeze %swap3A_912 : memref<1x128xf32, #tpu.memory_space<vmem>> -> memref<128xf32, #tpu.memory_space<vmem>>
        %swap3A_914 = arith.constant 112 : index
        %swap3A_915 = tpu.vector_load %swap3A_913[%swap3A_914] {strides = array<i32>} : memref<128xf32, #tpu.memory_space<vmem>>, vector<16xf32>,
        %swap3A_916 = vector.shape_cast %swap3A_915 : vector<16xf32> to vector<16xf32>
        %swap3A_917 = vector.shape_cast %add3A_804 : vector<16xf32> to vector<16xf32>
        tpu.vector_store %swap3A_913[%swap3A_914], %swap3A_917 {strides = array<i32>} : memref<128xf32, #tpu.memory_space<vmem>>, vector<16xf32>,
        %add3A_918 = arith.addf %add3A_804, %get3A_910 : vector<16xf32>
        %scan3A_919 = arith.constant 7 : i32
        %scan3A_920 = arith.addi %scan3A_116, %scan3A_919 : i32
        %get3A_921 = arith.constant 0 : i32
        %get3A_922 = tpu.memref_slice %arg4[%scan3A_920, %get3A_921] : memref<256x128xf32, #tpu.memory_space<vmem>> -> memref<1x128xf32, #tpu.memory_space<vmem>>
        %get3A_923 = tpu.memref_squeeze %get3A_922 : memref<1x128xf32, #tpu.memory_space<vmem>> -> memref<128xf32, #tpu.memory_space<vmem>>
        %get3A_924 = arith.constant 0 : index
        %get3A_925 = tpu.vector_load %get3A_923[%get3A_924] {strides = array<i32>} : memref<128xf32, #tpu.memory_space<vmem>>, vector<16xf32>,
        %get3A_926 = vector.shape_cast %get3A_925 : vector<16xf32> to vector<16xf32>
        %swap3A_927 = arith.constant 0 : i32
        %swap3A_928 = tpu.memref_slice %arg5[%scan3A_920, %swap3A_927] : memref<256x128xf32, #tpu.memory_space<vmem>> -> memref<1x128xf32, #tpu.memory_space<vmem>>
        %swap3A_929 = tpu.memref_squeeze %swap3A_928 : memref<1x128xf32, #tpu.memory_space<vmem>> -> memref<128xf32, #tpu.memory_space<vmem>>
        %swap3A_930 = arith.constant 0 : index
        %swap3A_931 = tpu.vector_load %swap3A_929[%swap3A_930] {strides = array<i32>} : memref<128xf32, #tpu.memory_space<vmem>>, vector<16xf32>,
        %swap3A_932 = vector.shape_cast %swap3A_931 : vector<16xf32> to vector<16xf32>
        %swap3A_933 = vector.shape_cast %add3A_820 : vector<16xf32> to vector<16xf32>
        tpu.vector_store %swap3A_929[%swap3A_930], %swap3A_933 {strides = array<i32>} : memref<128xf32, #tpu.memory_space<vmem>>, vector<16xf32>,
        %add3A_934 = arith.addf %add3A_820, %get3A_926 : vector<16xf32>
        %get3A_935 = arith.constant 0 : i32
        %get3A_936 = tpu.memref_slice %arg4[%scan3A_920, %get3A_935] : memref<256x128xf32, #tpu.memory_space<vmem>> -> memref<1x128xf32, #tpu.memory_space<vmem>>
        %get3A_937 = tpu.memref_squeeze %get3A_936 : memref<1x128xf32, #tpu.memory_space<vmem>> -> memref<128xf32, #tpu.memory_space<vmem>>
        %get3A_938 = arith.constant 16 : index
        %get3A_939 = tpu.vector_load %get3A_937[%get3A_938] {strides = array<i32>} : memref<128xf32, #tpu.memory_space<vmem>>, vector<16xf32>,
        %get3A_940 = vector.shape_cast %get3A_939 : vector<16xf32> to vector<16xf32>
        %swap3A_941 = arith.constant 0 : i32
        %swap3A_942 = tpu.memref_slice %arg5[%scan3A_920, %swap3A_941] : memref<256x128xf32, #tpu.memory_space<vmem>> -> memref<1x128xf32, #tpu.memory_space<vmem>>
        %swap3A_943 = tpu.memref_squeeze %swap3A_942 : memref<1x128xf32, #tpu.memory_space<vmem>> -> memref<128xf32, #tpu.memory_space<vmem>>
        %swap3A_944 = arith.constant 16 : index
        %swap3A_945 = tpu.vector_load %swap3A_943[%swap3A_944] {strides = array<i32>} : memref<128xf32, #tpu.memory_space<vmem>>, vector<16xf32>,
        %swap3A_946 = vector.shape_cast %swap3A_945 : vector<16xf32> to vector<16xf32>
        %swap3A_947 = vector.shape_cast %add3A_834 : vector<16xf32> to vector<16xf32>
        tpu.vector_store %swap3A_943[%swap3A_944], %swap3A_947 {strides = array<i32>} : memref<128xf32, #tpu.memory_space<vmem>>, vector<16xf32>,
        %add3A_948 = arith.addf %add3A_834, %get3A_940 : vector<16xf32>
        %get3A_949 = arith.constant 0 : i32
        %get3A_950 = tpu.memref_slice %arg4[%scan3A_920, %get3A_949] : memref<256x128xf32, #tpu.memory_space<vmem>> -> memref<1x128xf32, #tpu.memory_space<vmem>>
        %get3A_951 = tpu.memref_squeeze %get3A_950 : memref<1x128xf32, #tpu.memory_space<vmem>> -> memref<128xf32, #tpu.memory_space<vmem>>
        %get3A_952 = arith.constant 32 : index
        %get3A_953 = tpu.vector_load %get3A_951[%get3A_952] {strides = array<i32>} : memref<128xf32, #tpu.memory_space<vmem>>, vector<16xf32>,
        %get3A_954 = vector.shape_cast %get3A_953 : vector<16xf32> to vector<16xf32>
        %swap3A_955 = arith.constant 0 : i32
        %swap3A_956 = tpu.memref_slice %arg5[%scan3A_920, %swap3A_955] : memref<256x128xf32, #tpu.memory_space<vmem>> -> memref<1x128xf32, #tpu.memory_space<vmem>>
        %swap3A_957 = tpu.memref_squeeze %swap3A_956 : memref<1x128xf32, #tpu.memory_space<vmem>> -> memref<128xf32, #tpu.memory_space<vmem>>
        %swap3A_958 = arith.constant 32 : index
        %swap3A_959 = tpu.vector_load %swap3A_957[%swap3A_958] {strides = array<i32>} : memref<128xf32, #tpu.memory_space<vmem>>, vector<16xf32>,
        %swap3A_960 = vector.shape_cast %swap3A_959 : vector<16xf32> to vector<16xf32>
        %swap3A_961 = vector.shape_cast %add3A_848 : vector<16xf32> to vector<16xf32>
        tpu.vector_store %swap3A_957[%swap3A_958], %swap3A_961 {strides = array<i32>} : memref<128xf32, #tpu.memory_space<vmem>>, vector<16xf32>,
        %add3A_962 = arith.addf %add3A_848, %get3A_954 : vector<16xf32>
        %get3A_963 = arith.constant 0 : i32
        %get3A_964 = tpu.memref_slice %arg4[%scan3A_920, %get3A_963] : memref<256x128xf32, #tpu.memory_space<vmem>> -> memref<1x128xf32, #tpu.memory_space<vmem>>
        %get3A_965 = tpu.memref_squeeze %get3A_964 : memref<1x128xf32, #tpu.memory_space<vmem>> -> memref<128xf32, #tpu.memory_space<vmem>>
        %get3A_966 = arith.constant 48 : index
        %get3A_967 = tpu.vector_load %get3A_965[%get3A_966] {strides = array<i32>} : memref<128xf32, #tpu.memory_space<vmem>>, vector<16xf32>,
        %get3A_968 = vector.shape_cast %get3A_967 : vector<16xf32> to vector<16xf32>
        %swap3A_969 = arith.constant 0 : i32
        %swap3A_970 = tpu.memref_slice %arg5[%scan3A_920, %swap3A_969] : memref<256x128xf32, #tpu.memory_space<vmem>> -> memref<1x128xf32, #tpu.memory_space<vmem>>
        %swap3A_971 = tpu.memref_squeeze %swap3A_970 : memref<1x128xf32, #tpu.memory_space<vmem>> -> memref<128xf32, #tpu.memory_space<vmem>>
        %swap3A_972 = arith.constant 48 : index
        %swap3A_973 = tpu.vector_load %swap3A_971[%swap3A_972] {strides = array<i32>} : memref<128xf32, #tpu.memory_space<vmem>>, vector<16xf32>,
        %swap3A_974 = vector.shape_cast %swap3A_973 : vector<16xf32> to vector<16xf32>
        %swap3A_975 = vector.shape_cast %add3A_862 : vector<16xf32> to vector<16xf32>
        tpu.vector_store %swap3A_971[%swap3A_972], %swap3A_975 {strides = array<i32>} : memref<128xf32, #tpu.memory_space<vmem>>, vector<16xf32>,
        %add3A_976 = arith.addf %add3A_862, %get3A_968 : vector<16xf32>
        %get3A_977 = arith.constant 0 : i32
        %get3A_978 = tpu.memref_slice %arg4[%scan3A_920, %get3A_977] : memref<256x128xf32, #tpu.memory_space<vmem>> -> memref<1x128xf32, #tpu.memory_space<vmem>>
        %get3A_979 = tpu.memref_squeeze %get3A_978 : memref<1x128xf32, #tpu.memory_space<vmem>> -> memref<128xf32, #tpu.memory_space<vmem>>
        %get3A_980 = arith.constant 64 : index
        %get3A_981 = tpu.vector_load %get3A_979[%get3A_980] {strides = array<i32>} : memref<128xf32, #tpu.memory_space<vmem>>, vector<16xf32>,
        %get3A_982 = vector.shape_cast %get3A_981 : vector<16xf32> to vector<16xf32>
        %swap3A_983 = arith.constant 0 : i32
        %swap3A_984 = tpu.memref_slice %arg5[%scan3A_920, %swap3A_983] : memref<256x128xf32, #tpu.memory_space<vmem>> -> memref<1x128xf32, #tpu.memory_space<vmem>>
        %swap3A_985 = tpu.memref_squeeze %swap3A_984 : memref<1x128xf32, #tpu.memory_space<vmem>> -> memref<128xf32, #tpu.memory_space<vmem>>
        %swap3A_986 = arith.constant 64 : index
        %swap3A_987 = tpu.vector_load %swap3A_985[%swap3A_986] {strides = array<i32>} : memref<128xf32, #tpu.memory_space<vmem>>, vector<16xf32>,
        %swap3A_988 = vector.shape_cast %swap3A_987 : vector<16xf32> to vector<16xf32>
        %swap3A_989 = vector.shape_cast %add3A_876 : vector<16xf32> to vector<16xf32>
        tpu.vector_store %swap3A_985[%swap3A_986], %swap3A_989 {strides = array<i32>} : memref<128xf32, #tpu.memory_space<vmem>>, vector<16xf32>,
        %add3A_990 = arith.addf %add3A_876, %get3A_982 : vector<16xf32>
        %get3A_991 = arith.constant 0 : i32
        %get3A_992 = tpu.memref_slice %arg4[%scan3A_920, %get3A_991] : memref<256x128xf32, #tpu.memory_space<vmem>> -> memref<1x128xf32, #tpu.memory_space<vmem>>
        %get3A_993 = tpu.memref_squeeze %get3A_992 : memref<1x128xf32, #tpu.memory_space<vmem>> -> memref<128xf32, #tpu.memory_space<vmem>>
        %get3A_994 = arith.constant 80 : index
        %get3A_995 = tpu.vector_load %get3A_993[%get3A_994] {strides = array<i32>} : memref<128xf32, #tpu.memory_space<vmem>>, vector<16xf32>,
        %get3A_996 = vector.shape_cast %get3A_995 : vector<16xf32> to vector<16xf32>
        %swap3A_997 = arith.constant 0 : i32
        %swap3A_998 = tpu.memref_slice %arg5[%scan3A_920, %swap3A_997] : memref<256x128xf32, #tpu.memory_space<vmem>> -> memref<1x128xf32, #tpu.memory_space<vmem>>
        %swap3A_999 = tpu.memref_squeeze %swap3A_998 : memref<1x128xf32, #tpu.memory_space<vmem>> -> memref<128xf32, #tpu.memory_space<vmem>>
        %swap3A_1000 = arith.constant 80 : index
        %swap3A_1001 = tpu.vector_load %swap3A_999[%swap3A_1000] {strides = array<i32>} : memref<128xf32, #tpu.memory_space<vmem>>, vector<16xf32>,
        %swap3A_1002 = vector.shape_cast %swap3A_1001 : vector<16xf32> to vector<16xf32>
        %swap3A_1003 = vector.shape_cast %add3A_890 : vector<16xf32> to vector<16xf32>
        tpu.vector_store %swap3A_999[%swap3A_1000], %swap3A_1003 {strides = array<i32>} : memref<128xf32, #tpu.memory_space<vmem>>, vector<16xf32>,
        %add3A_1004 = arith.addf %add3A_890, %get3A_996 : vector<16xf32>
        %get3A_1005 = arith.constant 0 : i32
        %get3A_1006 = tpu.memref_slice %arg4[%scan3A_920, %get3A_1005] : memref<256x128xf32, #tpu.memory_space<vmem>> -> memref<1x128xf32, #tpu.memory_space<vmem>>
        %get3A_1007 = tpu.memref_squeeze %get3A_1006 : memref<1x128xf32, #tpu.memory_space<vmem>> -> memref<128xf32, #tpu.memory_space<vmem>>
        %get3A_1008 = arith.constant 96 : index
        %get3A_1009 = tpu.vector_load %get3A_1007[%get3A_1008] {strides = array<i32>} : memref<128xf32, #tpu.memory_space<vmem>>, vector<16xf32>,
        %get3A_1010 = vector.shape_cast %get3A_1009 : vector<16xf32> to vector<16xf32>
        %swap3A_1011 = arith.constant 0 : i32
        %swap3A_1012 = tpu.memref_slice %arg5[%scan3A_920, %swap3A_1011] : memref<256x128xf32, #tpu.memory_space<vmem>> -> memref<1x128xf32, #tpu.memory_space<vmem>>
        %swap3A_1013 = tpu.memref_squeeze %swap3A_1012 : memref<1x128xf32, #tpu.memory_space<vmem>> -> memref<128xf32, #tpu.memory_space<vmem>>
        %swap3A_1014 = arith.constant 96 : index
        %swap3A_1015 = tpu.vector_load %swap3A_1013[%swap3A_1014] {strides = array<i32>} : memref<128xf32, #tpu.memory_space<vmem>>, vector<16xf32>,
        %swap3A_1016 = vector.shape_cast %swap3A_1015 : vector<16xf32> to vector<16xf32>
        %swap3A_1017 = vector.shape_cast %add3A_904 : vector<16xf32> to vector<16xf32>
        tpu.vector_store %swap3A_1013[%swap3A_1014], %swap3A_1017 {strides = array<i32>} : memref<128xf32, #tpu.memory_space<vmem>>, vector<16xf32>,
        %add3A_1018 = arith.addf %add3A_904, %get3A_1010 : vector<16xf32>
        %get3A_1019 = arith.constant 0 : i32
        %get3A_1020 = tpu.memref_slice %arg4[%scan3A_920, %get3A_1019] : memref<256x128xf32, #tpu.memory_space<vmem>> -> memref<1x128xf32, #tpu.memory_space<vmem>>
        %get3A_1021 = tpu.memref_squeeze %get3A_1020 : memref<1x128xf32, #tpu.memory_space<vmem>> -> memref<128xf32, #tpu.memory_space<vmem>>
        %get3A_1022 = arith.constant 112 : index
        %get3A_1023 = tpu.vector_load %get3A_1021[%get3A_1022] {strides = array<i32>} : memref<128xf32, #tpu.memory_space<vmem>>, vector<16xf32>,
        %get3A_1024 = vector.shape_cast %get3A_1023 : vector<16xf32> to vector<16xf32>
        %swap3A_1025 = arith.constant 0 : i32
        %swap3A_1026 = tpu.memref_slice %arg5[%scan3A_920, %swap3A_1025] : memref<256x128xf32, #tpu.memory_space<vmem>> -> memref<1x128xf32, #tpu.memory_space<vmem>>
        %swap3A_1027 = tpu.memref_squeeze %swap3A_1026 : memref<1x128xf32, #tpu.memory_space<vmem>> -> memref<128xf32, #tpu.memory_space<vmem>>
        %swap3A_1028 = arith.constant 112 : index
        %swap3A_1029 = tpu.vector_load %swap3A_1027[%swap3A_1028] {strides = array<i32>} : memref<128xf32, #tpu.memory_space<vmem>>, vector<16xf32>,
        %swap3A_1030 = vector.shape_cast %swap3A_1029 : vector<16xf32> to vector<16xf32>
        %swap3A_1031 = vector.shape_cast %add3A_918 : vector<16xf32> to vector<16xf32>
        tpu.vector_store %swap3A_1027[%swap3A_1028], %swap3A_1031 {strides = array<i32>} : memref<128xf32, #tpu.memory_space<vmem>>, vector<16xf32>,
        %add3A_1032 = arith.addf %add3A_918, %get3A_1024 : vector<16xf32>
        scf.yield %add3A_934, %add3A_948, %add3A_962, %add3A_976, %add3A_990, %add3A_1004, %add3A_1018, %add3A_1032 : vector<16xf32>, vector<16xf32>, vector<16xf32>, vector<16xf32>, vector<16xf32>, vector<16xf32>, vector<16xf32>, vector<16xf32>
      }
      %scan3A_115 = arith.constant 256 : i32
      "tpu.region"() ({
        %run_scoped3A = tpu.sem_alloc : memref<!tpu.dma_semaphore, #tpu.memory_space<semaphore_mem>>
        %dma_start3A = tpu.memref_slice %arg3[%select_n3A_70, %multiple_of3A_109, %multiple_of3A_89] : memref<4x4096x2048xf32, #tpu.memory_space<hbm>> -> memref<1x256x128xf32, #tpu.memory_space<hbm>>
        %dma_start3A_116 = tpu.memref_squeeze %dma_start3A : memref<1x256x128xf32, #tpu.memory_space<hbm>> -> memref<256x128xf32, #tpu.memory_space<hbm>>
        %dma_start3A_117 = tpu.memref_slice %arg3[%select_n3A_70, %multiple_of3A_109, %multiple_of3A_89] : memref<4x4096x2048xf32, #tpu.memory_space<hbm>> -> memref<1x256x128xf32, #tpu.memory_space<hbm>>
        %dma_start3A_118 = tpu.memref_squeeze %dma_start3A_117 : memref<1x256x128xf32, #tpu.memory_space<hbm>> -> memref<256x128xf32, #tpu.memory_space<hbm>>
        tpu.enqueue_dma source(%arg5 : memref<256x128xf32, #tpu.memory_space<vmem>>) target(%dma_start3A_118 : memref<256x128xf32, #tpu.memory_space<hbm>>) target_semaphore(%run_scoped3A : memref<!tpu.dma_semaphore, #tpu.memory_space<semaphore_mem>>)
        %dma_wait3A = tpu.memref_slice %arg3[%select_n3A_70, %multiple_of3A_109, %multiple_of3A_89] : memref<4x4096x2048xf32, #tpu.memory_space<hbm>> -> memref<1x256x128xf32, #tpu.memory_space<hbm>>
        %dma_wait3A_119 = tpu.memref_squeeze %dma_wait3A : memref<1x256x128xf32, #tpu.memory_space<hbm>> -> memref<256x128xf32, #tpu.memory_space<hbm>>
        %dma_wait3A_120 = tpu.memref_slice %arg3[%select_n3A_70, %multiple_of3A_109, %multiple_of3A_89] : memref<4x4096x2048xf32, #tpu.memory_space<hbm>> -> memref<1x256x128xf32, #tpu.memory_space<hbm>>
        %dma_wait3A_121 = tpu.memref_squeeze %dma_wait3A_120 : memref<1x256x128xf32, #tpu.memory_space<hbm>> -> memref<256x128xf32, #tpu.memory_space<hbm>>
        tpu.wait_dma2 semaphore(%run_scoped3A : memref<!tpu.dma_semaphore, #tpu.memory_space<semaphore_mem>>) src(%arg5 : memref<256x128xf32, #tpu.memory_space<vmem>>) dst(%dma_wait3A_121 : memref<256x128xf32, #tpu.memory_space<hbm>>)
        tpu.yield
      }) : () -> ()
      scf.yield %scan3A_114#0, %scan3A_114#1, %scan3A_114#2, %scan3A_114#3, %scan3A_114#4, %scan3A_114#5, %scan3A_114#6, %scan3A_114#7 : vector<16xf32>, vector<16xf32>, vector<16xf32>, vector<16xf32>, vector<16xf32>, vector<16xf32>, vector<16xf32>, vector<16xf32>
    }
    %scan3A_97 = arith.constant 16 : i32
    return
  }
}

</mosaic_0001>

<sc_bundles>
// kernel: kernel.3.cloned.1.call-start
scs
__scs_entry_jumppad:
0x0: {  	(pc) =	sbr.rel $0x88, $3  }
0x1: {  	(tag) =	ssettag $0x0;
	lr =	simm.s32 $0x1  }
0x2: {  	[smem:$0x3FA0] =	sst lr;
	_ =	strace $0xD0000000  }
0x3: {  	_ = 	snop  }
0x4: {  	_ = 	snop  }
0x5: {  	_ = 	snop  }
0x6: {  	_ = 	snop  }
0x7: {  	_ = 	snop  }
__scs_overlays_trampoline_lowered:
0x8: {  	[smem:$0x3FAF] =	sst s0  }
0x9: {  	[smem:$0x3FB0] =	sst s1  }
0xa: {  	[smem:$0x3FB1] =	sst s2  }
0xb: {  	[smem:$0x3FB2] =	sst s3  }
0xc: {  	[smem:$0x3FB3] =	sst s4  }
0xd: {  	[smem:$0x3FB4] =	sst s5  }
0xe: {  	[smem:$0x3FB5] =	sst s6  }
0xf: {  	[smem:$0x3FB6] =	sst s7  }
0x10: {  	[smem:$0x3FB7] =	sst s8  }
0x11: {  	[smem:$0x3FB8] =	sst s9;
	s0 =	simm.s32 @!p0 $0x0  }
0x12: {  	s1 =	sld [smem:$0x3F9E];
	s0 =	simm.s32 @p0 $0x1  }
0x13: {  	[smem:$0x3FB9] =	sst s0;
	s0 =	simm.s32 @!p1 $0x0  }
0x14: {  	s2 =	sld [smem:$0x3F9D];
	s0 =	simm.s32 @p1 $0x1  }
0x15: {  	[smem:$0x3FBA] =	sst s0;
	s0 =	simm.s32 @!p2 $0x0  }
0x16: {  	s3 =	sld [smem:$0x3FDB];
	s0 =	simm.s32 @p2 $0x1  }
0x17: {  	s4 =	simm.s32 $0x1BF5;
	[smem:$0x3FBC] =	sst s0  }
0x18: {  	s0 =	sld [smem:$0x3F9F];
	_ =	swait.ge [sflag:s4], $0x0  }
0x19: {  	s7 =	sld [smem:$0x3FA0]  }
0x1a: {  	s8 =	sadd.s32 $0xFFFFE003, lr  }
0x1b: {  	s9 =	sadd.s32 $0xFFFFFEF7, lr;
	s5 =	simm.s32 $0xFFFFFFFF;
	p2 =	slt.u32 s8, $0xFFFFF086  }
0x1c: {  	p1 =	slt.u32 s9, $0xF7A;
	s5 =	simm.s32 @!p2 $0x0  }
0x1d: {  	s5 =	simm.s32 @p1 $0x1;
	p0 =	seq.s32 s7, s2  }
0x1e: {  	s7 =	smul.u32 @!p0 $0xF7A, s2;
	p2 =	seq.s32 @!p0 s5, $0x0  }
0x1f: {  	s9 =	smul.u32 $0xF7A, s1;
	s8 =	simm.s32 @!p0 $0x1BF5;
	p2 =	por !p2, p0  }
0x20: {  	[sflag:s8] =	ssyncset.s32 @!p0 $0xFFFFF086;
	s6 =	sadd.s32 @!p0 s3, s7;
	s7 =	simm.s32 @!p0 $0x108  }
0x21: {  	s3 =	sadd.s32 s3, s9;
	s6 =	sadd.s32 @!p0 $0x88, s6;
	s7 =	simm.s32 @p2 $0x1082  }
0x22: {  	[simem:s7], [sflag:s8] =	dma.local @!p0 [hbm:s6], $0xF7A  }
0x23: {  	s9 =	sor.u32 $0xD0000000, s2;
	s6 =	simm.s32 $0x108;
	_ =	swait.ge @!p0 [sflag:s8], $0x0  }
0x24: {  	s3 =	sadd.s32 $0x88, s3;
	s6 =	simm.s32 @!p1 $0x1082;
	[sflag:s4] =	ssyncset.s32 $0xFFFFF086  }
0x25: {  	[simem:s6], [sflag:s4] =	dma.local [hbm:s3], $0xF7A  }
0x26: {  	[smem:$0x3FA0] =	sst s1;
	(tag) =	ssettag s2;
	_ =	strace s9  }
0x27: {  	s1 =	sld [smem:$0x3FB0]  }
0x28: {  	s2 =	sld [smem:$0x3FB1]  }
0x29: {  	s4 =	sld [smem:$0x3FB3]  }
0x2a: {  	p0 =	seq.s32 s5, $0x0;
	s5 =	sld [smem:$0x3FB4]  }
0x2b: {  	s6 =	sld [smem:$0x3FB5]  }
0x2c: {  	s7 =	sld [smem:$0x3FB6]  }
0x2d: {  	s3 =	simm.s32 $0x108;
	s8 =	sld [smem:$0x3FB7]  }
0x2e: {  	s3 =	simm.s32 @!p0 $0x1082;
	s9 =	sld [smem:$0x3FB8]  }
0x2f: {  	lr =	sadd.s32 s0, s3;
	s0 =	sld [smem:$0x3FAF]  }
0x30: {  	s3 =	sld [smem:$0x3FB2]  }
0x31: {  	[smem:$0x3FBB] =	sst s10  }
0x32: {  	s10 =	sld [smem:$0x3FB9];
	_ =	sdelay $0x3  }
0x33: {  	p0 =	seq.s32 s10, $0x1;
	s10 =	sld [smem:$0x3FBB];
	_ =	sdelay $0x3  }
0x34: {  	[smem:$0x3FBB] =	sst s10  }
0x35: {  	s10 =	sld [smem:$0x3FBA];
	_ =	sdelay $0x3  }
0x36: {  	p1 =	seq.s32 s10, $0x1;
	s10 =	sld [smem:$0x3FBB];
	_ =	sdelay $0x3  }
0x37: {  	[smem:$0x3FBB] =	sst s10  }
0x38: {  	s10 =	sld [smem:$0x3FBC]  }
0x39: {  	_ = 	snop;
	(pc) =	sbr.ind lr, $3  }
0x3a: {  	_ = 	snop  }
0x3b: {  	_ = 	snop  }
0x3c: {  	p2 =	seq.s32 s10, $0x1;
	s10 =	sld [smem:$0x3FBB]  }
0x3d: {  	_ =	shalt  }
0x3e: {  	_ =	shalt  }
0x3f: {  	_ =	shalt  }
0x40: {  	_ =	shalt  }
0x41: {  	_ =	shalt  }
0x42: {  	_ =	shalt  }
0x43: {  	_ =	shalt  }
0x44: {  	_ =	shalt  }
0x45: {  	_ =	shalt  }
0x46: {  	_ =	shalt  }
0x47: {  	_ =	shalt  }
0x48: {  	_ =	shalt  }
0x49: {  	_ =	shalt  }
0x4a: {  	_ =	shalt  }
0x4b: {  	_ =	shalt  }
0x4c: {  	_ =	shalt  }
0x4d: {  	_ =	shalt  }
0x4e: {  	_ =	shalt  }
0x4f: {  	_ =	shalt  }
0x50: {  	_ =	shalt  }
0x51: {  	_ =	shalt  }
0x52: {  	_ =	shalt  }
0x53: {  	_ =	shalt  }
0x54: {  	_ =	shalt  }
0x55: {  	_ =	shalt  }
0x56: {  	_ =	shalt  }
0x57: {  	_ =	shalt  }
0x58: {  	_ =	shalt  }
0x59: {  	_ =	shalt  }
0x5a: {  	_ =	shalt  }
0x5b: {  	_ =	shalt  }
0x5c: {  	_ =	shalt  }
0x5d: {  	_ =	shalt  }
0x5e: {  	_ =	shalt  }
0x5f: {  	_ =	shalt  }
0x60: {  	_ =	shalt  }
0x61: {  	_ =	shalt  }
0x62: {  	_ =	shalt  }
0x63: {  	_ =	shalt  }
0x64: {  	_ =	shalt  }
0x65: {  	_ =	shalt  }
0x66: {  	_ =	shalt  }
0x67: {  	_ =	shalt  }
0x68: {  	_ =	shalt  }
0x69: {  	_ =	shalt  }
0x6a: {  	_ =	shalt  }
0x6b: {  	_ =	shalt  }
0x6c: {  	_ =	shalt  }
0x6d: {  	_ =	shalt  }
0x6e: {  	_ =	shalt  }
0x6f: {  	_ =	shalt  }
0x70: {  	_ =	shalt  }
0x71: {  	_ =	shalt  }
0x72: {  	_ =	shalt  }
0x73: {  	_ =	shalt  }
0x74: {  	_ =	shalt  }
0x75: {  	_ =	shalt  }
0x76: {  	_ =	shalt  }
0x77: {  	_ =	shalt  }
0x78: {  	_ =	shalt  }
0x79: {  	_ =	shalt  }
0x7a: {  	_ =	shalt  }
0x7b: {  	_ =	shalt  }
0x7c: {  	_ =	shalt  }
0x7d: {  	_ =	shalt  }
0x7e: {  	_ =	shalt  }
0x7f: {  	_ =	shalt  }
0x80: {  	_ =	shalt  }
0x81: {  	_ =	shalt  }
0x82: {  	_ =	shalt  }
0x83: {  	_ =	shalt  }
0x84: {  	_ =	shalt  }
0x85: {  	_ =	shalt  }
0x86: {  	_ =	shalt  }
0x87: {  	_ =	shalt  }
.Lfunc_end0:
.L_simem_size_0:
called_computation_lowered:
.L_overlay_start_0:
0x88: {  	s2 =	sld [smem:$0x3FD9]  }
0x89: {  	s3 =	sld [smem:$0x3FFE];
	_ =	sdelay $0x1  }
0x8a: {  	s1 =	srdreg.scid  }
0x8b: {  	s0 =	sand.u32 $0x1, s1  }
0x8c: {  	s18 =	sshll.u32 s0, $0xA;
	s2 =	sadd.s32 s3, s2  }
0x8d: {  	s2 =	sadd.s32 s2, s18  }
0x8e: {  	[smem:$0x3FC7] =	sst s2  }
0x8f: {  	_ = 	snop  }
0x90: {  	s2 =	sld [smem:$0x3FC9]  }
0x91: {  	s19 =	sld [smem:$0x3FD0];
	(tm) =	ssettm $0x1  }
0x92: {  	s4 =	sld [smem:$0x3FFB];
	_ =	sdelay $0x3  }
0x93: {  	_ =	strace s4  }
0x94: {  	s4 =	sld [smem:$0x3FFC];
	_ =	sdelay $0x3  }
0x95: {  	_ =	strace s4  }
0x96: {  	s4 =	sld [smem:$0x3FFD];
	_ =	sdelay $0x3  }
0x97: {  	_ =	strace s4  }
0x98: {  	_ =	strace $0x8FFFFFFF  }
0x99: {  	s20 =	sld [smem:$0x3FDB];
	_ =	sdelay $0x1  }
0x9a: {  	s5 =	simm.s32 $_scs_section_size  }
0x9b: {  	s6 =	simm.s32 $_size__tile_overlayer_lowered;
	s7 =	simm.s32 $_tile_overlayer_lowered  }
0x9c: {  	s23 =	simm.s32 $0x1BFF;
	s22 =	sshll.u32 s7, $0x1;
	s4 =	sadd.s32 s5, s20  }
0x9d: {  	s8 =	simm.s32 $0x0;
	s21 =	sshll.u32 s6, $0x1;
	s6 =	sadd.s32 s22, s4  }
0x9e: {  	[timem:s8], [sflag:s23] =	dma.local [hbm:s6], s21  }
0x9f: {  	_ =	swait.ge [sflag:s23], s21  }
0xa0: {  	s5 =	ssub.s32 $0x0, s21;
	[sflag:s23] =	ssyncset.done $0x0  }
0xa1: {  	[sflag:s23] =	ssyncadd.s32 s5;
	_ =	sdelay $0x1  }
0xa2: {  	s24 =	simm.s32 $0x1B8B  }
0xa3: {  	_ =	swait.ge [sflag:s24], $0x1  }
0xa4: {  	[sflag:s24] =	ssyncset.done $0x0  }
0xa5: {  	s25 =	simm.s32 $0x1B8E;
	[sflag:s24] =	ssyncadd.s32 $0xFFFFFFFF  }
0xa6: {  	s26 =	simm.s32 $execute0_lowered;
	[smem:$0x3FD2] =	sst s25  }
0xa7: {  	s5 =	sshll.u32 s26, $0x1;
	_ =	strace $0x80000046;
	[dreg:$0x1] =	wrdreg $0xFFFFFFFF  }
0xa8: {  	s28 =	simm.s32 $_size_execute0_lowered;
	s4 =	sadd.s32 s4, s5;
	[dreg:$0x0] =	wrdreg $0x0  }
0xa9: {  	s5 =	sshll.u32 s28, $0x1;
	[dreg:$0x2] =	wrdreg s4  }
0xaa: {  	[dreg:$0x3] =	wrdreg s5  }
0xab: {  	[dreg:$0x4] =	wrdreg $0xC0  }
0xac: {  	_ =	task [dreg:s8], $0x5FFFF  }
0xad: {  	[dreg:$0x1] =	wrdreg $0xFFFFFFFF  }
0xae: {  	[dreg:$0x0] =	wrdreg $0x60  }
0xaf: {  	[dreg:$0x2] =	wrdreg s2  }
0xb0: {  	[dreg:$0x3] =	wrdreg s19  }
0xb1: {  	[dreg:$0x4] =	wrdreg $0x9  }
0xb2: {  	_ =	task.clear_ibuf [dreg:s8], $0x5FFFF;
	_ =	strace $0x90000046  }
0xb3: {  	s29 =	simm.s32 $0x9;
	_ =	strace $0x80000048  }
0xb4: {  	_ =	swait.ge [sflag:s29], $0x1  }
0xb5: {  	[sflag:s29] =	ssyncadd.s32 $0xFFFFFFFF  }
0xb6: {  	_ =	strace $0x90000048  }
0xb7: {  	_ =	sfence  }
0xb8: {  	s30 =	sld [smem:$0x0];
	_ =	sdelay $0x2  }
0xb9: {  	s31 =	sshll.u32 s1, $0xD;
	s1 =	sshrl.u32 s1, $0x2  }
0xba: {  	s3 =	sand.u32 $0x4000, s31;
	s1 =	sadd.s32 s1, s30  }
0xbb: {  	s0 =	sor.u32 s3, s0;
	s1 =	sshll.u32 s1, $0x11  }
0xbc: {  	s0 =	sor.u32 s1, s0  }
0xbd: {  	s0 =	sadd.s32 $0x8F2B, s0  }
0xbe: {  	[sflag:s0] =	ssyncadd.remote.s32 $0x1  }
0xbf: {  	_ =	sfence.sel $0xFFFF  }
0xc0: {  	[dreg:$0x0] =	wrdreg $0xFFFFFFFF;
	(pc) =	sbr.abs _section_cstart, $3  }
0xc1: {  	[dreg:$0x1] =	wrdreg $0xFFFFFFFF  }
0xc2: {  	_ =	task.clear_ibuf [dreg:s8], $0x2FFFF;
	_ =	strace $0x9FFFFFFF  }
0xc3: {  	(tm) =	ssettm $0x7FFFFFFF  }
tec
execute0_lowered:
.L_overlay_start_1:
0x0: {  	(tag) =	ssettag $0x1  }
0x1: {  	s2 =	rddreg [dreg:$0x0]  }
0x2: {  	s3 =	rddreg [dreg:$0x1]  }
0x3: {  	s0 =	rddreg [dreg:$0x2]  }
0x4: {  	s5 =	srdreg.scid;
	s1 =	stileid.u32  }
0x5: {  	s4 =	simm.s32 $0x0;
	s10 =	simm.s32 $0x1;
	s11 =	simm.s32 $0x8000  }
0x6: {  	s12 =	simm.s32 $0x0;
	s5 =	sand.u32 $0x1, s5;
	s6 =	sshll.u32 s1, $0x9  }
0x7: {  	s8 =	sshll.u32 s1, $0x12;
	[smem:$0x7FF] =	sst s4;
	s7 =	sshll.u32 s5, $0x8  }
0x8: {  	s6 =	sand.u32 $0x600, s6;
	s9 =	ssub.s32 $0x2, s5;
	s30 =	sand.u32 $0x300000, s8  }
0x9: {  	_ =	strace $0x80000047;
	s6 =	sor.u32 s7, s6;
	s31 =	sshrl.u32 s9, $0x1  }
0xa: {  	s8 =	simm.s32 $0x400;
	s5 =	sor.u32 s6, s30;
	s7 =	ssub.s32 s9, s31  }
0xb: {  	s9 =	simm.s32 $0x4000;
	s6 =	sor.u32 $0x80, s5;
	s7 =	smax.u32 s7, $0x1  }
.LBB2_1:
0xc: {  	v0 =	vimm.f32 $0.0e+00;
	v1 =	vimm.f32 $0.0e+00  }
0xd: {  	v2 =	vimm.f32 $0.0e+00;
	v3 =	vimm.f32 $0.0e+00;
	v4 =	vimm.f32 $0.0e+00  }
0xe: {  	v5 =	vimm.f32 $0.0e+00;
	v6 =	vimm.f32 $0.0e+00;
	v7 =	vimm.f32 $0.0e+00;
	s13 =	simm.s32 $0x0  }
.LBB2_2:
0xf: {  	s14 =	sshll.u32 s13, $0x10  }
0x10: {  	s14 =	sadd.s32 s5, s14  }
0x11: {  	s15 =	sadd.s32 s2, s14  }
0x12: {  	[tilespmem:s4], [sflag:$0x1] =	stream.strided.gather [hbm4b:s15+s8], $0x8000, s9, s8, $0x38;
	[tilespmem:$0x10000] =	vst v63  }
0x13: {  	_ =	swait.ge [sflag:s10], $0x8000  }
0x14: {  	s16 =	simm.s32 $0x8200;
	[sflag:s10] =	ssyncset.done $0x0  }
0x15: {  	s17 =	simm.s32 $0x200;
	s15 =	simm.s32 $0xFFFFFFF8;
	[sflag:s10] =	ssyncadd.s32 $0xFFFF8000  }
.LBB2_3:
0x16: {  	v8 =	vld [tilespmem:s17+$0xFFFFFE00];
	[tilespmem:s16+$0xFFFFFE00] =	vst v7  }
0x17: {  	v9 =	vld [tilespmem:s17+$0xFFFFFE10];
	[tilespmem:s16+$0xFFFFFE10] =	vst v6  }
0x18: {  	v10 =	vld [tilespmem:s17+$0xFFFFFE20];
	[tilespmem:s16+$0xFFFFFE20] =	vst v5  }
0x19: {  	v11 =	vld [tilespmem:s17+$0xFFFFFE30];
	[tilespmem:s16+$0xFFFFFE30] =	vst v4  }
0x1a: {  	v12 =	vld [tilespmem:s17+$0xFFFFFE40];
	[tilespmem:s16+$0xFFFFFE40] =	vst v3  }
0x1b: {  	v13 =	vld [tilespmem:s17+$0xFFFFFE50];
	[tilespmem:s16+$0xFFFFFE50] =	vst v2  }
0x1c: {  	v7 =	vadd.f32 v8, v7;
	v14 =	vld [tilespmem:s17+$0xFFFFFE60];
	[tilespmem:s16+$0xFFFFFE60] =	vst v1  }
0x1d: {  	v6 =	vadd.f32 v9, v6;
	v15 =	vld [tilespmem:s17+$0xFFFFFE70];
	[tilespmem:s16+$0xFFFFFE70] =	vst v0  }
0x1e: {  	v5 =	vadd.f32 v10, v5;
	v8 =	vld [tilespmem:s17+$0xFFFFFE80];
	[tilespmem:s16+$0xFFFFFE80] =	vst v7  }
0x1f: {  	v4 =	vadd.f32 v11, v4;
	v62 =	vld [tilespmem:s17+$0xFFFFFE90];
	[tilespmem:s16+$0xFFFFFE90] =	vst v6  }
0x20: {  	v3 =	vadd.f32 v12, v3;
	v63 =	vld [tilespmem:s17+$0xFFFFFEA0];
	[tilespmem:s16+$0xFFFFFEA0] =	vst v5  }
0x21: {  	v2 =	vadd.f32 v13, v2;
	v18 =	vld [tilespmem:s17+$0xFFFFFEB0];
	[tilespmem:s16+$0xFFFFFEB0] =	vst v4  }
0x22: {  	v1 =	vadd.f32 v14, v1;
	v19 =	vld [tilespmem:s17+$0xFFFFFEC0];
	[tilespmem:s16+$0xFFFFFEC0] =	vst v3  }
0x23: {  	v0 =	vadd.f32 v15, v0;
	v20 =	vld [tilespmem:s17+$0xFFFFFED0];
	[tilespmem:s16+$0xFFFFFED0] =	vst v2  }
0x24: {  	v7 =	vadd.f32 v8, v7;
	v21 =	vld [tilespmem:s17+$0xFFFFFEE0];
	[tilespmem:s16+$0xFFFFFEE0] =	vst v1  }
0x25: {  	v6 =	vadd.f32 v62, v6;
	v22 =	vld [tilespmem:s17+$0xFFFFFEF0];
	[tilespmem:s16+$0xFFFFFEF0] =	vst v0  }
0x26: {  	v5 =	vadd.f32 v63, v5;
	v8 =	vld [tilespmem:s17+$0xFFFFFF00];
	[tilespmem:s16+$0xFFFFFF00] =	vst v7  }
0x27: {  	v4 =	vadd.f32 v18, v4;
	v23 =	vld [tilespmem:s17+$0xFFFFFF10];
	[tilespmem:s16+$0xFFFFFF10] =	vst v6  }
0x28: {  	v3 =	vadd.f32 v19, v3;
	v24 =	vld [tilespmem:s17+$0xFFFFFF20];
	[tilespmem:s16+$0xFFFFFF20] =	vst v5  }
0x29: {  	v2 =	vadd.f32 v20, v2;
	v25 =	vld [tilespmem:s17+$0xFFFFFF30];
	[tilespmem:s16+$0xFFFFFF30] =	vst v4  }
0x2a: {  	v1 =	vadd.f32 v21, v1;
	v26 =	vld [tilespmem:s17+$0xFFFFFF40];
	[tilespmem:s16+$0xFFFFFF40] =	vst v3  }
0x2b: {  	v0 =	vadd.f32 v22, v0;
	v27 =	vld [tilespmem:s17+$0xFFFFFF50];
	[tilespmem:s16+$0xFFFFFF50] =	vst v2  }
0x2c: {  	v7 =	vadd.f32 v8, v7;
	v28 =	vld [tilespmem:s17+$0xFFFFFF60];
	[tilespmem:s16+$0xFFFFFF60] =	vst v1  }
0x2d: {  	v6 =	vadd.f32 v23, v6;
	v29 =	vld [tilespmem:s17+$0xFFFFFF70];
	[tilespmem:s16+$0xFFFFFF70] =	vst v0  }
0x2e: {  	v5 =	vadd.f32 v24, v5;
	v8 =	vld [tilespmem:s17+$0xFFFFFF80];
	[tilespmem:s16+$0xFFFFFF80] =	vst v7  }
0x2f: {  	v4 =	vadd.f32 v25, v4;
	v30 =	vld [tilespmem:s17+$0xFFFFFF90];
	[tilespmem:s16+$0xFFFFFF90] =	vst v6  }
0x30: {  	v3 =	vadd.f32 v26, v3;
	v31 =	vld [tilespmem:s17+$0xFFFFFFA0];
	[tilespmem:s16+$0xFFFFFFA0] =	vst v5  }
0x31: {  	v2 =	vadd.f32 v27, v2;
	v32 =	vld [tilespmem:s17+$0xFFFFFFB0];
	[tilespmem:s16+$0xFFFFFFB0] =	vst v4  }
0x32: {  	v1 =	vadd.f32 v28, v1;
	v33 =	vld [tilespmem:s17+$0xFFFFFFC0];
	[tilespmem:s16+$0xFFFFFFC0] =	vst v3  }
0x33: {  	v0 =	vadd.f32 v29, v0;
	v34 =	vld [tilespmem:s17+$0xFFFFFFD0];
	[tilespmem:s16+$0xFFFFFFD0] =	vst v2  }
0x34: {  	v7 =	vadd.f32 v8, v7;
	v35 =	vld [tilespmem:s17+$0xFFFFFFE0];
	[tilespmem:s16+$0xFFFFFFE0] =	vst v1  }
0x35: {  	v6 =	vadd.f32 v30, v6;
	v36 =	vld [tilespmem:s17+$0xFFFFFFF0];
	[tilespmem:s16+$0xFFFFFFF0] =	vst v0  }
0x36: {  	v5 =	vadd.f32 v31, v5;
	v8 =	vld [tilespmem:s17+$0x0];
	[tilespmem:s16+$0x0] =	vst v7  }
0x37: {  	v4 =	vadd.f32 v32, v4;
	v37 =	vld [tilespmem:s17+$0x10];
	[tilespmem:s16+$0x10] =	vst v6  }
0x38: {  	v3 =	vadd.f32 v33, v3;
	v38 =	vld [tilespmem:s17+$0x20];
	[tilespmem:s16+$0x20] =	vst v5  }
0x39: {  	v2 =	vadd.f32 v34, v2;
	v39 =	vld [tilespmem:s17+$0x30];
	[tilespmem:s16+$0x30] =	vst v4  }
0x3a: {  	v1 =	vadd.f32 v35, v1;
	v40 =	vld [tilespmem:s17+$0x40];
	[tilespmem:s16+$0x40] =	vst v3  }
0x3b: {  	v0 =	vadd.f32 v36, v0;
	v41 =	vld [tilespmem:s17+$0x50];
	[tilespmem:s16+$0x50] =	vst v2  }
0x3c: {  	v7 =	vadd.f32 v8, v7;
	v42 =	vld [tilespmem:s17+$0x60];
	[tilespmem:s16+$0x60] =	vst v1  }
0x3d: {  	v6 =	vadd.f32 v37, v6;
	v43 =	vld [tilespmem:s17+$0x70];
	[tilespmem:s16+$0x70] =	vst v0  }
0x3e: {  	v5 =	vadd.f32 v38, v5;
	v8 =	vld [tilespmem:s17+$0x80];
	[tilespmem:s16+$0x80] =	vst v7  }
0x3f: {  	v4 =	vadd.f32 v39, v4;
	v44 =	vld [tilespmem:s17+$0x90];
	[tilespmem:s16+$0x90] =	vst v6  }
0x40: {  	v3 =	vadd.f32 v40, v3;
	v45 =	vld [tilespmem:s17+$0xA0];
	[tilespmem:s16+$0xA0] =	vst v5  }
0x41: {  	v2 =	vadd.f32 v41, v2;
	v46 =	vld [tilespmem:s17+$0xB0];
	[tilespmem:s16+$0xB0] =	vst v4  }
0x42: {  	v1 =	vadd.f32 v42, v1;
	v47 =	vld [tilespmem:s17+$0xC0];
	[tilespmem:s16+$0xC0] =	vst v3  }
0x43: {  	v0 =	vadd.f32 v43, v0;
	v48 =	vld [tilespmem:s17+$0xD0];
	[tilespmem:s16+$0xD0] =	vst v2  }
0x44: {  	v7 =	vadd.f32 v8, v7;
	v49 =	vld [tilespmem:s17+$0xE0];
	[tilespmem:s16+$0xE0] =	vst v1  }
0x45: {  	v6 =	vadd.f32 v44, v6;
	v50 =	vld [tilespmem:s17+$0xF0];
	[tilespmem:s16+$0xF0] =	vst v0  }
0x46: {  	v5 =	vadd.f32 v45, v5;
	v8 =	vld [tilespmem:s17+$0x100];
	[tilespmem:s16+$0x100] =	vst v7  }
0x47: {  	v4 =	vadd.f32 v46, v4;
	v51 =	vld [tilespmem:s17+$0x110];
	[tilespmem:s16+$0x110] =	vst v6  }
0x48: {  	v3 =	vadd.f32 v47, v3;
	v52 =	vld [tilespmem:s17+$0x120];
	[tilespmem:s16+$0x120] =	vst v5  }
0x49: {  	v2 =	vadd.f32 v48, v2;
	v53 =	vld [tilespmem:s17+$0x130];
	[tilespmem:s16+$0x130] =	vst v4  }
0x4a: {  	v1 =	vadd.f32 v49, v1;
	v54 =	vld [tilespmem:s17+$0x140];
	[tilespmem:s16+$0x140] =	vst v3  }
0x4b: {  	v0 =	vadd.f32 v50, v0;
	v55 =	vld [tilespmem:s17+$0x150];
	[tilespmem:s16+$0x150] =	vst v2  }
0x4c: {  	v7 =	vadd.f32 v8, v7;
	v56 =	vld [tilespmem:s17+$0x160];
	[tilespmem:s16+$0x160] =	vst v1  }
0x4d: {  	v6 =	vadd.f32 v51, v6;
	v57 =	vld [tilespmem:s17+$0x170];
	[tilespmem:s16+$0x170] =	vst v0  }
0x4e: {  	v5 =	vadd.f32 v52, v5;
	v8 =	vld [tilespmem:s17+$0x180];
	[tilespmem:s16+$0x180] =	vst v7  }
0x4f: {  	v4 =	vadd.f32 v53, v4;
	v58 =	vld [tilespmem:s17+$0x190];
	[tilespmem:s16+$0x190] =	vst v6  }
0x50: {  	v3 =	vadd.f32 v54, v3;
	v59 =	vld [tilespmem:s17+$0x1A0];
	[tilespmem:s16+$0x1A0] =	vst v5  }
0x51: {  	v2 =	vadd.f32 v55, v2;
	v60 =	vld [tilespmem:s17+$0x1B0];
	[tilespmem:s16+$0x1B0] =	vst v4  }
0x52: {  	v1 =	vadd.f32 v56, v1;
	v61 =	vld [tilespmem:s17+$0x1C0];
	[tilespmem:s16+$0x1C0] =	vst v3  }
0x53: {  	v62 =	vld [tilespmem:s17+$0x1D0];
	[tilespmem:s16+$0x1D0] =	vst v2  }
0x54: {  	s15 =	sadd.s32 $0x8, s15;
	v63 =	vld [tilespmem:s17+$0x1E0];
	[tilespmem:s16+$0x1E0] =	vst v1  }
0x55: {  	p0 =	slt.u32 s15, $0xF8;
	v16 =	vld [tilespmem:s17+$0x1F0]  }
.Ltmp0:
0x56: {  	v0 =	vadd.f32 v57, v0;
	(pc) =	sbr.rel @p0 .LBB2_3-.Ltmp0, $4  }
0x57: {  	v7 =	vadd.f32 v8, v7;
	v6 =	vadd.f32 v58, v6  }
0x58: {  	v5 =	vadd.f32 v59, v5;
	v4 =	vadd.f32 v60, v4  }
0x59: {  	v3 =	vadd.f32 v61, v3;
	v2 =	vadd.f32 v62, v2  }
0x5a: {  	[tilespmem:s16+$0x1F0] =	vst v0;
	s16 =	sadd.s32 $0x400, s16;
	s17 =	sadd.s32 $0x400, s17;
	v1 =	vadd.f32 v63, v1;
	v0 =	vadd.f32 v16, v0  }
0x5b: {  	s13 =	sadd.s32 $0x1, s13  }
0x5c: {  	p0 =	sne.s32 s13, $0x10  }
.Ltmp1:
0x5d: {  	s14 =	sadd.s32 s3, s14;
	(pc) =	sbr.rel @p0 .LBB2_2-.Ltmp1, $4  }
0x5e: {  	[hbm4b:s14+s8] =	stream.strided.scatter [tilespmem:s11], [sflag:$0x1], $0x8000, s9, s8, $0x38;
	[tilespmem:$0x10000] =	vst v63  }
0x5f: {  	_ =	swait.ge [sflag:s10], $0x8000  }
0x60: {  	[sflag:s10] =	ssyncset.done $0x0  }
0x61: {  	[sflag:s10] =	ssyncadd.s32 $0xFFFF8000  }
0x62: {  	v0 =	vimm.f32 $0.0e+00;
	v1 =	vimm.f32 $0.0e+00  }
0x63: {  	v2 =	vimm.f32 $0.0e+00;
	v3 =	vimm.f32 $0.0e+00;
	v4 =	vimm.f32 $0.0e+00  }
0x64: {  	s13 =	simm.s32 $0x0;
	v5 =	vimm.f32 $0.0e+00;
	v6 =	vimm.f32 $0.0e+00;
	v7 =	vimm.f32 $0.0e+00  }
.LBB2_6:
0x65: {  	s14 =	sshll.u32 s13, $0x10  }
0x66: {  	s14 =	sadd.s32 s6, s14  }
0x67: {  	s15 =	sadd.s32 s2, s14  }
0x68: {  	[tilespmem:s4], [sflag:$0x1] =	stream.strided.gather [hbm4b:s15+s8], $0x8000, s9, s8, $0x38;
	[tilespmem:$0x10000] =	vst v63  }
0x69: {  	_ =	swait.ge [sflag:s10], $0x8000  }
0x6a: {  	s16 =	simm.s32 $0x8200;
	[sflag:s10] =	ssyncset.done $0x0  }
0x6b: {  	s17 =	simm.s32 $0x200;
	s15 =	simm.s32 $0xFFFFFFF8;
	[sflag:s10] =	ssyncadd.s32 $0xFFFF8000  }
.LBB2_7:
0x6c: {  	v8 =	vld [tilespmem:s17+$0xFFFFFE00];
	[tilespmem:s16+$0xFFFFFE00] =	vst v7  }
0x6d: {  	v9 =	vld [tilespmem:s17+$0xFFFFFE10];
	[tilespmem:s16+$0xFFFFFE10] =	vst v6  }
0x6e: {  	v10 =	vld [tilespmem:s17+$0xFFFFFE20];
	[tilespmem:s16+$0xFFFFFE20] =	vst v5  }
0x6f: {  	v11 =	vld [tilespmem:s17+$0xFFFFFE30];
	[tilespmem:s16+$0xFFFFFE30] =	vst v4  }
0x70: {  	v12 =	vld [tilespmem:s17+$0xFFFFFE40];
	[tilespmem:s16+$0xFFFFFE40] =	vst v3  }
0x71: {  	v13 =	vld [tilespmem:s17+$0xFFFFFE50];
	[tilespmem:s16+$0xFFFFFE50] =	vst v2  }
0x72: {  	v7 =	vadd.f32 v8, v7;
	v14 =	vld [tilespmem:s17+$0xFFFFFE60];
	[tilespmem:s16+$0xFFFFFE60] =	vst v1  }
0x73: {  	v6 =	vadd.f32 v9, v6;
	v15 =	vld [tilespmem:s17+$0xFFFFFE70];
	[tilespmem:s16+$0xFFFFFE70] =	vst v0  }
0x74: {  	v5 =	vadd.f32 v10, v5;
	v8 =	vld [tilespmem:s17+$0xFFFFFE80];
	[tilespmem:s16+$0xFFFFFE80] =	vst v7  }
0x75: {  	v4 =	vadd.f32 v11, v4;
	v62 =	vld [tilespmem:s17+$0xFFFFFE90];
	[tilespmem:s16+$0xFFFFFE90] =	vst v6  }
0x76: {  	v3 =	vadd.f32 v12, v3;
	v63 =	vld [tilespmem:s17+$0xFFFFFEA0];
	[tilespmem:s16+$0xFFFFFEA0] =	vst v5  }
0x77: {  	v2 =	vadd.f32 v13, v2;
	v18 =	vld [tilespmem:s17+$0xFFFFFEB0];
	[tilespmem:s16+$0xFFFFFEB0] =	vst v4  }
0x78: {  	v1 =	vadd.f32 v14, v1;
	v19 =	vld [tilespmem:s17+$0xFFFFFEC0];
	[tilespmem:s16+$0xFFFFFEC0] =	vst v3  }
0x79: {  	v0 =	vadd.f32 v15, v0;
	v20 =	vld [tilespmem:s17+$0xFFFFFED0];
	[tilespmem:s16+$0xFFFFFED0] =	vst v2  }
0x7a: {  	v7 =	vadd.f32 v8, v7;
	v21 =	vld [tilespmem:s17+$0xFFFFFEE0];
	[tilespmem:s16+$0xFFFFFEE0] =	vst v1  }
0x7b: {  	v6 =	vadd.f32 v62, v6;
	v22 =	vld [tilespmem:s17+$0xFFFFFEF0];
	[tilespmem:s16+$0xFFFFFEF0] =	vst v0  }
0x7c: {  	v5 =	vadd.f32 v63, v5;
	v8 =	vld [tilespmem:s17+$0xFFFFFF00];
	[tilespmem:s16+$0xFFFFFF00] =	vst v7  }
0x7d: {  	v4 =	vadd.f32 v18, v4;
	v23 =	vld [tilespmem:s17+$0xFFFFFF10];
	[tilespmem:s16+$0xFFFFFF10] =	vst v6  }
0x7e: {  	v3 =	vadd.f32 v19, v3;
	v24 =	vld [tilespmem:s17+$0xFFFFFF20];
	[tilespmem:s16+$0xFFFFFF20] =	vst v5  }
0x7f: {  	v2 =	vadd.f32 v20, v2;
	v25 =	vld [tilespmem:s17+$0xFFFFFF30];
	[tilespmem:s16+$0xFFFFFF30] =	vst v4  }
0x80: {  	v1 =	vadd.f32 v21, v1;
	v26 =	vld [tilespmem:s17+$0xFFFFFF40];
	[tilespmem:s16+$0xFFFFFF40] =	vst v3  }
0x81: {  	v0 =	vadd.f32 v22, v0;
	v27 =	vld [tilespmem:s17+$0xFFFFFF50];
	[tilespmem:s16+$0xFFFFFF50] =	vst v2  }
0x82: {  	v7 =	vadd.f32 v8, v7;
	v28 =	vld [tilespmem:s17+$0xFFFFFF60];
	[tilespmem:s16+$0xFFFFFF60] =	vst v1  }
0x83: {  	v6 =	vadd.f32 v23, v6;
	v29 =	vld [tilespmem:s17+$0xFFFFFF70];
	[tilespmem:s16+$0xFFFFFF70] =	vst v0  }
0x84: {  	v5 =	vadd.f32 v24, v5;
	v8 =	vld [tilespmem:s17+$0xFFFFFF80];
	[tilespmem:s16+$0xFFFFFF80] =	vst v7  }
0x85: {  	v4 =	vadd.f32 v25, v4;
	v30 =	vld [tilespmem:s17+$0xFFFFFF90];
	[tilespmem:s16+$0xFFFFFF90] =	vst v6  }
0x86: {  	v3 =	vadd.f32 v26, v3;
	v31 =	vld [tilespmem:s17+$0xFFFFFFA0];
	[tilespmem:s16+$0xFFFFFFA0] =	vst v5  }
0x87: {  	v2 =	vadd.f32 v27, v2;
	v32 =	vld [tilespmem:s17+$0xFFFFFFB0];
	[tilespmem:s16+$0xFFFFFFB0] =	vst v4  }
0x88: {  	v1 =	vadd.f32 v28, v1;
	v33 =	vld [tilespmem:s17+$0xFFFFFFC0];
	[tilespmem:s16+$0xFFFFFFC0] =	vst v3  }
0x89: {  	v0 =	vadd.f32 v29, v0;
	v34 =	vld [tilespmem:s17+$0xFFFFFFD0];
	[tilespmem:s16+$0xFFFFFFD0] =	vst v2  }
0x8a: {  	v7 =	vadd.f32 v8, v7;
	v35 =	vld [tilespmem:s17+$0xFFFFFFE0];
	[tilespmem:s16+$0xFFFFFFE0] =	vst v1  }
0x8b: {  	v6 =	vadd.f32 v30, v6;
	v36 =	vld [tilespmem:s17+$0xFFFFFFF0];
	[tilespmem:s16+$0xFFFFFFF0] =	vst v0  }
0x8c: {  	v5 =	vadd.f32 v31, v5;
	v8 =	vld [tilespmem:s17+$0x0];
	[tilespmem:s16+$0x0] =	vst v7  }
0x8d: {  	v4 =	vadd.f32 v32, v4;
	v37 =	vld [tilespmem:s17+$0x10];
	[tilespmem:s16+$0x10] =	vst v6  }
0x8e: {  	v3 =	vadd.f32 v33, v3;
	v38 =	vld [tilespmem:s17+$0x20];
	[tilespmem:s16+$0x20] =	vst v5  }
0x8f: {  	v2 =	vadd.f32 v34, v2;
	v39 =	vld [tilespmem:s17+$0x30];
	[tilespmem:s16+$0x30] =	vst v4  }
0x90: {  	v1 =	vadd.f32 v35, v1;
	v40 =	vld [tilespmem:s17+$0x40];
	[tilespmem:s16+$0x40] =	vst v3  }
0x91: {  	v0 =	vadd.f32 v36, v0;
	v41 =	vld [tilespmem:s17+$0x50];
	[tilespmem:s16+$0x50] =	vst v2  }
0x92: {  	v7 =	vadd.f32 v8, v7;
	v42 =	vld [tilespmem:s17+$0x60];
	[tilespmem:s16+$0x60] =	vst v1  }
0x93: {  	v6 =	vadd.f32 v37, v6;
	v43 =	vld [tilespmem:s17+$0x70];
	[tilespmem:s16+$0x70] =	vst v0  }
0x94: {  	v5 =	vadd.f32 v38, v5;
	v8 =	vld [tilespmem:s17+$0x80];
	[tilespmem:s16+$0x80] =	vst v7  }
0x95: {  	v4 =	vadd.f32 v39, v4;
	v44 =	vld [tilespmem:s17+$0x90];
	[tilespmem:s16+$0x90] =	vst v6  }
0x96: {  	v3 =	vadd.f32 v40, v3;
	v45 =	vld [tilespmem:s17+$0xA0];
	[tilespmem:s16+$0xA0] =	vst v5  }
0x97: {  	v2 =	vadd.f32 v41, v2;
	v46 =	vld [tilespmem:s17+$0xB0];
	[tilespmem:s16+$0xB0] =	vst v4  }
0x98: {  	v1 =	vadd.f32 v42, v1;
	v47 =	vld [tilespmem:s17+$0xC0];
	[tilespmem:s16+$0xC0] =	vst v3  }
0x99: {  	v0 =	vadd.f32 v43, v0;
	v48 =	vld [tilespmem:s17+$0xD0];
	[tilespmem:s16+$0xD0] =	vst v2  }
0x9a: {  	v7 =	vadd.f32 v8, v7;
	v49 =	vld [tilespmem:s17+$0xE0];
	[tilespmem:s16+$0xE0] =	vst v1  }
0x9b: {  	v6 =	vadd.f32 v44, v6;
	v50 =	vld [tilespmem:s17+$0xF0];
	[tilespmem:s16+$0xF0] =	vst v0  }
0x9c: {  	v5 =	vadd.f32 v45, v5;
	v8 =	vld [tilespmem:s17+$0x100];
	[tilespmem:s16+$0x100] =	vst v7  }
0x9d: {  	v4 =	vadd.f32 v46, v4;
	v51 =	vld [tilespmem:s17+$0x110];
	[tilespmem:s16+$0x110] =	vst v6  }
0x9e: {  	v3 =	vadd.f32 v47, v3;
	v52 =	vld [tilespmem:s17+$0x120];
	[tilespmem:s16+$0x120] =	vst v5  }
0x9f: {  	v2 =	vadd.f32 v48, v2;
	v53 =	vld [tilespmem:s17+$0x130];
	[tilespmem:s16+$0x130] =	vst v4  }
0xa0: {  	v1 =	vadd.f32 v49, v1;
	v54 =	vld [tilespmem:s17+$0x140];
	[tilespmem:s16+$0x140] =	vst v3  }
0xa1: {  	v0 =	vadd.f32 v50, v0;
	v55 =	vld [tilespmem:s17+$0x150];
	[tilespmem:s16+$0x150] =	vst v2  }
0xa2: {  	v7 =	vadd.f32 v8, v7;
	v56 =	vld [tilespmem:s17+$0x160];
	[tilespmem:s16+$0x160] =	vst v1  }
0xa3: {  	v6 =	vadd.f32 v51, v6;
	v57 =	vld [tilespmem:s17+$0x170];
	[tilespmem:s16+$0x170] =	vst v0  }
0xa4: {  	v5 =	vadd.f32 v52, v5;
	v8 =	vld [tilespmem:s17+$0x180];
	[tilespmem:s16+$0x180] =	vst v7  }
0xa5: {  	v4 =	vadd.f32 v53, v4;
	v58 =	vld [tilespmem:s17+$0x190];
	[tilespmem:s16+$0x190] =	vst v6  }
0xa6: {  	v3 =	vadd.f32 v54, v3;
	v59 =	vld [tilespmem:s17+$0x1A0];
	[tilespmem:s16+$0x1A0] =	vst v5  }
0xa7: {  	v2 =	vadd.f32 v55, v2;
	v60 =	vld [tilespmem:s17+$0x1B0];
	[tilespmem:s16+$0x1B0] =	vst v4  }
0xa8: {  	v1 =	vadd.f32 v56, v1;
	v61 =	vld [tilespmem:s17+$0x1C0];
	[tilespmem:s16+$0x1C0] =	vst v3  }
0xa9: {  	v62 =	vld [tilespmem:s17+$0x1D0];
	[tilespmem:s16+$0x1D0] =	vst v2  }
0xaa: {  	s15 =	sadd.s32 $0x8, s15;
	v63 =	vld [tilespmem:s17+$0x1E0];
	[tilespmem:s16+$0x1E0] =	vst v1  }
0xab: {  	p0 =	slt.u32 s15, $0xF8;
	v16 =	vld [tilespmem:s17+$0x1F0]  }
.Ltmp2:
0xac: {  	v0 =	vadd.f32 v57, v0;
	(pc) =	sbr.rel @p0 .LBB2_7-.Ltmp2, $4  }
0xad: {  	v7 =	vadd.f32 v8, v7;
	v6 =	vadd.f32 v58, v6  }
0xae: {  	v5 =	vadd.f32 v59, v5;
	v4 =	vadd.f32 v60, v4  }
0xaf: {  	v3 =	vadd.f32 v61, v3;
	v2 =	vadd.f32 v62, v2  }
0xb0: {  	[tilespmem:s16+$0x1F0] =	vst v0;
	s16 =	sadd.s32 $0x400, s16;
	s17 =	sadd.s32 $0x400, s17;
	v1 =	vadd.f32 v63, v1;
	v0 =	vadd.f32 v16, v0  }
0xb1: {  	s13 =	sadd.s32 $0x1, s13  }
0xb2: {  	p0 =	sne.s32 s13, $0x10  }
.Ltmp3:
0xb3: {  	s14 =	sadd.s32 s3, s14;
	(pc) =	sbr.rel @p0 .LBB2_6-.Ltmp3, $4  }
0xb4: {  	[hbm4b:s14+s8] =	stream.strided.scatter [tilespmem:s11], [sflag:$0x1], $0x8000, s9, s8, $0x38;
	[tilespmem:$0x10000] =	vst v63  }
0xb5: {  	_ =	swait.ge [sflag:s10], $0x8000  }
0xb6: {  	[sflag:s10] =	ssyncset.done $0x0  }
0xb7: {  	[sflag:s10] =	ssyncadd.s32 $0xFFFF8000  }
0xb8: {  	s12 =	sadd.s32 $0x1, s12  }
0xb9: {  	p0 =	sne.s32 s12, s7  }
.Ltmp4:
0xba: {  	_ = 	snop;
	(pc) =	sbr.rel @p0 .LBB2_1-.Ltmp4, $1  }
0xbb: {  	_ =	sdelay $0x3  }
0xbc: {  	_ =	sfence.sel $0x180000  }
0xbd: {  	[bflag:$0x0] =	sbarrier.arrive $0xFFFF  }
0xbe: {  	p0 =	sne.s32 s1, $0x0;
	_ =	strace $0x90000047  }
0xbf: {  	s0 =	sadd.s32 @!p0 $0x100000, s0;
	[bflag:$0x2] =	sbarrier.arrive $0xFFFF  }
0xc0: {  	[sflag:s0] =	ssyncadd.tile.s32 @!p0 $0x1;
	_ =	shalt  }
.Lfunc_end2:
_tile_overlayer_lowered:
.L_overlay_start_2:
0xc1: {  	(tag) =	ssettag $0x2  }
0xc2: {  	s0 =	rddreg [dreg:$0x0];
	s2 =	stileid.u32  }
0xc3: {  	s1 =	rddreg [dreg:$0x1];
	p0 =	sne.s32 s2, $0x0  }
0xc4: {  	s3 =	rddreg [dreg:$0x2];
	[bflag:$0x3] =	sbarrier.arrive $0xFFFF;
	s2 =	simm.s32 @!p0 $0x1C01  }
0xc5: {  	[timem:s3], [sflag:s2] =	dma.local @!p0 [hbm:s0], s1  }
0xc6: {  	s0 =	simm.s32 @!p0 $0x1  }
0xc7: {  	_ =	swait.ge @!p0 [sflag:s0], s1  }
0xc8: {  	s1 =	ssub.s32 @!p0 $0x0, s1;
	[sflag:s0] =	ssyncset.done @!p0 $0x0  }
0xc9: {  	[sflag:s0] =	ssyncadd.s32 @!p0 s1  }
0xca: {  	[bflag:$0x3] =	sbarrier.arrive $0xFFFF  }
0xcb: {  	_ =	shalt  }

</sc_bundles>
